<compile_context>
chip_gen: v7x
topology: tpu7x:2x2x1
jax: 0.10.2.dev20260603
libtpu: 0.0.44.dev20260713+nightly
codegen_flags: <defaults>
</compile_context>

<pallas_src>
import functools

import jax
import jax.numpy as jnp
from jax import lax
from jax.experimental import pallas as pl
from jax.experimental.pallas import tpu as pltpu
from jax.experimental.pallas import tpu_sc as plsc

_LANES = 16
_NC = 2
_NS = 16
_NW = _NC * _NS
_CP = 48
_CH = 80


def _transpose_tc(w48):
    cp, n = w48.shape

    def body(in_ref, out_ref):
        out_ref[...] = in_ref[...].T

    return pl.pallas_call(
        body,
        out_shape=jax.ShapeDtypeStruct((n, cp), w48.dtype),
    )(w48)


def _sc_accumulate(ei, wt):
    cpt = ei.shape[2]
    n, cp = wt.shape
    rpt = (n // _NS) // 8 * 8
    rem = n - _NS * rpt

    mesh = plsc.VectorSubcoreMesh(core_axis_name="c", subcore_axis_name="s")

    @functools.partial(
        pl.kernel,
        mesh=mesh,
        out_type=(
            jax.ShapeDtypeStruct((_NC, 2 * n + 16, cp), jnp.float32),
            jax.ShapeDtypeStruct((_NW, _LANES), jnp.int32),
        ),
        scratch_types=[
            pltpu.VMEM_SHARED((n, cp), jnp.float32),
            pltpu.VMEM((cpt, _CH), jnp.int32),
            pltpu.VMEM((cpt, _CH), jnp.int32),
            [pltpu.VMEM((_CH, cp), jnp.float32)] * 10,
            pltpu.VMEM((rpt // 8, cp), jnp.float32),
            pltpu.VMEM((_LANES,), jnp.int32),
            [pltpu.SemaphoreType.DMA] * 10,
            [pltpu.SemaphoreType.DMA] * 10,
        ],
        compiler_params=pltpu.CompilerParams(use_tc_tiling_on_sc=False),
    )
    def k1(ei_ref, wt_ref, acc_ref, min_ref, acc_s, colb, rowb, msgs, zbuf,
           minv, gsems, ssems):
        c = lax.axis_index("c")
        s = lax.axis_index("s")
        tid = c * _NS + s

        nbuf = 10
        k = 7

        def gather(j, b):
            pltpu.async_copy(wt_ref.at[colb.at[j]], msgs[b], gsems[b])

        def swait(b):
            pltpu.make_async_copy(msgs[b], acc_s.at[rowb.at[0]],
                                  ssems[b]).wait()

        pltpu.sync_copy(ei_ref.at[1, tid], colb)
        pltpu.sync_copy(ei_ref.at[0, tid], rowb)
        for j in range(k):
            gather(j, j)

        zero = jnp.zeros((_LANES,), jnp.float32)
        zrows = rpt // 8

        def zrow(r, carry):
            for u in range(cp // _LANES):
                zbuf[r, pl.ds(u * _LANES, _LANES)] = zero
            return carry

        lax.fori_loop(0, zrows, zrow, 0)
        for t in range(8):
            pltpu.async_copy(
                zbuf, acc_s.at[pl.ds(s * rpt + t * zrows, zrows), :],
                ssems[t])
        for t in range(8):
            pltpu.make_async_copy(
                zbuf, acc_s.at[pl.ds(s * rpt + t * zrows, zrows), :],
                ssems[t]).wait()

        @pl.when(s == 0)
        def _zero_tail():
            pltpu.sync_copy(zbuf.at[pl.ds(0, rem), :],
                            acc_s.at[pl.ds(_NS * rpt, rem), :])

        plsc.subcore_barrier()

        def step(i, b, mm):
            bn = (b + k) % nbuf
            pltpu.make_async_copy(
                wt_ref.at[colb.at[i]], msgs[b], gsems[b]).wait()
            pltpu.async_copy(msgs[b], acc_s.at[rowb.at[i]], ssems[b],
                             add=True)

            @pl.when(i >= nbuf - k)
            def _settle():
                swait(bn)

            @pl.when(i + k < cpt)
            def _refill():
                gather(i + k, bn)

            for u in range(_CH // _LANES):
                mm = jnp.minimum(mm, rowb[i, pl.ds(u * _LANES, _LANES)])
            return mm

        def group(g, mm):
            for b in range(nbuf):
                mm = step(g * nbuf + b, b, mm)
            return mm

        mm = lax.fori_loop(
            0, cpt // nbuf, group,
            jnp.full((_LANES,), jnp.iinfo(jnp.int32).max, jnp.int32))
        for i in range(cpt - cpt % nbuf, cpt):
            mm = step(i, i % nbuf, mm)
        for t in range(nbuf - k):
            swait((cpt - (nbuf - k) + t) % nbuf)

        minv[...] = mm
        pltpu.sync_copy(minv, min_ref.at[tid])

        plsc.subcore_barrier()
        pltpu.sync_copy(acc_s.at[pl.ds(s * rpt, rpt), :],
                        acc_ref.at[c, pl.ds(s * rpt, rpt), :])

        @pl.when(s == 0)
        def _publish_tail():
            pltpu.sync_copy(acc_s.at[pl.ds(_NS * rpt, rem), :],
                            acc_ref.at[c, pl.ds(_NS * rpt, rem), :])

    return k1(ei, wt)


def _sc_combine(acc, mins, b, n, co):
    cp = _CP
    nrt = -(-n // _NW)
    nlast = n - nrt * (_NW - 1)

    mesh = plsc.VectorSubcoreMesh(core_axis_name="c", subcore_axis_name="s")

    @functools.partial(
        pl.kernel,
        mesh=mesh,
        out_type=jax.ShapeDtypeStruct((n, co), jnp.float32),
        scratch_types=[
            pltpu.VMEM((nrt, cp), jnp.float32),
            pltpu.VMEM((nrt, cp), jnp.float32),
            pltpu.VMEM((nrt, cp), jnp.float32),
            pltpu.VMEM((cp,), jnp.float32),
            pltpu.VMEM((_NW, _LANES), jnp.int32),
            [pltpu.SemaphoreType.DMA] * 2,
        ],
        compiler_params=pltpu.CompilerParams(use_tc_tiling_on_sc=False),
    )
    def k2(acc_ref, min_ref, b_ref, out_ref, a0, a1, ob, bb, mb, asems):
        c = lax.axis_index("c")
        s = lax.axis_index("s")
        tid = c * _NS + s

        pltpu.sync_copy(min_ref, mb)
        pltpu.sync_copy(b_ref, bb.at[pl.ds(0, co)])

        def mrow(i, mm):
            return jnp.minimum(mm, mb[i, :])

        mm = lax.fori_loop(
            0, _NW, mrow,
            jnp.full((_LANES,), jnp.iinfo(jnp.int32).max, jnp.int32))
        m = mm[0]
        for j in range(1, _LANES):
            m = jnp.minimum(m, mm[j])

        r0 = tid * nrt
        d0 = pltpu.async_copy(acc_ref.at[0, pl.ds(m + r0, nrt), :], a0,
                              asems[0])
        d1 = pltpu.async_copy(acc_ref.at[1, pl.ds(m + r0, nrt), :], a1,
                              asems[1])
        d0.wait()
        d1.wait()

        nvalid = n - m

        def row(g, carry):
            valid = (r0 + g) < nvalid
            for u in range(cp // _LANES):
                o = u * _LANES
                v = a0[g, pl.ds(o, _LANES)] + a1[g, pl.ds(o, _LANES)]
                v = jnp.where(valid, v, jnp.zeros_like(v))
                ob[g, pl.ds(o, _LANES)] = v + bb[pl.ds(o, _LANES)]
            return carry

        lax.fori_loop(0, nrt, row, 0)

        @pl.when(tid < _NW - 1)
        def _store():
            pltpu.sync_copy(ob.at[:, pl.ds(0, co)],
                            out_ref.at[pl.ds(r0, nrt), :])

        @pl.when(tid == _NW - 1)
        def _store_last():
            pltpu.sync_copy(ob.at[pl.ds(0, nlast), pl.ds(0, co)],
                            out_ref.at[pl.ds(r0, nlast), :])

    return k2(acc, mins, b)


def kernel(x, edge_index, W, b):
    del x
    c, n = W.shape
    e = edge_index.shape[1]

    w48 = jnp.concatenate(
        [W, jnp.zeros((_CP - c, n), W.dtype)], axis=0)
    ei = edge_index.reshape(2, _NW, e // (_NW * _CH), _CH)

    wt = w48.T
    acc, mins = _sc_accumulate(ei, wt)
    return _sc_combine(acc, mins, b, n, c)

# --- scband reference (transcript-rebuilt; emitter-appended) ---
"""Pipeline reference for scband-link-21646635172435 (READ-ONLY COPY).

The authoritative reference and input builder live on the scoring server;
editing this copy changes nothing except your own understanding.
"""

import jax, jax.numpy as jnp
import numpy as np

N = 10000
C = 40
E = 320000
D = 128

def setup_inputs(seed: int = 0) -> dict:
    key = jax.random.key(seed)
    k1, k2, k3, k4 = jax.random.split(key, 4)
    x = jax.random.normal(k1, (N, D), dtype=jnp.float32)
    edge_index = jax.random.randint(k2, (2, E), 0, N, dtype=jnp.int32)
    # nn.Linear(num_nodes, num_classes): weight [C, N], bias [C]
    bound = 1.0 / np.sqrt(N)
    W = jax.random.uniform(k3, (C, N), jnp.float32, -bound, bound)
    b = jax.random.uniform(k4, (C,), jnp.float32, -bound, bound)
    return {"x": x, "edge_index": edge_index, "W": W, "b": b}

def reference(x, edge_index, W, b):
    # LINK: logits = A @ W.T + b, where A is the sparse adjacency built from edge_index
    row = edge_index[0]
    col = edge_index[1]
    row = row - jnp.min(row)
    # A @ W.T: each edge (r, c) with value 1 contributes W.T[c] (= W[:, c]) to output row r
    msgs = jnp.take(W.T, col, axis=0)  # [E, C] gather
    logits = jax.ops.segment_sum(msgs, row, num_segments=N)  # [N, C] scatter-add
    logits = logits + b
    return logits

if __name__ == "__main__":
    import jax
    _d = setup_inputs()
    print(jax.jit(kernel)(*tuple(_d.values())))

</pallas_src>

<mosaic_0001>
#map = affine_map<(d0, d1) -> (0, 0, 0)>
#map1 = affine_map<(d0, d1) -> (0, 0)>
#map2 = affine_map<(d0, d1) -> (0)>
module attributes {stable_mosaic.version = 14 : i64} {
  func.func @k2(%arg0: i32, %arg1: i32, %arg2: memref<2x20016x48xf32, #tpu.memory_space<hbm>>, %arg3: memref<32x16xi32, #tpu.memory_space<hbm>>, %arg4: memref<40xf32, #tpu.memory_space<hbm>>, %arg5: memref<10000x40xf32, #tpu.memory_space<hbm>>, %arg6: memref<313x48xf32, #tpu.memory_space<vmem>>, %arg7: memref<313x48xf32, #tpu.memory_space<vmem>>, %arg8: memref<313x48xf32, #tpu.memory_space<vmem>>, %arg9: memref<48xf32, #tpu.memory_space<vmem>>, %arg10: memref<32x16xi32, #tpu.memory_space<vmem>>, %arg11: memref<!tpu.dma_semaphore, #tpu.memory_space<semaphore_mem>>, %arg12: memref<!tpu.dma_semaphore, #tpu.memory_space<semaphore_mem>>) attributes {dimension_semantics = [#tpu.dimension_semantics<core_parallel>, #tpu.dimension_semantics<subcore_parallel>], iteration_bounds = array<i64: 2, 16>, scalar_prefetch = 0 : i64, scratch_operands = 7 : i64, tpu.core_type = #tpu.core_type<sc_vector_subcore>, window_params = [{transform_indices = #map}, {transform_indices = #map1}, {transform_indices = #map2}, {transform_indices = #map1}]} {
    %mul3A = arith.constant 16 : i32
    %mul3A_0 = arith.muli %arg0, %mul3A : i32
    %add3A = arith.addi %mul3A_0, %arg1 : i32
    "tpu.region"() ({
      %run_scoped3A = tpu.sem_alloc : memref<!tpu.dma_semaphore, #tpu.memory_space<semaphore_mem>>
      tpu.enqueue_dma source(%arg3 : memref<32x16xi32, #tpu.memory_space<hbm>>) target(%arg10 : memref<32x16xi32, #tpu.memory_space<vmem>>) target_semaphore(%run_scoped3A : memref<!tpu.dma_semaphore, #tpu.memory_space<semaphore_mem>>)
      tpu.wait_dma2 semaphore(%run_scoped3A : memref<!tpu.dma_semaphore, #tpu.memory_space<semaphore_mem>>) src(%arg3 : memref<32x16xi32, #tpu.memory_space<hbm>>) dst(%arg10 : memref<32x16xi32, #tpu.memory_space<vmem>>)
      tpu.yield
    }) : () -> ()
    "tpu.region"() ({
      %run_scoped3A = tpu.sem_alloc : memref<!tpu.dma_semaphore, #tpu.memory_space<semaphore_mem>>
      %dma_start3A_94 = arith.constant 0 : i32
      %dma_start3A_95 = tpu.memref_slice %arg9[%dma_start3A_94] : memref<48xf32, #tpu.memory_space<vmem>> -> memref<40xf32, #tpu.memory_space<vmem>>
      %dma_start3A_96 = arith.constant 0 : i32
      %dma_start3A_97 = tpu.memref_slice %arg9[%dma_start3A_96] : memref<48xf32, #tpu.memory_space<vmem>> -> memref<40xf32, #tpu.memory_space<vmem>>
      tpu.enqueue_dma source(%arg4 : memref<40xf32, #tpu.memory_space<hbm>>) target(%dma_start3A_97 : memref<40xf32, #tpu.memory_space<vmem>>) target_semaphore(%run_scoped3A : memref<!tpu.dma_semaphore, #tpu.memory_space<semaphore_mem>>)
      %dma_wait3A_98 = arith.constant 0 : i32
      %dma_wait3A_99 = tpu.memref_slice %arg9[%dma_wait3A_98] : memref<48xf32, #tpu.memory_space<vmem>> -> memref<40xf32, #tpu.memory_space<vmem>>
      %dma_wait3A_100 = arith.constant 0 : i32
      %dma_wait3A_101 = tpu.memref_slice %arg9[%dma_wait3A_100] : memref<48xf32, #tpu.memory_space<vmem>> -> memref<40xf32, #tpu.memory_space<vmem>>
      tpu.wait_dma2 semaphore(%run_scoped3A : memref<!tpu.dma_semaphore, #tpu.memory_space<semaphore_mem>>) src(%arg4 : memref<40xf32, #tpu.memory_space<hbm>>) dst(%dma_wait3A_101 : memref<40xf32, #tpu.memory_space<vmem>>)
      tpu.yield
    }) : () -> ()
    %broadcast_in_dim3A = arith.constant 2147483647 : i32
    %broadcast_in_dim3A_1 = vector.broadcast %broadcast_in_dim3A : i32 to vector<16xi32>
    %scan3A = arith.constant 0 : i32
    %scan3A_2 = arith.constant 32 : i32
    %scan3A_3 = arith.addi %scan3A, %scan3A_2 : i32
    %scan3A_4 = arith.constant 1 : i32
    %scan3A_5 = scf.for %scan3A_94 = %scan3A to %scan3A_3 step %scan3A_4 iter_args(%scan3A_95 = %broadcast_in_dim3A_1) -> (vector<16xi32>)  : i32 {
      %get3A = arith.index_cast %scan3A_94 : i32 to index
      %get3A_96 = arith.constant 0 : index
      %get3A_97 = tpu.vector_load %arg10[%get3A, %get3A_96] {strides = array<i32>} : memref<32x16xi32, #tpu.memory_space<vmem>>, vector<1x16xi32>,
      %get3A_98 = vector.shape_cast %get3A_97 : vector<1x16xi32> to vector<16xi32>
      %min3A_99 = arith.minsi %scan3A_95, %get3A_98 : vector<16xi32>
      scf.yield %min3A_99 : vector<16xi32>
    }
    %scan3A_6 = arith.constant 32 : i32
    %slice3A = vector.extract_strided_slice %scan3A_5 {offsets = [0], sizes = [1], strides = [1]} : vector<16xi32> to vector<1xi32>
    %squeeze3A = vector.extract %slice3A[0] : i32 from vector<1xi32>
    %slice3A_7 = vector.extract_strided_slice %scan3A_5 {offsets = [1], sizes = [1], strides = [1]} : vector<16xi32> to vector<1xi32>
    %squeeze3A_8 = vector.extract %slice3A_7[0] : i32 from vector<1xi32>
    %min3A = arith.minsi %squeeze3A, %squeeze3A_8 : i32
    %slice3A_9 = vector.extract_strided_slice %scan3A_5 {offsets = [2], sizes = [1], strides = [1]} : vector<16xi32> to vector<1xi32>
    %squeeze3A_10 = vector.extract %slice3A_9[0] : i32 from vector<1xi32>
    %min3A_11 = arith.minsi %min3A, %squeeze3A_10 : i32
    %slice3A_12 = vector.extract_strided_slice %scan3A_5 {offsets = [3], sizes = [1], strides = [1]} : vector<16xi32> to vector<1xi32>
    %squeeze3A_13 = vector.extract %slice3A_12[0] : i32 from vector<1xi32>
    %min3A_14 = arith.minsi %min3A_11, %squeeze3A_13 : i32
    %slice3A_15 = vector.extract_strided_slice %scan3A_5 {offsets = [4], sizes = [1], strides = [1]} : vector<16xi32> to vector<1xi32>
    %squeeze3A_16 = vector.extract %slice3A_15[0] : i32 from vector<1xi32>
    %min3A_17 = arith.minsi %min3A_14, %squeeze3A_16 : i32
    %slice3A_18 = vector.extract_strided_slice %scan3A_5 {offsets = [5], sizes = [1], strides = [1]} : vector<16xi32> to vector<1xi32>
    %squeeze3A_19 = vector.extract %slice3A_18[0] : i32 from vector<1xi32>
    %min3A_20 = arith.minsi %min3A_17, %squeeze3A_19 : i32
    %slice3A_21 = vector.extract_strided_slice %scan3A_5 {offsets = [6], sizes = [1], strides = [1]} : vector<16xi32> to vector<1xi32>
    %squeeze3A_22 = vector.extract %slice3A_21[0] : i32 from vector<1xi32>
    %min3A_23 = arith.minsi %min3A_20, %squeeze3A_22 : i32
    %slice3A_24 = vector.extract_strided_slice %scan3A_5 {offsets = [7], sizes = [1], strides = [1]} : vector<16xi32> to vector<1xi32>
    %squeeze3A_25 = vector.extract %slice3A_24[0] : i32 from vector<1xi32>
    %min3A_26 = arith.minsi %min3A_23, %squeeze3A_25 : i32
    %slice3A_27 = vector.extract_strided_slice %scan3A_5 {offsets = [8], sizes = [1], strides = [1]} : vector<16xi32> to vector<1xi32>
    %squeeze3A_28 = vector.extract %slice3A_27[0] : i32 from vector<1xi32>
    %min3A_29 = arith.minsi %min3A_26, %squeeze3A_28 : i32
    %slice3A_30 = vector.extract_strided_slice %scan3A_5 {offsets = [9], sizes = [1], strides = [1]} : vector<16xi32> to vector<1xi32>
    %squeeze3A_31 = vector.extract %slice3A_30[0] : i32 from vector<1xi32>
    %min3A_32 = arith.minsi %min3A_29, %squeeze3A_31 : i32
    %slice3A_33 = vector.extract_strided_slice %scan3A_5 {offsets = [10], sizes = [1], strides = [1]} : vector<16xi32> to vector<1xi32>
    %squeeze3A_34 = vector.extract %slice3A_33[0] : i32 from vector<1xi32>
    %min3A_35 = arith.minsi %min3A_32, %squeeze3A_34 : i32
    %slice3A_36 = vector.extract_strided_slice %scan3A_5 {offsets = [11], sizes = [1], strides = [1]} : vector<16xi32> to vector<1xi32>
    %squeeze3A_37 = vector.extract %slice3A_36[0] : i32 from vector<1xi32>
    %min3A_38 = arith.minsi %min3A_35, %squeeze3A_37 : i32
    %slice3A_39 = vector.extract_strided_slice %scan3A_5 {offsets = [12], sizes = [1], strides = [1]} : vector<16xi32> to vector<1xi32>
    %squeeze3A_40 = vector.extract %slice3A_39[0] : i32 from vector<1xi32>
    %min3A_41 = arith.minsi %min3A_38, %squeeze3A_40 : i32
    %slice3A_42 = vector.extract_strided_slice %scan3A_5 {offsets = [13], sizes = [1], strides = [1]} : vector<16xi32> to vector<1xi32>
    %squeeze3A_43 = vector.extract %slice3A_42[0] : i32 from vector<1xi32>
    %min3A_44 = arith.minsi %min3A_41, %squeeze3A_43 : i32
    %slice3A_45 = vector.extract_strided_slice %scan3A_5 {offsets = [14], sizes = [1], strides = [1]} : vector<16xi32> to vector<1xi32>
    %squeeze3A_46 = vector.extract %slice3A_45[0] : i32 from vector<1xi32>
    %min3A_47 = arith.minsi %min3A_44, %squeeze3A_46 : i32
    %slice3A_48 = vector.extract_strided_slice %scan3A_5 {offsets = [15], sizes = [1], strides = [1]} : vector<16xi32> to vector<1xi32>
    %squeeze3A_49 = vector.extract %slice3A_48[0] : i32 from vector<1xi32>
    %min3A_50 = arith.minsi %min3A_47, %squeeze3A_49 : i32
    %mul3A_51 = arith.constant 313 : i32
    %mul3A_52 = arith.muli %add3A, %mul3A_51 : i32
    %add3A_53 = arith.addi %min3A_50, %mul3A_52 : i32
    %dma_start3A = arith.constant 0 : i32
    %dma_start3A_54 = arith.constant 0 : i32
    %dma_start3A_55 = tpu.memref_slice %arg2[%dma_start3A, %add3A_53, %dma_start3A_54] : memref<2x20016x48xf32, #tpu.memory_space<hbm>> -> memref<1x313x48xf32, #tpu.memory_space<hbm>>
    %dma_start3A_56 = tpu.memref_squeeze %dma_start3A_55 : memref<1x313x48xf32, #tpu.memory_space<hbm>> -> memref<313x48xf32, #tpu.memory_space<hbm>>
    %dma_start3A_57 = arith.constant 0 : i32
    %dma_start3A_58 = tpu.memref_slice %arg2[%dma_start3A, %add3A_53, %dma_start3A_57] : memref<2x20016x48xf32, #tpu.memory_space<hbm>> -> memref<1x313x48xf32, #tpu.memory_space<hbm>>
    %dma_start3A_59 = tpu.memref_squeeze %dma_start3A_58 : memref<1x313x48xf32, #tpu.memory_space<hbm>> -> memref<313x48xf32, #tpu.memory_space<hbm>>
    tpu.enqueue_dma source(%dma_start3A_59 : memref<313x48xf32, #tpu.memory_space<hbm>>) target(%arg6 : memref<313x48xf32, #tpu.memory_space<vmem>>) target_semaphore(%arg11 : memref<!tpu.dma_semaphore, #tpu.memory_space<semaphore_mem>>)
    %add3A_60 = arith.addi %min3A_50, %mul3A_52 : i32
    %dma_start3A_61 = arith.constant 1 : i32
    %dma_start3A_62 = arith.constant 0 : i32
    %dma_start3A_63 = tpu.memref_slice %arg2[%dma_start3A_61, %add3A_60, %dma_start3A_62] : memref<2x20016x48xf32, #tpu.memory_space<hbm>> -> memref<1x313x48xf32, #tpu.memory_space<hbm>>
    %dma_start3A_64 = tpu.memref_squeeze %dma_start3A_63 : memref<1x313x48xf32, #tpu.memory_space<hbm>> -> memref<313x48xf32, #tpu.memory_space<hbm>>
    %dma_start3A_65 = arith.constant 0 : i32
    %dma_start3A_66 = tpu.memref_slice %arg2[%dma_start3A_61, %add3A_60, %dma_start3A_65] : memref<2x20016x48xf32, #tpu.memory_space<hbm>> -> memref<1x313x48xf32, #tpu.memory_space<hbm>>
    %dma_start3A_67 = tpu.memref_squeeze %dma_start3A_66 : memref<1x313x48xf32, #tpu.memory_space<hbm>> -> memref<313x48xf32, #tpu.memory_space<hbm>>
    tpu.enqueue_dma source(%dma_start3A_67 : memref<313x48xf32, #tpu.memory_space<hbm>>) target(%arg7 : memref<313x48xf32, #tpu.memory_space<vmem>>) target_semaphore(%arg12 : memref<!tpu.dma_semaphore, #tpu.memory_space<semaphore_mem>>)
    %dma_wait3A = arith.constant 0 : i32
    %dma_wait3A_68 = arith.constant 0 : i32
    %dma_wait3A_69 = tpu.memref_slice %arg2[%dma_wait3A, %add3A_53, %dma_wait3A_68] : memref<2x20016x48xf32, #tpu.memory_space<hbm>> -> memref<1x313x48xf32, #tpu.memory_space<hbm>>
    %dma_wait3A_70 = tpu.memref_squeeze %dma_wait3A_69 : memref<1x313x48xf32, #tpu.memory_space<hbm>> -> memref<313x48xf32, #tpu.memory_space<hbm>>
    %dma_wait3A_71 = arith.constant 0 : i32
    %dma_wait3A_72 = tpu.memref_slice %arg2[%dma_wait3A, %add3A_53, %dma_wait3A_71] : memref<2x20016x48xf32, #tpu.memory_space<hbm>> -> memref<1x313x48xf32, #tpu.memory_space<hbm>>
    %dma_wait3A_73 = tpu.memref_squeeze %dma_wait3A_72 : memref<1x313x48xf32, #tpu.memory_space<hbm>> -> memref<313x48xf32, #tpu.memory_space<hbm>>
    tpu.wait_dma2 semaphore(%arg11 : memref<!tpu.dma_semaphore, #tpu.memory_space<semaphore_mem>>) src(%dma_wait3A_73 : memref<313x48xf32, #tpu.memory_space<hbm>>) dst(%arg6 : memref<313x48xf32, #tpu.memory_space<vmem>>)
    %dma_wait3A_74 = arith.constant 1 : i32
    %dma_wait3A_75 = arith.constant 0 : i32
    %dma_wait3A_76 = tpu.memref_slice %arg2[%dma_wait3A_74, %add3A_60, %dma_wait3A_75] : memref<2x20016x48xf32, #tpu.memory_space<hbm>> -> memref<1x313x48xf32, #tpu.memory_space<hbm>>
    %dma_wait3A_77 = tpu.memref_squeeze %dma_wait3A_76 : memref<1x313x48xf32, #tpu.memory_space<hbm>> -> memref<313x48xf32, #tpu.memory_space<hbm>>
    %dma_wait3A_78 = arith.constant 0 : i32
    %dma_wait3A_79 = tpu.memref_slice %arg2[%dma_wait3A_74, %add3A_60, %dma_wait3A_78] : memref<2x20016x48xf32, #tpu.memory_space<hbm>> -> memref<1x313x48xf32, #tpu.memory_space<hbm>>
    %dma_wait3A_80 = tpu.memref_squeeze %dma_wait3A_79 : memref<1x313x48xf32, #tpu.memory_space<hbm>> -> memref<313x48xf32, #tpu.memory_space<hbm>>
    tpu.wait_dma2 semaphore(%arg12 : memref<!tpu.dma_semaphore, #tpu.memory_space<semaphore_mem>>) src(%dma_wait3A_80 : memref<313x48xf32, #tpu.memory_space<hbm>>) dst(%arg7 : memref<313x48xf32, #tpu.memory_space<vmem>>)
    %sub3A = arith.constant 10000 : i32
    %sub3A_81 = arith.subi %sub3A, %min3A_50 : i32
    %scan3A_82 = arith.constant 0 : i32
    %scan3A_83 = arith.constant 0 : i32
    %scan3A_84 = arith.constant 313 : i32
    %scan3A_85 = arith.addi %scan3A_83, %scan3A_84 : i32
    %scan3A_86 = arith.constant 1 : i32
    scf.for %scan3A_94 = %scan3A_83 to %scan3A_85 step %scan3A_86  : i32 {
      %add3A_95 = arith.addi %mul3A_52, %scan3A_94 : i32
      %lt3A_96 = arith.cmpi slt, %add3A_95, %sub3A_81 : i32
      %get3A = arith.index_cast %scan3A_94 : i32 to index
      %get3A_97 = arith.constant 0 : index
      %get3A_98 = tpu.vector_load %arg6[%get3A, %get3A_97] {strides = array<i32>} : memref<313x48xf32, #tpu.memory_space<vmem>>, vector<1x16xf32>,
      %get3A_99 = vector.shape_cast %get3A_98 : vector<1x16xf32> to vector<16xf32>
      %get3A_100 = arith.index_cast %scan3A_94 : i32 to index
      %get3A_101 = arith.constant 0 : index
      %get3A_102 = tpu.vector_load %arg7[%get3A_100, %get3A_101] {strides = array<i32>} : memref<313x48xf32, #tpu.memory_space<vmem>>, vector<1x16xf32>,
      %get3A_103 = vector.shape_cast %get3A_102 : vector<1x16xf32> to vector<16xf32>
      %add3A_104 = arith.addf %get3A_99, %get3A_103 : vector<16xf32>
      %broadcast_in_dim3A_105 = arith.constant 0.000000e+00 : f32
      %broadcast_in_dim3A_106 = vector.broadcast %broadcast_in_dim3A_105 : f32 to vector<16xf32>
      %select_n3A = arith.select %lt3A_96, %add3A_104, %broadcast_in_dim3A_106 : vector<16xf32>
      %get3A_107 = arith.constant 0 : index
      %get3A_108 = tpu.vector_load %arg9[%get3A_107] {strides = array<i32>} : memref<48xf32, #tpu.memory_space<vmem>>, vector<16xf32>,
      %get3A_109 = vector.shape_cast %get3A_108 : vector<16xf32> to vector<16xf32>
      %add3A_110 = arith.addf %select_n3A, %get3A_109 : vector<16xf32>
      %swap3A = arith.index_cast %scan3A_94 : i32 to index
      %swap3A_111 = arith.constant 0 : index
      %swap3A_112 = tpu.vector_load %arg8[%swap3A, %swap3A_111] {strides = array<i32>} : memref<313x48xf32, #tpu.memory_space<vmem>>, vector<1x16xf32>,
      %swap3A_113 = vector.shape_cast %swap3A_112 : vector<1x16xf32> to vector<16xf32>
      %swap3A_114 = vector.shape_cast %add3A_110 : vector<16xf32> to vector<1x16xf32>
      tpu.vector_store %arg8[%swap3A, %swap3A_111], %swap3A_114 {strides = array<i32>} : memref<313x48xf32, #tpu.memory_space<vmem>>, vector<1x16xf32>,
      %get3A_115 = arith.index_cast %scan3A_94 : i32 to index
      %get3A_116 = arith.constant 16 : index
      %get3A_117 = tpu.vector_load %arg6[%get3A_115, %get3A_116] {strides = array<i32>} : memref<313x48xf32, #tpu.memory_space<vmem>>, vector<1x16xf32>,
      %get3A_118 = vector.shape_cast %get3A_117 : vector<1x16xf32> to vector<16xf32>
      %get3A_119 = arith.index_cast %scan3A_94 : i32 to index
      %get3A_120 = arith.constant 16 : index
      %get3A_121 = tpu.vector_load %arg7[%get3A_119, %get3A_120] {strides = array<i32>} : memref<313x48xf32, #tpu.memory_space<vmem>>, vector<1x16xf32>,
      %get3A_122 = vector.shape_cast %get3A_121 : vector<1x16xf32> to vector<16xf32>
      %add3A_123 = arith.addf %get3A_118, %get3A_122 : vector<16xf32>
      %broadcast_in_dim3A_124 = arith.constant 0.000000e+00 : f32
      %broadcast_in_dim3A_125 = vector.broadcast %broadcast_in_dim3A_124 : f32 to vector<16xf32>
      %select_n3A_126 = arith.select %lt3A_96, %add3A_123, %broadcast_in_dim3A_125 : vector<16xf32>
      %get3A_127 = arith.constant 16 : index
      %get3A_128 = tpu.vector_load %arg9[%get3A_127] {strides = array<i32>} : memref<48xf32, #tpu.memory_space<vmem>>, vector<16xf32>,
      %get3A_129 = vector.shape_cast %get3A_128 : vector<16xf32> to vector<16xf32>
      %add3A_130 = arith.addf %select_n3A_126, %get3A_129 : vector<16xf32>
      %swap3A_131 = arith.index_cast %scan3A_94 : i32 to index
      %swap3A_132 = arith.constant 16 : index
      %swap3A_133 = tpu.vector_load %arg8[%swap3A_131, %swap3A_132] {strides = array<i32>} : memref<313x48xf32, #tpu.memory_space<vmem>>, vector<1x16xf32>,
      %swap3A_134 = vector.shape_cast %swap3A_133 : vector<1x16xf32> to vector<16xf32>
      %swap3A_135 = vector.shape_cast %add3A_130 : vector<16xf32> to vector<1x16xf32>
      tpu.vector_store %arg8[%swap3A_131, %swap3A_132], %swap3A_135 {strides = array<i32>} : memref<313x48xf32, #tpu.memory_space<vmem>>, vector<1x16xf32>,
      %get3A_136 = arith.index_cast %scan3A_94 : i32 to index
      %get3A_137 = arith.constant 32 : index
      %get3A_138 = tpu.vector_load %arg6[%get3A_136, %get3A_137] {strides = array<i32>} : memref<313x48xf32, #tpu.memory_space<vmem>>, vector<1x16xf32>,
      %get3A_139 = vector.shape_cast %get3A_138 : vector<1x16xf32> to vector<16xf32>
      %get3A_140 = arith.index_cast %scan3A_94 : i32 to index
      %get3A_141 = arith.constant 32 : index
      %get3A_142 = tpu.vector_load %arg7[%get3A_140, %get3A_141] {strides = array<i32>} : memref<313x48xf32, #tpu.memory_space<vmem>>, vector<1x16xf32>,
      %get3A_143 = vector.shape_cast %get3A_142 : vector<1x16xf32> to vector<16xf32>
      %add3A_144 = arith.addf %get3A_139, %get3A_143 : vector<16xf32>
      %broadcast_in_dim3A_145 = arith.constant 0.000000e+00 : f32
      %broadcast_in_dim3A_146 = vector.broadcast %broadcast_in_dim3A_145 : f32 to vector<16xf32>
      %select_n3A_147 = arith.select %lt3A_96, %add3A_144, %broadcast_in_dim3A_146 : vector<16xf32>
      %get3A_148 = arith.constant 32 : index
      %get3A_149 = tpu.vector_load %arg9[%get3A_148] {strides = array<i32>} : memref<48xf32, #tpu.memory_space<vmem>>, vector<16xf32>,
      %get3A_150 = vector.shape_cast %get3A_149 : vector<16xf32> to vector<16xf32>
      %add3A_151 = arith.addf %select_n3A_147, %get3A_150 : vector<16xf32>
      %swap3A_152 = arith.index_cast %scan3A_94 : i32 to index
      %swap3A_153 = arith.constant 32 : index
      %swap3A_154 = tpu.vector_load %arg8[%swap3A_152, %swap3A_153] {strides = array<i32>} : memref<313x48xf32, #tpu.memory_space<vmem>>, vector<1x16xf32>,
      %swap3A_155 = vector.shape_cast %swap3A_154 : vector<1x16xf32> to vector<16xf32>
      %swap3A_156 = vector.shape_cast %add3A_151 : vector<16xf32> to vector<1x16xf32>
      tpu.vector_store %arg8[%swap3A_152, %swap3A_153], %swap3A_156 {strides = array<i32>} : memref<313x48xf32, #tpu.memory_space<vmem>>, vector<1x16xf32>,
    }
    %scan3A_87 = arith.constant 313 : i32
    %lt3A = arith.constant 31 : i32
    %lt3A_88 = arith.cmpi slt, %add3A, %lt3A : i32
    %convert_element_type3A = arith.extui %lt3A_88 : i1 to i32
    %cond3A = arith.constant 0 : i32
    %cond3A_89 = arith.cmpi ne, %convert_element_type3A, %cond3A : i32
    scf.if %cond3A_89 {
      "tpu.region"() ({
        %run_scoped3A = tpu.sem_alloc : memref<!tpu.dma_semaphore, #tpu.memory_space<semaphore_mem>>
        %dma_start3A_94 = arith.constant 0 : i32
        %dma_start3A_95 = arith.constant 0 : i32
        %dma_start3A_96 = tpu.memref_slice %arg8[%dma_start3A_94, %dma_start3A_95] : memref<313x48xf32, #tpu.memory_space<vmem>> -> memref<313x40xf32, #tpu.memory_space<vmem>>
        %dma_start3A_97 = arith.constant 0 : i32
        %dma_start3A_98 = tpu.memref_slice %arg5[%mul3A_52, %dma_start3A_97] : memref<10000x40xf32, #tpu.memory_space<hbm>> -> memref<313x40xf32, #tpu.memory_space<hbm>>
        %dma_start3A_99 = arith.constant 0 : i32
        %dma_start3A_100 = tpu.memref_slice %arg5[%mul3A_52, %dma_start3A_99] : memref<10000x40xf32, #tpu.memory_space<hbm>> -> memref<313x40xf32, #tpu.memory_space<hbm>>
        %dma_start3A_101 = arith.constant 0 : i32
        %dma_start3A_102 = arith.constant 0 : i32
        %dma_start3A_103 = tpu.memref_slice %arg8[%dma_start3A_101, %dma_start3A_102] : memref<313x48xf32, #tpu.memory_space<vmem>> -> memref<313x40xf32, #tpu.memory_space<vmem>>
        tpu.enqueue_dma source(%dma_start3A_103 : memref<313x40xf32, #tpu.memory_space<vmem>>) target(%dma_start3A_100 : memref<313x40xf32, #tpu.memory_space<hbm>>) target_semaphore(%run_scoped3A : memref<!tpu.dma_semaphore, #tpu.memory_space<semaphore_mem>>)
        %dma_wait3A_104 = arith.constant 0 : i32
        %dma_wait3A_105 = arith.constant 0 : i32
        %dma_wait3A_106 = tpu.memref_slice %arg8[%dma_wait3A_104, %dma_wait3A_105] : memref<313x48xf32, #tpu.memory_space<vmem>> -> memref<313x40xf32, #tpu.memory_space<vmem>>
        %dma_wait3A_107 = arith.constant 0 : i32
        %dma_wait3A_108 = tpu.memref_slice %arg5[%mul3A_52, %dma_wait3A_107] : memref<10000x40xf32, #tpu.memory_space<hbm>> -> memref<313x40xf32, #tpu.memory_space<hbm>>
        %dma_wait3A_109 = arith.constant 0 : i32
        %dma_wait3A_110 = tpu.memref_slice %arg5[%mul3A_52, %dma_wait3A_109] : memref<10000x40xf32, #tpu.memory_space<hbm>> -> memref<313x40xf32, #tpu.memory_space<hbm>>
        %dma_wait3A_111 = arith.constant 0 : i32
        %dma_wait3A_112 = arith.constant 0 : i32
        %dma_wait3A_113 = tpu.memref_slice %arg8[%dma_wait3A_111, %dma_wait3A_112] : memref<313x48xf32, #tpu.memory_space<vmem>> -> memref<313x40xf32, #tpu.memory_space<vmem>>
        tpu.wait_dma2 semaphore(%run_scoped3A : memref<!tpu.dma_semaphore, #tpu.memory_space<semaphore_mem>>) src(%dma_wait3A_113 : memref<313x40xf32, #tpu.memory_space<vmem>>) dst(%dma_wait3A_110 : memref<313x40xf32, #tpu.memory_space<hbm>>)
        tpu.yield
      }) : () -> ()
    } else {
    }
    %eq3A = arith.constant 31 : i32
    %eq3A_90 = arith.cmpi eq, %add3A, %eq3A : i32
    %convert_element_type3A_91 = arith.extui %eq3A_90 : i1 to i32
    %cond3A_92 = arith.constant 0 : i32
    %cond3A_93 = arith.cmpi ne, %convert_element_type3A_91, %cond3A_92 : i32
    scf.if %cond3A_93 {
      "tpu.region"() ({
        %run_scoped3A = tpu.sem_alloc : memref<!tpu.dma_semaphore, #tpu.memory_space<semaphore_mem>>
        %dma_start3A_94 = arith.constant 0 : i32
        %dma_start3A_95 = arith.constant 0 : i32
        %dma_start3A_96 = tpu.memref_slice %arg8[%dma_start3A_94, %dma_start3A_95] : memref<313x48xf32, #tpu.memory_space<vmem>> -> memref<297x40xf32, #tpu.memory_space<vmem>>
        %dma_start3A_97 = arith.constant 0 : i32
        %dma_start3A_98 = tpu.memref_slice %arg5[%mul3A_52, %dma_start3A_97] : memref<10000x40xf32, #tpu.memory_space<hbm>> -> memref<297x40xf32, #tpu.memory_space<hbm>>
        %dma_start3A_99 = arith.constant 0 : i32
        %dma_start3A_100 = tpu.memref_slice %arg5[%mul3A_52, %dma_start3A_99] : memref<10000x40xf32, #tpu.memory_space<hbm>> -> memref<297x40xf32, #tpu.memory_space<hbm>>
        %dma_start3A_101 = arith.constant 0 : i32
        %dma_start3A_102 = arith.constant 0 : i32
        %dma_start3A_103 = tpu.memref_slice %arg8[%dma_start3A_101, %dma_start3A_102] : memref<313x48xf32, #tpu.memory_space<vmem>> -> memref<297x40xf32, #tpu.memory_space<vmem>>
        tpu.enqueue_dma source(%dma_start3A_103 : memref<297x40xf32, #tpu.memory_space<vmem>>) target(%dma_start3A_100 : memref<297x40xf32, #tpu.memory_space<hbm>>) target_semaphore(%run_scoped3A : memref<!tpu.dma_semaphore, #tpu.memory_space<semaphore_mem>>)
        %dma_wait3A_104 = arith.constant 0 : i32
        %dma_wait3A_105 = arith.constant 0 : i32
        %dma_wait3A_106 = tpu.memref_slice %arg8[%dma_wait3A_104, %dma_wait3A_105] : memref<313x48xf32, #tpu.memory_space<vmem>> -> memref<297x40xf32, #tpu.memory_space<vmem>>
        %dma_wait3A_107 = arith.constant 0 : i32
        %dma_wait3A_108 = tpu.memref_slice %arg5[%mul3A_52, %dma_wait3A_107] : memref<10000x40xf32, #tpu.memory_space<hbm>> -> memref<297x40xf32, #tpu.memory_space<hbm>>
        %dma_wait3A_109 = arith.constant 0 : i32
        %dma_wait3A_110 = tpu.memref_slice %arg5[%mul3A_52, %dma_wait3A_109] : memref<10000x40xf32, #tpu.memory_space<hbm>> -> memref<297x40xf32, #tpu.memory_space<hbm>>
        %dma_wait3A_111 = arith.constant 0 : i32
        %dma_wait3A_112 = arith.constant 0 : i32
        %dma_wait3A_113 = tpu.memref_slice %arg8[%dma_wait3A_111, %dma_wait3A_112] : memref<313x48xf32, #tpu.memory_space<vmem>> -> memref<297x40xf32, #tpu.memory_space<vmem>>
        tpu.wait_dma2 semaphore(%run_scoped3A : memref<!tpu.dma_semaphore, #tpu.memory_space<semaphore_mem>>) src(%dma_wait3A_113 : memref<297x40xf32, #tpu.memory_space<vmem>>) dst(%dma_wait3A_110 : memref<297x40xf32, #tpu.memory_space<hbm>>)
        tpu.yield
      }) : () -> ()
    } else {
    }
    return
  }
}

#map = affine_map<(d0, d1) -> (0, 0, 0, 0)>
#map1 = affine_map<(d0, d1) -> (0, 0)>
#map2 = affine_map<(d0, d1) -> (0, 0, 0)>
module attributes {stable_mosaic.version = 14 : i64} {
  func.func @k1(%arg0: i32, %arg1: i32, %arg2: memref<2x32x125x80xi32, #tpu.memory_space<hbm>>, %arg3: memref<10000x48xf32, #tpu.memory_space<hbm>>, %arg4: memref<2x20016x48xf32, #tpu.memory_space<hbm>>, %arg5: memref<32x16xi32, #tpu.memory_space<hbm>>, %arg6: memref<10000x48xf32, #tpu.memory_space<vmem_shared>>, %arg7: memref<125x80xi32, #tpu.memory_space<vmem>>, %arg8: memref<125x80xi32, #tpu.memory_space<vmem>>, %arg9: memref<80x48xf32, #tpu.memory_space<vmem>>, %arg10: memref<80x48xf32, #tpu.memory_space<vmem>>, %arg11: memref<80x48xf32, #tpu.memory_space<vmem>>, %arg12: memref<80x48xf32, #tpu.memory_space<vmem>>, %arg13: memref<80x48xf32, #tpu.memory_space<vmem>>, %arg14: memref<80x48xf32, #tpu.memory_space<vmem>>, %arg15: memref<80x48xf32, #tpu.memory_space<vmem>>, %arg16: memref<80x48xf32, #tpu.memory_space<vmem>>, %arg17: memref<80x48xf32, #tpu.memory_space<vmem>>, %arg18: memref<80x48xf32, #tpu.memory_space<vmem>>, %arg19: memref<78x48xf32, #tpu.memory_space<vmem>>, %arg20: memref<16xi32, #tpu.memory_space<vmem>>, %arg21: memref<!tpu.dma_semaphore, #tpu.memory_space<semaphore_mem>>, %arg22: memref<!tpu.dma_semaphore, #tpu.memory_space<semaphore_mem>>, %arg23: memref<!tpu.dma_semaphore, #tpu.memory_space<semaphore_mem>>, %arg24: memref<!tpu.dma_semaphore, #tpu.memory_space<semaphore_mem>>, %arg25: memref<!tpu.dma_semaphore, #tpu.memory_space<semaphore_mem>>, %arg26: memref<!tpu.dma_semaphore, #tpu.memory_space<semaphore_mem>>, %arg27: memref<!tpu.dma_semaphore, #tpu.memory_space<semaphore_mem>>, %arg28: memref<!tpu.dma_semaphore, #tpu.memory_space<semaphore_mem>>, %arg29: memref<!tpu.dma_semaphore, #tpu.memory_space<semaphore_mem>>, %arg30: memref<!tpu.dma_semaphore, #tpu.memory_space<semaphore_mem>>, %arg31: memref<!tpu.dma_semaphore, #tpu.memory_space<semaphore_mem>>, %arg32: memref<!tpu.dma_semaphore, #tpu.memory_space<semaphore_mem>>, %arg33: memref<!tpu.dma_semaphore, #tpu.memory_space<semaphore_mem>>, %arg34: memref<!tpu.dma_semaphore, #tpu.memory_space<semaphore_mem>>, %arg35: memref<!tpu.dma_semaphore, #tpu.memory_space<semaphore_mem>>, %arg36: memref<!tpu.dma_semaphore, #tpu.memory_space<semaphore_mem>>, %arg37: memref<!tpu.dma_semaphore, #tpu.memory_space<semaphore_mem>>, %arg38: memref<!tpu.dma_semaphore, #tpu.memory_space<semaphore_mem>>, %arg39: memref<!tpu.dma_semaphore, #tpu.memory_space<semaphore_mem>>, %arg40: memref<!tpu.dma_semaphore, #tpu.memory_space<semaphore_mem>>) attributes {dimension_semantics = [#tpu.dimension_semantics<core_parallel>, #tpu.dimension_semantics<subcore_parallel>], iteration_bounds = array<i64: 2, 16>, scalar_prefetch = 0 : i64, scratch_operands = 35 : i64, tpu.core_type = #tpu.core_type<sc_vector_subcore>, window_params = [{transform_indices = #map}, {transform_indices = #map1}, {transform_indices = #map2}, {transform_indices = #map1}]} {
    %mul3A = arith.constant 16 : i32
    %mul3A_0 = arith.muli %arg0, %mul3A : i32
    %add3A = arith.addi %mul3A_0, %arg1 : i32
    %run_scoped3A = arith.constant 1 : i32
    "tpu.region"() ({
      %run_scoped3A_480 = tpu.sem_alloc : memref<!tpu.dma_semaphore, #tpu.memory_space<semaphore_mem>>
      %dma_start3A_481 = arith.constant 0 : i32
      %dma_start3A_482 = arith.constant 0 : i32
      %dma_start3A_483 = tpu.memref_slice %arg2[%run_scoped3A, %add3A, %dma_start3A_481, %dma_start3A_482] : memref<2x32x125x80xi32, #tpu.memory_space<hbm>> -> memref<1x1x125x80xi32, #tpu.memory_space<hbm>>
      %dma_start3A_484 = tpu.memref_squeeze %dma_start3A_483 : memref<1x1x125x80xi32, #tpu.memory_space<hbm>> -> memref<125x80xi32, #tpu.memory_space<hbm>>
      %dma_start3A_485 = arith.constant 0 : i32
      %dma_start3A_486 = arith.constant 0 : i32
      %dma_start3A_487 = tpu.memref_slice %arg2[%run_scoped3A, %add3A, %dma_start3A_485, %dma_start3A_486] : memref<2x32x125x80xi32, #tpu.memory_space<hbm>> -> memref<1x1x125x80xi32, #tpu.memory_space<hbm>>
      %dma_start3A_488 = tpu.memref_squeeze %dma_start3A_487 : memref<1x1x125x80xi32, #tpu.memory_space<hbm>> -> memref<125x80xi32, #tpu.memory_space<hbm>>
      tpu.enqueue_dma source(%dma_start3A_488 : memref<125x80xi32, #tpu.memory_space<hbm>>) target(%arg7 : memref<125x80xi32, #tpu.memory_space<vmem>>) target_semaphore(%run_scoped3A_480 : memref<!tpu.dma_semaphore, #tpu.memory_space<semaphore_mem>>)
      %dma_wait3A_489 = arith.constant 0 : i32
      %dma_wait3A_490 = arith.constant 0 : i32
      %dma_wait3A_491 = tpu.memref_slice %arg2[%run_scoped3A, %add3A, %dma_wait3A_489, %dma_wait3A_490] : memref<2x32x125x80xi32, #tpu.memory_space<hbm>> -> memref<1x1x125x80xi32, #tpu.memory_space<hbm>>
      %dma_wait3A_492 = tpu.memref_squeeze %dma_wait3A_491 : memref<1x1x125x80xi32, #tpu.memory_space<hbm>> -> memref<125x80xi32, #tpu.memory_space<hbm>>
      %dma_wait3A_493 = arith.constant 0 : i32
      %dma_wait3A_494 = arith.constant 0 : i32
      %dma_wait3A_495 = tpu.memref_slice %arg2[%run_scoped3A, %add3A, %dma_wait3A_493, %dma_wait3A_494] : memref<2x32x125x80xi32, #tpu.memory_space<hbm>> -> memref<1x1x125x80xi32, #tpu.memory_space<hbm>>
      %dma_wait3A_496 = tpu.memref_squeeze %dma_wait3A_495 : memref<1x1x125x80xi32, #tpu.memory_space<hbm>> -> memref<125x80xi32, #tpu.memory_space<hbm>>
      tpu.wait_dma2 semaphore(%run_scoped3A_480 : memref<!tpu.dma_semaphore, #tpu.memory_space<semaphore_mem>>) src(%dma_wait3A_496 : memref<125x80xi32, #tpu.memory_space<hbm>>) dst(%arg7 : memref<125x80xi32, #tpu.memory_space<vmem>>)
      tpu.yield
    }) : () -> ()
    %run_scoped3A_1 = arith.constant 0 : i32
    "tpu.region"() ({
      %run_scoped3A_480 = tpu.sem_alloc : memref<!tpu.dma_semaphore, #tpu.memory_space<semaphore_mem>>
      %dma_start3A_481 = arith.constant 0 : i32
      %dma_start3A_482 = arith.constant 0 : i32
      %dma_start3A_483 = tpu.memref_slice %arg2[%run_scoped3A_1, %add3A, %dma_start3A_481, %dma_start3A_482] : memref<2x32x125x80xi32, #tpu.memory_space<hbm>> -> memref<1x1x125x80xi32, #tpu.memory_space<hbm>>
      %dma_start3A_484 = tpu.memref_squeeze %dma_start3A_483 : memref<1x1x125x80xi32, #tpu.memory_space<hbm>> -> memref<125x80xi32, #tpu.memory_space<hbm>>
      %dma_start3A_485 = arith.constant 0 : i32
      %dma_start3A_486 = arith.constant 0 : i32
      %dma_start3A_487 = tpu.memref_slice %arg2[%run_scoped3A_1, %add3A, %dma_start3A_485, %dma_start3A_486] : memref<2x32x125x80xi32, #tpu.memory_space<hbm>> -> memref<1x1x125x80xi32, #tpu.memory_space<hbm>>
      %dma_start3A_488 = tpu.memref_squeeze %dma_start3A_487 : memref<1x1x125x80xi32, #tpu.memory_space<hbm>> -> memref<125x80xi32, #tpu.memory_space<hbm>>
      tpu.enqueue_dma source(%dma_start3A_488 : memref<125x80xi32, #tpu.memory_space<hbm>>) target(%arg8 : memref<125x80xi32, #tpu.memory_space<vmem>>) target_semaphore(%run_scoped3A_480 : memref<!tpu.dma_semaphore, #tpu.memory_space<semaphore_mem>>)
      %dma_wait3A_489 = arith.constant 0 : i32
      %dma_wait3A_490 = arith.constant 0 : i32
      %dma_wait3A_491 = tpu.memref_slice %arg2[%run_scoped3A_1, %add3A, %dma_wait3A_489, %dma_wait3A_490] : memref<2x32x125x80xi32, #tpu.memory_space<hbm>> -> memref<1x1x125x80xi32, #tpu.memory_space<hbm>>
      %dma_wait3A_492 = tpu.memref_squeeze %dma_wait3A_491 : memref<1x1x125x80xi32, #tpu.memory_space<hbm>> -> memref<125x80xi32, #tpu.memory_space<hbm>>
      %dma_wait3A_493 = arith.constant 0 : i32
      %dma_wait3A_494 = arith.constant 0 : i32
      %dma_wait3A_495 = tpu.memref_slice %arg2[%run_scoped3A_1, %add3A, %dma_wait3A_493, %dma_wait3A_494] : memref<2x32x125x80xi32, #tpu.memory_space<hbm>> -> memref<1x1x125x80xi32, #tpu.memory_space<hbm>>
      %dma_wait3A_496 = tpu.memref_squeeze %dma_wait3A_495 : memref<1x1x125x80xi32, #tpu.memory_space<hbm>> -> memref<125x80xi32, #tpu.memory_space<hbm>>
      tpu.wait_dma2 semaphore(%run_scoped3A_480 : memref<!tpu.dma_semaphore, #tpu.memory_space<semaphore_mem>>) src(%dma_wait3A_496 : memref<125x80xi32, #tpu.memory_space<hbm>>) dst(%arg8 : memref<125x80xi32, #tpu.memory_space<vmem>>)
      tpu.yield
    }) : () -> ()
    %dma_start3A = arith.constant 0 : i32
    %dma_start3A_2 = arith.constant 0 : i32
    %dma_start3A_3 = tpu.memref_slice %arg7[%dma_start3A, %dma_start3A_2] : memref<125x80xi32, #tpu.memory_space<vmem>> -> memref<1x80xi32, #tpu.memory_space<vmem>>
    %dma_start3A_4 = tpu.memref_squeeze %dma_start3A_3 : memref<1x80xi32, #tpu.memory_space<vmem>> -> memref<80xi32, #tpu.memory_space<vmem>>
    %dma_start3A_5 = arith.constant 0 : i32
    %dma_start3A_6 = arith.constant 0 : i32
    %dma_start3A_7 = tpu.memref_slice %arg3[%dma_start3A_5, %dma_start3A_6] : memref<10000x48xf32, #tpu.memory_space<hbm>> -> memref<10000x48xf32, #tpu.memory_space<hbm>>
    tpu.enqueue_indirect_dma source(%dma_start3A_7 : memref<10000x48xf32, #tpu.memory_space<hbm>>) target(%arg9 : memref<80x48xf32, #tpu.memory_space<vmem>>) offsets(%dma_start3A_4 : memref<80xi32, #tpu.memory_space<vmem>>) semaphore(%arg21 : memref<!tpu.dma_semaphore, #tpu.memory_space<semaphore_mem>>)
    %dma_start3A_8 = arith.constant 1 : i32
    %dma_start3A_9 = arith.constant 0 : i32
    %dma_start3A_10 = tpu.memref_slice %arg7[%dma_start3A_8, %dma_start3A_9] : memref<125x80xi32, #tpu.memory_space<vmem>> -> memref<1x80xi32, #tpu.memory_space<vmem>>
    %dma_start3A_11 = tpu.memref_squeeze %dma_start3A_10 : memref<1x80xi32, #tpu.memory_space<vmem>> -> memref<80xi32, #tpu.memory_space<vmem>>
    %dma_start3A_12 = arith.constant 0 : i32
    %dma_start3A_13 = arith.constant 0 : i32
    %dma_start3A_14 = tpu.memref_slice %arg3[%dma_start3A_12, %dma_start3A_13] : memref<10000x48xf32, #tpu.memory_space<hbm>> -> memref<10000x48xf32, #tpu.memory_space<hbm>>
    tpu.enqueue_indirect_dma source(%dma_start3A_14 : memref<10000x48xf32, #tpu.memory_space<hbm>>) target(%arg10 : memref<80x48xf32, #tpu.memory_space<vmem>>) offsets(%dma_start3A_11 : memref<80xi32, #tpu.memory_space<vmem>>) semaphore(%arg22 : memref<!tpu.dma_semaphore, #tpu.memory_space<semaphore_mem>>)
    %dma_start3A_15 = arith.constant 2 : i32
    %dma_start3A_16 = arith.constant 0 : i32
    %dma_start3A_17 = tpu.memref_slice %arg7[%dma_start3A_15, %dma_start3A_16] : memref<125x80xi32, #tpu.memory_space<vmem>> -> memref<1x80xi32, #tpu.memory_space<vmem>>
    %dma_start3A_18 = tpu.memref_squeeze %dma_start3A_17 : memref<1x80xi32, #tpu.memory_space<vmem>> -> memref<80xi32, #tpu.memory_space<vmem>>
    %dma_start3A_19 = arith.constant 0 : i32
    %dma_start3A_20 = arith.constant 0 : i32
    %dma_start3A_21 = tpu.memref_slice %arg3[%dma_start3A_19, %dma_start3A_20] : memref<10000x48xf32, #tpu.memory_space<hbm>> -> memref<10000x48xf32, #tpu.memory_space<hbm>>
    tpu.enqueue_indirect_dma source(%dma_start3A_21 : memref<10000x48xf32, #tpu.memory_space<hbm>>) target(%arg11 : memref<80x48xf32, #tpu.memory_space<vmem>>) offsets(%dma_start3A_18 : memref<80xi32, #tpu.memory_space<vmem>>) semaphore(%arg23 : memref<!tpu.dma_semaphore, #tpu.memory_space<semaphore_mem>>)
    %dma_start3A_22 = arith.constant 3 : i32
    %dma_start3A_23 = arith.constant 0 : i32
    %dma_start3A_24 = tpu.memref_slice %arg7[%dma_start3A_22, %dma_start3A_23] : memref<125x80xi32, #tpu.memory_space<vmem>> -> memref<1x80xi32, #tpu.memory_space<vmem>>
    %dma_start3A_25 = tpu.memref_squeeze %dma_start3A_24 : memref<1x80xi32, #tpu.memory_space<vmem>> -> memref<80xi32, #tpu.memory_space<vmem>>
    %dma_start3A_26 = arith.constant 0 : i32
    %dma_start3A_27 = arith.constant 0 : i32
    %dma_start3A_28 = tpu.memref_slice %arg3[%dma_start3A_26, %dma_start3A_27] : memref<10000x48xf32, #tpu.memory_space<hbm>> -> memref<10000x48xf32, #tpu.memory_space<hbm>>
    tpu.enqueue_indirect_dma source(%dma_start3A_28 : memref<10000x48xf32, #tpu.memory_space<hbm>>) target(%arg12 : memref<80x48xf32, #tpu.memory_space<vmem>>) offsets(%dma_start3A_25 : memref<80xi32, #tpu.memory_space<vmem>>) semaphore(%arg24 : memref<!tpu.dma_semaphore, #tpu.memory_space<semaphore_mem>>)
    %dma_start3A_29 = arith.constant 4 : i32
    %dma_start3A_30 = arith.constant 0 : i32
    %dma_start3A_31 = tpu.memref_slice %arg7[%dma_start3A_29, %dma_start3A_30] : memref<125x80xi32, #tpu.memory_space<vmem>> -> memref<1x80xi32, #tpu.memory_space<vmem>>
    %dma_start3A_32 = tpu.memref_squeeze %dma_start3A_31 : memref<1x80xi32, #tpu.memory_space<vmem>> -> memref<80xi32, #tpu.memory_space<vmem>>
    %dma_start3A_33 = arith.constant 0 : i32
    %dma_start3A_34 = arith.constant 0 : i32
    %dma_start3A_35 = tpu.memref_slice %arg3[%dma_start3A_33, %dma_start3A_34] : memref<10000x48xf32, #tpu.memory_space<hbm>> -> memref<10000x48xf32, #tpu.memory_space<hbm>>
    tpu.enqueue_indirect_dma source(%dma_start3A_35 : memref<10000x48xf32, #tpu.memory_space<hbm>>) target(%arg13 : memref<80x48xf32, #tpu.memory_space<vmem>>) offsets(%dma_start3A_32 : memref<80xi32, #tpu.memory_space<vmem>>) semaphore(%arg25 : memref<!tpu.dma_semaphore, #tpu.memory_space<semaphore_mem>>)
    %dma_start3A_36 = arith.constant 5 : i32
    %dma_start3A_37 = arith.constant 0 : i32
    %dma_start3A_38 = tpu.memref_slice %arg7[%dma_start3A_36, %dma_start3A_37] : memref<125x80xi32, #tpu.memory_space<vmem>> -> memref<1x80xi32, #tpu.memory_space<vmem>>
    %dma_start3A_39 = tpu.memref_squeeze %dma_start3A_38 : memref<1x80xi32, #tpu.memory_space<vmem>> -> memref<80xi32, #tpu.memory_space<vmem>>
    %dma_start3A_40 = arith.constant 0 : i32
    %dma_start3A_41 = arith.constant 0 : i32
    %dma_start3A_42 = tpu.memref_slice %arg3[%dma_start3A_40, %dma_start3A_41] : memref<10000x48xf32, #tpu.memory_space<hbm>> -> memref<10000x48xf32, #tpu.memory_space<hbm>>
    tpu.enqueue_indirect_dma source(%dma_start3A_42 : memref<10000x48xf32, #tpu.memory_space<hbm>>) target(%arg14 : memref<80x48xf32, #tpu.memory_space<vmem>>) offsets(%dma_start3A_39 : memref<80xi32, #tpu.memory_space<vmem>>) semaphore(%arg26 : memref<!tpu.dma_semaphore, #tpu.memory_space<semaphore_mem>>)
    %dma_start3A_43 = arith.constant 6 : i32
    %dma_start3A_44 = arith.constant 0 : i32
    %dma_start3A_45 = tpu.memref_slice %arg7[%dma_start3A_43, %dma_start3A_44] : memref<125x80xi32, #tpu.memory_space<vmem>> -> memref<1x80xi32, #tpu.memory_space<vmem>>
    %dma_start3A_46 = tpu.memref_squeeze %dma_start3A_45 : memref<1x80xi32, #tpu.memory_space<vmem>> -> memref<80xi32, #tpu.memory_space<vmem>>
    %dma_start3A_47 = arith.constant 0 : i32
    %dma_start3A_48 = arith.constant 0 : i32
    %dma_start3A_49 = tpu.memref_slice %arg3[%dma_start3A_47, %dma_start3A_48] : memref<10000x48xf32, #tpu.memory_space<hbm>> -> memref<10000x48xf32, #tpu.memory_space<hbm>>
    tpu.enqueue_indirect_dma source(%dma_start3A_49 : memref<10000x48xf32, #tpu.memory_space<hbm>>) target(%arg15 : memref<80x48xf32, #tpu.memory_space<vmem>>) offsets(%dma_start3A_46 : memref<80xi32, #tpu.memory_space<vmem>>) semaphore(%arg27 : memref<!tpu.dma_semaphore, #tpu.memory_space<semaphore_mem>>)
    %broadcast_in_dim3A = arith.constant 0.000000e+00 : f32
    %broadcast_in_dim3A_50 = vector.broadcast %broadcast_in_dim3A : f32 to vector<16xf32>
    %scan3A = arith.constant 0 : i32
    %scan3A_51 = arith.constant 0 : i32
    %scan3A_52 = arith.constant 78 : i32
    %scan3A_53 = arith.addi %scan3A_51, %scan3A_52 : i32
    %scan3A_54 = arith.constant 1 : i32
    scf.for %scan3A_480 = %scan3A_51 to %scan3A_53 step %scan3A_54  : i32 {
      %swap3A_481 = arith.index_cast %scan3A_480 : i32 to index
      %swap3A_482 = arith.constant 0 : index
      %swap3A_483 = tpu.vector_load %arg19[%swap3A_481, %swap3A_482] {strides = array<i32>} : memref<78x48xf32, #tpu.memory_space<vmem>>, vector<1x16xf32>,
      %swap3A_484 = vector.shape_cast %swap3A_483 : vector<1x16xf32> to vector<16xf32>
      %swap3A_485 = vector.shape_cast %broadcast_in_dim3A_50 : vector<16xf32> to vector<1x16xf32>
      tpu.vector_store %arg19[%swap3A_481, %swap3A_482], %swap3A_485 {strides = array<i32>} : memref<78x48xf32, #tpu.memory_space<vmem>>, vector<1x16xf32>,
      %swap3A_486 = arith.index_cast %scan3A_480 : i32 to index
      %swap3A_487 = arith.constant 16 : index
      %swap3A_488 = tpu.vector_load %arg19[%swap3A_486, %swap3A_487] {strides = array<i32>} : memref<78x48xf32, #tpu.memory_space<vmem>>, vector<1x16xf32>,
      %swap3A_489 = vector.shape_cast %swap3A_488 : vector<1x16xf32> to vector<16xf32>
      %swap3A_490 = vector.shape_cast %broadcast_in_dim3A_50 : vector<16xf32> to vector<1x16xf32>
      tpu.vector_store %arg19[%swap3A_486, %swap3A_487], %swap3A_490 {strides = array<i32>} : memref<78x48xf32, #tpu.memory_space<vmem>>, vector<1x16xf32>,
      %swap3A_491 = arith.index_cast %scan3A_480 : i32 to index
      %swap3A_492 = arith.constant 32 : index
      %swap3A_493 = tpu.vector_load %arg19[%swap3A_491, %swap3A_492] {strides = array<i32>} : memref<78x48xf32, #tpu.memory_space<vmem>>, vector<1x16xf32>,
      %swap3A_494 = vector.shape_cast %swap3A_493 : vector<1x16xf32> to vector<16xf32>
      %swap3A_495 = vector.shape_cast %broadcast_in_dim3A_50 : vector<16xf32> to vector<1x16xf32>
      tpu.vector_store %arg19[%swap3A_491, %swap3A_492], %swap3A_495 {strides = array<i32>} : memref<78x48xf32, #tpu.memory_space<vmem>>, vector<1x16xf32>,
    }
    %scan3A_55 = arith.constant 78 : i32
    %mul3A_56 = arith.constant 624 : i32
    %mul3A_57 = arith.muli %arg1, %mul3A_56 : i32
    %add3A_58 = arith.constant 0 : i32
    %add3A_59 = arith.addi %mul3A_57, %add3A_58 : i32
    %dma_start3A_60 = arith.constant 0 : i32
    %dma_start3A_61 = tpu.memref_slice %arg6[%add3A_59, %dma_start3A_60] : memref<10000x48xf32, #tpu.memory_space<vmem_shared>> -> memref<78x48xf32, #tpu.memory_space<vmem_shared>>
    %dma_start3A_62 = arith.constant 0 : i32
    %dma_start3A_63 = tpu.memref_slice %arg6[%add3A_59, %dma_start3A_62] : memref<10000x48xf32, #tpu.memory_space<vmem_shared>> -> memref<78x48xf32, #tpu.memory_space<vmem_shared>>
    tpu.enqueue_dma source(%arg19 : memref<78x48xf32, #tpu.memory_space<vmem>>) target(%dma_start3A_63 : memref<78x48xf32, #tpu.memory_space<vmem_shared>>) target_semaphore(%arg31 : memref<!tpu.dma_semaphore, #tpu.memory_space<semaphore_mem>>)
    %mul3A_64 = arith.constant 624 : i32
    %mul3A_65 = arith.muli %arg1, %mul3A_64 : i32
    %add3A_66 = arith.constant 78 : i32
    %add3A_67 = arith.addi %mul3A_65, %add3A_66 : i32
    %dma_start3A_68 = arith.constant 0 : i32
    %dma_start3A_69 = tpu.memref_slice %arg6[%add3A_67, %dma_start3A_68] : memref<10000x48xf32, #tpu.memory_space<vmem_shared>> -> memref<78x48xf32, #tpu.memory_space<vmem_shared>>
    %dma_start3A_70 = arith.constant 0 : i32
    %dma_start3A_71 = tpu.memref_slice %arg6[%add3A_67, %dma_start3A_70] : memref<10000x48xf32, #tpu.memory_space<vmem_shared>> -> memref<78x48xf32, #tpu.memory_space<vmem_shared>>
    tpu.enqueue_dma source(%arg19 : memref<78x48xf32, #tpu.memory_space<vmem>>) target(%dma_start3A_71 : memref<78x48xf32, #tpu.memory_space<vmem_shared>>) target_semaphore(%arg32 : memref<!tpu.dma_semaphore, #tpu.memory_space<semaphore_mem>>)
    %mul3A_72 = arith.constant 624 : i32
    %mul3A_73 = arith.muli %arg1, %mul3A_72 : i32
    %add3A_74 = arith.constant 156 : i32
    %add3A_75 = arith.addi %mul3A_73, %add3A_74 : i32
    %dma_start3A_76 = arith.constant 0 : i32
    %dma_start3A_77 = tpu.memref_slice %arg6[%add3A_75, %dma_start3A_76] : memref<10000x48xf32, #tpu.memory_space<vmem_shared>> -> memref<78x48xf32, #tpu.memory_space<vmem_shared>>
    %dma_start3A_78 = arith.constant 0 : i32
    %dma_start3A_79 = tpu.memref_slice %arg6[%add3A_75, %dma_start3A_78] : memref<10000x48xf32, #tpu.memory_space<vmem_shared>> -> memref<78x48xf32, #tpu.memory_space<vmem_shared>>
    tpu.enqueue_dma source(%arg19 : memref<78x48xf32, #tpu.memory_space<vmem>>) target(%dma_start3A_79 : memref<78x48xf32, #tpu.memory_space<vmem_shared>>) target_semaphore(%arg33 : memref<!tpu.dma_semaphore, #tpu.memory_space<semaphore_mem>>)
    %mul3A_80 = arith.constant 624 : i32
    %mul3A_81 = arith.muli %arg1, %mul3A_80 : i32
    %add3A_82 = arith.constant 234 : i32
    %add3A_83 = arith.addi %mul3A_81, %add3A_82 : i32
    %dma_start3A_84 = arith.constant 0 : i32
    %dma_start3A_85 = tpu.memref_slice %arg6[%add3A_83, %dma_start3A_84] : memref<10000x48xf32, #tpu.memory_space<vmem_shared>> -> memref<78x48xf32, #tpu.memory_space<vmem_shared>>
    %dma_start3A_86 = arith.constant 0 : i32
    %dma_start3A_87 = tpu.memref_slice %arg6[%add3A_83, %dma_start3A_86] : memref<10000x48xf32, #tpu.memory_space<vmem_shared>> -> memref<78x48xf32, #tpu.memory_space<vmem_shared>>
    tpu.enqueue_dma source(%arg19 : memref<78x48xf32, #tpu.memory_space<vmem>>) target(%dma_start3A_87 : memref<78x48xf32, #tpu.memory_space<vmem_shared>>) target_semaphore(%arg34 : memref<!tpu.dma_semaphore, #tpu.memory_space<semaphore_mem>>)
    %mul3A_88 = arith.constant 624 : i32
    %mul3A_89 = arith.muli %arg1, %mul3A_88 : i32
    %add3A_90 = arith.constant 312 : i32
    %add3A_91 = arith.addi %mul3A_89, %add3A_90 : i32
    %dma_start3A_92 = arith.constant 0 : i32
    %dma_start3A_93 = tpu.memref_slice %arg6[%add3A_91, %dma_start3A_92] : memref<10000x48xf32, #tpu.memory_space<vmem_shared>> -> memref<78x48xf32, #tpu.memory_space<vmem_shared>>
    %dma_start3A_94 = arith.constant 0 : i32
    %dma_start3A_95 = tpu.memref_slice %arg6[%add3A_91, %dma_start3A_94] : memref<10000x48xf32, #tpu.memory_space<vmem_shared>> -> memref<78x48xf32, #tpu.memory_space<vmem_shared>>
    tpu.enqueue_dma source(%arg19 : memref<78x48xf32, #tpu.memory_space<vmem>>) target(%dma_start3A_95 : memref<78x48xf32, #tpu.memory_space<vmem_shared>>) target_semaphore(%arg35 : memref<!tpu.dma_semaphore, #tpu.memory_space<semaphore_mem>>)
    %mul3A_96 = arith.constant 624 : i32
    %mul3A_97 = arith.muli %arg1, %mul3A_96 : i32
    %add3A_98 = arith.constant 390 : i32
    %add3A_99 = arith.addi %mul3A_97, %add3A_98 : i32
    %dma_start3A_100 = arith.constant 0 : i32
    %dma_start3A_101 = tpu.memref_slice %arg6[%add3A_99, %dma_start3A_100] : memref<10000x48xf32, #tpu.memory_space<vmem_shared>> -> memref<78x48xf32, #tpu.memory_space<vmem_shared>>
    %dma_start3A_102 = arith.constant 0 : i32
    %dma_start3A_103 = tpu.memref_slice %arg6[%add3A_99, %dma_start3A_102] : memref<10000x48xf32, #tpu.memory_space<vmem_shared>> -> memref<78x48xf32, #tpu.memory_space<vmem_shared>>
    tpu.enqueue_dma source(%arg19 : memref<78x48xf32, #tpu.memory_space<vmem>>) target(%dma_start3A_103 : memref<78x48xf32, #tpu.memory_space<vmem_shared>>) target_semaphore(%arg36 : memref<!tpu.dma_semaphore, #tpu.memory_space<semaphore_mem>>)
    %mul3A_104 = arith.constant 624 : i32
    %mul3A_105 = arith.muli %arg1, %mul3A_104 : i32
    %add3A_106 = arith.constant 468 : i32
    %add3A_107 = arith.addi %mul3A_105, %add3A_106 : i32
    %dma_start3A_108 = arith.constant 0 : i32
    %dma_start3A_109 = tpu.memref_slice %arg6[%add3A_107, %dma_start3A_108] : memref<10000x48xf32, #tpu.memory_space<vmem_shared>> -> memref<78x48xf32, #tpu.memory_space<vmem_shared>>
    %dma_start3A_110 = arith.constant 0 : i32
    %dma_start3A_111 = tpu.memref_slice %arg6[%add3A_107, %dma_start3A_110] : memref<10000x48xf32, #tpu.memory_space<vmem_shared>> -> memref<78x48xf32, #tpu.memory_space<vmem_shared>>
    tpu.enqueue_dma source(%arg19 : memref<78x48xf32, #tpu.memory_space<vmem>>) target(%dma_start3A_111 : memref<78x48xf32, #tpu.memory_space<vmem_shared>>) target_semaphore(%arg37 : memref<!tpu.dma_semaphore, #tpu.memory_space<semaphore_mem>>)
    %mul3A_112 = arith.constant 624 : i32
    %mul3A_113 = arith.muli %arg1, %mul3A_112 : i32
    %add3A_114 = arith.constant 546 : i32
    %add3A_115 = arith.addi %mul3A_113, %add3A_114 : i32
    %dma_start3A_116 = arith.constant 0 : i32
    %dma_start3A_117 = tpu.memref_slice %arg6[%add3A_115, %dma_start3A_116] : memref<10000x48xf32, #tpu.memory_space<vmem_shared>> -> memref<78x48xf32, #tpu.memory_space<vmem_shared>>
    %dma_start3A_118 = arith.constant 0 : i32
    %dma_start3A_119 = tpu.memref_slice %arg6[%add3A_115, %dma_start3A_118] : memref<10000x48xf32, #tpu.memory_space<vmem_shared>> -> memref<78x48xf32, #tpu.memory_space<vmem_shared>>
    tpu.enqueue_dma source(%arg19 : memref<78x48xf32, #tpu.memory_space<vmem>>) target(%dma_start3A_119 : memref<78x48xf32, #tpu.memory_space<vmem_shared>>) target_semaphore(%arg38 : memref<!tpu.dma_semaphore, #tpu.memory_space<semaphore_mem>>)
    %mul3A_120 = arith.constant 624 : i32
    %mul3A_121 = arith.muli %arg1, %mul3A_120 : i32
    %add3A_122 = arith.constant 0 : i32
    %add3A_123 = arith.addi %mul3A_121, %add3A_122 : i32
    %dma_wait3A = arith.constant 0 : i32
    %dma_wait3A_124 = tpu.memref_slice %arg6[%add3A_123, %dma_wait3A] : memref<10000x48xf32, #tpu.memory_space<vmem_shared>> -> memref<78x48xf32, #tpu.memory_space<vmem_shared>>
    %dma_wait3A_125 = arith.constant 0 : i32
    %dma_wait3A_126 = tpu.memref_slice %arg6[%add3A_123, %dma_wait3A_125] : memref<10000x48xf32, #tpu.memory_space<vmem_shared>> -> memref<78x48xf32, #tpu.memory_space<vmem_shared>>
    tpu.wait_dma2 semaphore(%arg31 : memref<!tpu.dma_semaphore, #tpu.memory_space<semaphore_mem>>) src(%arg19 : memref<78x48xf32, #tpu.memory_space<vmem>>) dst(%dma_wait3A_126 : memref<78x48xf32, #tpu.memory_space<vmem_shared>>)
    %mul3A_127 = arith.constant 624 : i32
    %mul3A_128 = arith.muli %arg1, %mul3A_127 : i32
    %add3A_129 = arith.constant 78 : i32
    %add3A_130 = arith.addi %mul3A_128, %add3A_129 : i32
    %dma_wait3A_131 = arith.constant 0 : i32
    %dma_wait3A_132 = tpu.memref_slice %arg6[%add3A_130, %dma_wait3A_131] : memref<10000x48xf32, #tpu.memory_space<vmem_shared>> -> memref<78x48xf32, #tpu.memory_space<vmem_shared>>
    %dma_wait3A_133 = arith.constant 0 : i32
    %dma_wait3A_134 = tpu.memref_slice %arg6[%add3A_130, %dma_wait3A_133] : memref<10000x48xf32, #tpu.memory_space<vmem_shared>> -> memref<78x48xf32, #tpu.memory_space<vmem_shared>>
    tpu.wait_dma2 semaphore(%arg32 : memref<!tpu.dma_semaphore, #tpu.memory_space<semaphore_mem>>) src(%arg19 : memref<78x48xf32, #tpu.memory_space<vmem>>) dst(%dma_wait3A_134 : memref<78x48xf32, #tpu.memory_space<vmem_shared>>)
    %mul3A_135 = arith.constant 624 : i32
    %mul3A_136 = arith.muli %arg1, %mul3A_135 : i32
    %add3A_137 = arith.constant 156 : i32
    %add3A_138 = arith.addi %mul3A_136, %add3A_137 : i32
    %dma_wait3A_139 = arith.constant 0 : i32
    %dma_wait3A_140 = tpu.memref_slice %arg6[%add3A_138, %dma_wait3A_139] : memref<10000x48xf32, #tpu.memory_space<vmem_shared>> -> memref<78x48xf32, #tpu.memory_space<vmem_shared>>
    %dma_wait3A_141 = arith.constant 0 : i32
    %dma_wait3A_142 = tpu.memref_slice %arg6[%add3A_138, %dma_wait3A_141] : memref<10000x48xf32, #tpu.memory_space<vmem_shared>> -> memref<78x48xf32, #tpu.memory_space<vmem_shared>>
    tpu.wait_dma2 semaphore(%arg33 : memref<!tpu.dma_semaphore, #tpu.memory_space<semaphore_mem>>) src(%arg19 : memref<78x48xf32, #tpu.memory_space<vmem>>) dst(%dma_wait3A_142 : memref<78x48xf32, #tpu.memory_space<vmem_shared>>)
    %mul3A_143 = arith.constant 624 : i32
    %mul3A_144 = arith.muli %arg1, %mul3A_143 : i32
    %add3A_145 = arith.constant 234 : i32
    %add3A_146 = arith.addi %mul3A_144, %add3A_145 : i32
    %dma_wait3A_147 = arith.constant 0 : i32
    %dma_wait3A_148 = tpu.memref_slice %arg6[%add3A_146, %dma_wait3A_147] : memref<10000x48xf32, #tpu.memory_space<vmem_shared>> -> memref<78x48xf32, #tpu.memory_space<vmem_shared>>
    %dma_wait3A_149 = arith.constant 0 : i32
    %dma_wait3A_150 = tpu.memref_slice %arg6[%add3A_146, %dma_wait3A_149] : memref<10000x48xf32, #tpu.memory_space<vmem_shared>> -> memref<78x48xf32, #tpu.memory_space<vmem_shared>>
    tpu.wait_dma2 semaphore(%arg34 : memref<!tpu.dma_semaphore, #tpu.memory_space<semaphore_mem>>) src(%arg19 : memref<78x48xf32, #tpu.memory_space<vmem>>) dst(%dma_wait3A_150 : memref<78x48xf32, #tpu.memory_space<vmem_shared>>)
    %mul3A_151 = arith.constant 624 : i32
    %mul3A_152 = arith.muli %arg1, %mul3A_151 : i32
    %add3A_153 = arith.constant 312 : i32
    %add3A_154 = arith.addi %mul3A_152, %add3A_153 : i32
    %dma_wait3A_155 = arith.constant 0 : i32
    %dma_wait3A_156 = tpu.memref_slice %arg6[%add3A_154, %dma_wait3A_155] : memref<10000x48xf32, #tpu.memory_space<vmem_shared>> -> memref<78x48xf32, #tpu.memory_space<vmem_shared>>
    %dma_wait3A_157 = arith.constant 0 : i32
    %dma_wait3A_158 = tpu.memref_slice %arg6[%add3A_154, %dma_wait3A_157] : memref<10000x48xf32, #tpu.memory_space<vmem_shared>> -> memref<78x48xf32, #tpu.memory_space<vmem_shared>>
    tpu.wait_dma2 semaphore(%arg35 : memref<!tpu.dma_semaphore, #tpu.memory_space<semaphore_mem>>) src(%arg19 : memref<78x48xf32, #tpu.memory_space<vmem>>) dst(%dma_wait3A_158 : memref<78x48xf32, #tpu.memory_space<vmem_shared>>)
    %mul3A_159 = arith.constant 624 : i32
    %mul3A_160 = arith.muli %arg1, %mul3A_159 : i32
    %add3A_161 = arith.constant 390 : i32
    %add3A_162 = arith.addi %mul3A_160, %add3A_161 : i32
    %dma_wait3A_163 = arith.constant 0 : i32
    %dma_wait3A_164 = tpu.memref_slice %arg6[%add3A_162, %dma_wait3A_163] : memref<10000x48xf32, #tpu.memory_space<vmem_shared>> -> memref<78x48xf32, #tpu.memory_space<vmem_shared>>
    %dma_wait3A_165 = arith.constant 0 : i32
    %dma_wait3A_166 = tpu.memref_slice %arg6[%add3A_162, %dma_wait3A_165] : memref<10000x48xf32, #tpu.memory_space<vmem_shared>> -> memref<78x48xf32, #tpu.memory_space<vmem_shared>>
    tpu.wait_dma2 semaphore(%arg36 : memref<!tpu.dma_semaphore, #tpu.memory_space<semaphore_mem>>) src(%arg19 : memref<78x48xf32, #tpu.memory_space<vmem>>) dst(%dma_wait3A_166 : memref<78x48xf32, #tpu.memory_space<vmem_shared>>)
    %mul3A_167 = arith.constant 624 : i32
    %mul3A_168 = arith.muli %arg1, %mul3A_167 : i32
    %add3A_169 = arith.constant 468 : i32
    %add3A_170 = arith.addi %mul3A_168, %add3A_169 : i32
    %dma_wait3A_171 = arith.constant 0 : i32
    %dma_wait3A_172 = tpu.memref_slice %arg6[%add3A_170, %dma_wait3A_171] : memref<10000x48xf32, #tpu.memory_space<vmem_shared>> -> memref<78x48xf32, #tpu.memory_space<vmem_shared>>
    %dma_wait3A_173 = arith.constant 0 : i32
    %dma_wait3A_174 = tpu.memref_slice %arg6[%add3A_170, %dma_wait3A_173] : memref<10000x48xf32, #tpu.memory_space<vmem_shared>> -> memref<78x48xf32, #tpu.memory_space<vmem_shared>>
    tpu.wait_dma2 semaphore(%arg37 : memref<!tpu.dma_semaphore, #tpu.memory_space<semaphore_mem>>) src(%arg19 : memref<78x48xf32, #tpu.memory_space<vmem>>) dst(%dma_wait3A_174 : memref<78x48xf32, #tpu.memory_space<vmem_shared>>)
    %mul3A_175 = arith.constant 624 : i32
    %mul3A_176 = arith.muli %arg1, %mul3A_175 : i32
    %add3A_177 = arith.constant 546 : i32
    %add3A_178 = arith.addi %mul3A_176, %add3A_177 : i32
    %dma_wait3A_179 = arith.constant 0 : i32
    %dma_wait3A_180 = tpu.memref_slice %arg6[%add3A_178, %dma_wait3A_179] : memref<10000x48xf32, #tpu.memory_space<vmem_shared>> -> memref<78x48xf32, #tpu.memory_space<vmem_shared>>
    %dma_wait3A_181 = arith.constant 0 : i32
    %dma_wait3A_182 = tpu.memref_slice %arg6[%add3A_178, %dma_wait3A_181] : memref<10000x48xf32, #tpu.memory_space<vmem_shared>> -> memref<78x48xf32, #tpu.memory_space<vmem_shared>>
    tpu.wait_dma2 semaphore(%arg38 : memref<!tpu.dma_semaphore, #tpu.memory_space<semaphore_mem>>) src(%arg19 : memref<78x48xf32, #tpu.memory_space<vmem>>) dst(%dma_wait3A_182 : memref<78x48xf32, #tpu.memory_space<vmem_shared>>)
    %eq3A = arith.constant 0 : i32
    %eq3A_183 = arith.cmpi eq, %arg1, %eq3A : i32
    %convert_element_type3A = arith.extui %eq3A_183 : i1 to i32
    %cond3A = arith.constant 0 : i32
    %cond3A_184 = arith.cmpi ne, %convert_element_type3A, %cond3A : i32
    scf.if %cond3A_184 {
      "tpu.region"() ({
        %run_scoped3A_480 = tpu.sem_alloc : memref<!tpu.dma_semaphore, #tpu.memory_space<semaphore_mem>>
        %dma_start3A_481 = arith.constant 0 : i32
        %dma_start3A_482 = arith.constant 0 : i32
        %dma_start3A_483 = tpu.memref_slice %arg19[%dma_start3A_481, %dma_start3A_482] : memref<78x48xf32, #tpu.memory_space<vmem>> -> memref<16x48xf32, #tpu.memory_space<vmem>>
        %dma_start3A_484 = arith.constant 9984 : i32
        %dma_start3A_485 = arith.constant 0 : i32
        %dma_start3A_486 = tpu.memref_slice %arg6[%dma_start3A_484, %dma_start3A_485] : memref<10000x48xf32, #tpu.memory_space<vmem_shared>> -> memref<16x48xf32, #tpu.memory_space<vmem_shared>>
        %dma_start3A_487 = arith.constant 9984 : i32
        %dma_start3A_488 = arith.constant 0 : i32
        %dma_start3A_489 = tpu.memref_slice %arg6[%dma_start3A_487, %dma_start3A_488] : memref<10000x48xf32, #tpu.memory_space<vmem_shared>> -> memref<16x48xf32, #tpu.memory_space<vmem_shared>>
        %dma_start3A_490 = arith.constant 0 : i32
        %dma_start3A_491 = arith.constant 0 : i32
        %dma_start3A_492 = tpu.memref_slice %arg19[%dma_start3A_490, %dma_start3A_491] : memref<78x48xf32, #tpu.memory_space<vmem>> -> memref<16x48xf32, #tpu.memory_space<vmem>>
        tpu.enqueue_dma source(%dma_start3A_492 : memref<16x48xf32, #tpu.memory_space<vmem>>) target(%dma_start3A_489 : memref<16x48xf32, #tpu.memory_space<vmem_shared>>) target_semaphore(%run_scoped3A_480 : memref<!tpu.dma_semaphore, #tpu.memory_space<semaphore_mem>>)
        %dma_wait3A_493 = arith.constant 0 : i32
        %dma_wait3A_494 = arith.constant 0 : i32
        %dma_wait3A_495 = tpu.memref_slice %arg19[%dma_wait3A_493, %dma_wait3A_494] : memref<78x48xf32, #tpu.memory_space<vmem>> -> memref<16x48xf32, #tpu.memory_space<vmem>>
        %dma_wait3A_496 = arith.constant 9984 : i32
        %dma_wait3A_497 = arith.constant 0 : i32
        %dma_wait3A_498 = tpu.memref_slice %arg6[%dma_wait3A_496, %dma_wait3A_497] : memref<10000x48xf32, #tpu.memory_space<vmem_shared>> -> memref<16x48xf32, #tpu.memory_space<vmem_shared>>
        %dma_wait3A_499 = arith.constant 9984 : i32
        %dma_wait3A_500 = arith.constant 0 : i32
        %dma_wait3A_501 = tpu.memref_slice %arg6[%dma_wait3A_499, %dma_wait3A_500] : memref<10000x48xf32, #tpu.memory_space<vmem_shared>> -> memref<16x48xf32, #tpu.memory_space<vmem_shared>>
        %dma_wait3A_502 = arith.constant 0 : i32
        %dma_wait3A_503 = arith.constant 0 : i32
        %dma_wait3A_504 = tpu.memref_slice %arg19[%dma_wait3A_502, %dma_wait3A_503] : memref<78x48xf32, #tpu.memory_space<vmem>> -> memref<16x48xf32, #tpu.memory_space<vmem>>
        tpu.wait_dma2 semaphore(%run_scoped3A_480 : memref<!tpu.dma_semaphore, #tpu.memory_space<semaphore_mem>>) src(%dma_wait3A_504 : memref<16x48xf32, #tpu.memory_space<vmem>>) dst(%dma_wait3A_501 : memref<16x48xf32, #tpu.memory_space<vmem_shared>>)
        tpu.yield
      }) : () -> ()
    } else {
    }
    %barrier3A = arith.constant 0 : index
    tpu.barrier barrier_id(%barrier3A)
    %broadcast_in_dim3A_185 = arith.constant 2147483647 : i32
    %broadcast_in_dim3A_186 = vector.broadcast %broadcast_in_dim3A_185 : i32 to vector<16xi32>
    %scan3A_187 = arith.constant 0 : i32
    %scan3A_188 = arith.constant 12 : i32
    %scan3A_189 = arith.addi %scan3A_187, %scan3A_188 : i32
    %scan3A_190 = arith.constant 1 : i32
    %scan3A_191 = scf.for %scan3A_480 = %scan3A_187 to %scan3A_189 step %scan3A_190 iter_args(%scan3A_481 = %broadcast_in_dim3A_186) -> (vector<16xi32>)  : i32 {
      %mul3A_482 = arith.constant 10 : i32
      %mul3A_483 = arith.muli %scan3A_480, %mul3A_482 : i32
      %add3A_484 = arith.constant 0 : i32
      %add3A_485 = arith.addi %mul3A_483, %add3A_484 : i32
      %dma_wait3A_486 = arith.constant 0 : i32
      %dma_wait3A_487 = tpu.memref_slice %arg7[%add3A_485, %dma_wait3A_486] : memref<125x80xi32, #tpu.memory_space<vmem>> -> memref<1x80xi32, #tpu.memory_space<vmem>>
      %dma_wait3A_488 = tpu.memref_squeeze %dma_wait3A_487 : memref<1x80xi32, #tpu.memory_space<vmem>> -> memref<80xi32, #tpu.memory_space<vmem>>
      %dma_wait3A_489 = arith.constant 0 : i32
      %dma_wait3A_490 = arith.constant 0 : i32
      %dma_wait3A_491 = tpu.memref_slice %arg3[%dma_wait3A_489, %dma_wait3A_490] : memref<10000x48xf32, #tpu.memory_space<hbm>> -> memref<10000x48xf32, #tpu.memory_space<hbm>>
      tpu.wait_indirect_dma semaphore(%arg21 : memref<!tpu.dma_semaphore, #tpu.memory_space<semaphore_mem>>) src(%dma_wait3A_491 : memref<10000x48xf32, #tpu.memory_space<hbm>>) dst(%arg9 : memref<80x48xf32, #tpu.memory_space<vmem>>)
      %dma_start3A_492 = arith.constant 0 : i32
      %dma_start3A_493 = tpu.memref_slice %arg8[%add3A_485, %dma_start3A_492] : memref<125x80xi32, #tpu.memory_space<vmem>> -> memref<1x80xi32, #tpu.memory_space<vmem>>
      %dma_start3A_494 = tpu.memref_squeeze %dma_start3A_493 : memref<1x80xi32, #tpu.memory_space<vmem>> -> memref<80xi32, #tpu.memory_space<vmem>>
      %dma_start3A_495 = arith.constant 0 : i32
      %dma_start3A_496 = arith.constant 0 : i32
      %dma_start3A_497 = tpu.memref_slice %arg6[%dma_start3A_495, %dma_start3A_496] : memref<10000x48xf32, #tpu.memory_space<vmem_shared>> -> memref<10000x48xf32, #tpu.memory_space<vmem_shared>>
      tpu.enqueue_indirect_dma source(%arg9 : memref<80x48xf32, #tpu.memory_space<vmem>>) target(%dma_start3A_497 : memref<10000x48xf32, #tpu.memory_space<vmem_shared>>) offsets(%dma_start3A_494 : memref<80xi32, #tpu.memory_space<vmem>>) semaphore(%arg31 : memref<!tpu.dma_semaphore, #tpu.memory_space<semaphore_mem>>) {add = true}
      %ge3A = arith.constant 3 : i32
      %ge3A_498 = arith.cmpi sge, %add3A_485, %ge3A : i32
      %convert_element_type3A_499 = arith.extui %ge3A_498 : i1 to i32
      %cond3A_500 = arith.constant 0 : i32
      %cond3A_501 = arith.cmpi ne, %convert_element_type3A_499, %cond3A_500 : i32
      scf.if %cond3A_501 {
        %dma_wait3A_1010 = arith.constant 0 : i32
        %dma_wait3A_1011 = arith.constant 0 : i32
        %dma_wait3A_1012 = tpu.memref_slice %arg8[%dma_wait3A_1010, %dma_wait3A_1011] : memref<125x80xi32, #tpu.memory_space<vmem>> -> memref<1x80xi32, #tpu.memory_space<vmem>>
        %dma_wait3A_1013 = tpu.memref_squeeze %dma_wait3A_1012 : memref<1x80xi32, #tpu.memory_space<vmem>> -> memref<80xi32, #tpu.memory_space<vmem>>
        %dma_wait3A_1014 = arith.constant 0 : i32
        %dma_wait3A_1015 = arith.constant 0 : i32
        %dma_wait3A_1016 = tpu.memref_slice %arg6[%dma_wait3A_1014, %dma_wait3A_1015] : memref<10000x48xf32, #tpu.memory_space<vmem_shared>> -> memref<10000x48xf32, #tpu.memory_space<vmem_shared>>
        tpu.wait_indirect_dma semaphore(%arg38 : memref<!tpu.dma_semaphore, #tpu.memory_space<semaphore_mem>>) src(%arg16 : memref<80x48xf32, #tpu.memory_space<vmem>>) dst(%dma_wait3A_1016 : memref<10000x48xf32, #tpu.memory_space<vmem_shared>>)
      } else {
      }
      %add3A_502 = arith.constant 7 : i32
      %add3A_503 = arith.addi %add3A_485, %add3A_502 : i32
      %lt3A = arith.constant 125 : i32
      %lt3A_504 = arith.cmpi slt, %add3A_503, %lt3A : i32
      %convert_element_type3A_505 = arith.extui %lt3A_504 : i1 to i32
      %cond3A_506 = arith.constant 0 : i32
      %cond3A_507 = arith.cmpi ne, %convert_element_type3A_505, %cond3A_506 : i32
      scf.if %cond3A_507 {
        %add3A_1010 = arith.constant 7 : i32
        %add3A_1011 = arith.addi %add3A_485, %add3A_1010 : i32
        %dma_start3A_1012 = arith.constant 0 : i32
        %dma_start3A_1013 = tpu.memref_slice %arg7[%add3A_1011, %dma_start3A_1012] : memref<125x80xi32, #tpu.memory_space<vmem>> -> memref<1x80xi32, #tpu.memory_space<vmem>>
        %dma_start3A_1014 = tpu.memref_squeeze %dma_start3A_1013 : memref<1x80xi32, #tpu.memory_space<vmem>> -> memref<80xi32, #tpu.memory_space<vmem>>
        %dma_start3A_1015 = arith.constant 0 : i32
        %dma_start3A_1016 = arith.constant 0 : i32
        %dma_start3A_1017 = tpu.memref_slice %arg3[%dma_start3A_1015, %dma_start3A_1016] : memref<10000x48xf32, #tpu.memory_space<hbm>> -> memref<10000x48xf32, #tpu.memory_space<hbm>>
        tpu.enqueue_indirect_dma source(%dma_start3A_1017 : memref<10000x48xf32, #tpu.memory_space<hbm>>) target(%arg16 : memref<80x48xf32, #tpu.memory_space<vmem>>) offsets(%dma_start3A_1014 : memref<80xi32, #tpu.memory_space<vmem>>) semaphore(%arg28 : memref<!tpu.dma_semaphore, #tpu.memory_space<semaphore_mem>>)
      } else {
      }
      %get3A_508 = arith.index_cast %add3A_485 : i32 to index
      %get3A_509 = arith.constant 0 : index
      %get3A_510 = tpu.vector_load %arg8[%get3A_508, %get3A_509] {strides = array<i32>} : memref<125x80xi32, #tpu.memory_space<vmem>>, vector<1x16xi32>,
      %get3A_511 = vector.shape_cast %get3A_510 : vector<1x16xi32> to vector<16xi32>
      %min3A_512 = arith.minsi %scan3A_481, %get3A_511 : vector<16xi32>
      %get3A_513 = arith.index_cast %add3A_485 : i32 to index
      %get3A_514 = arith.constant 16 : index
      %get3A_515 = tpu.vector_load %arg8[%get3A_513, %get3A_514] {strides = array<i32>} : memref<125x80xi32, #tpu.memory_space<vmem>>, vector<1x16xi32>,
      %get3A_516 = vector.shape_cast %get3A_515 : vector<1x16xi32> to vector<16xi32>
      %min3A_517 = arith.minsi %min3A_512, %get3A_516 : vector<16xi32>
      %get3A_518 = arith.index_cast %add3A_485 : i32 to index
      %get3A_519 = arith.constant 32 : index
      %get3A_520 = tpu.vector_load %arg8[%get3A_518, %get3A_519] {strides = array<i32>} : memref<125x80xi32, #tpu.memory_space<vmem>>, vector<1x16xi32>,
      %get3A_521 = vector.shape_cast %get3A_520 : vector<1x16xi32> to vector<16xi32>
      %min3A_522 = arith.minsi %min3A_517, %get3A_521 : vector<16xi32>
      %get3A_523 = arith.index_cast %add3A_485 : i32 to index
      %get3A_524 = arith.constant 48 : index
      %get3A_525 = tpu.vector_load %arg8[%get3A_523, %get3A_524] {strides = array<i32>} : memref<125x80xi32, #tpu.memory_space<vmem>>, vector<1x16xi32>,
      %get3A_526 = vector.shape_cast %get3A_525 : vector<1x16xi32> to vector<16xi32>
      %min3A_527 = arith.minsi %min3A_522, %get3A_526 : vector<16xi32>
      %get3A_528 = arith.index_cast %add3A_485 : i32 to index
      %get3A_529 = arith.constant 64 : index
      %get3A_530 = tpu.vector_load %arg8[%get3A_528, %get3A_529] {strides = array<i32>} : memref<125x80xi32, #tpu.memory_space<vmem>>, vector<1x16xi32>,
      %get3A_531 = vector.shape_cast %get3A_530 : vector<1x16xi32> to vector<16xi32>
      %min3A_532 = arith.minsi %min3A_527, %get3A_531 : vector<16xi32>
      %mul3A_533 = arith.constant 10 : i32
      %mul3A_534 = arith.muli %scan3A_480, %mul3A_533 : i32
      %add3A_535 = arith.constant 1 : i32
      %add3A_536 = arith.addi %mul3A_534, %add3A_535 : i32
      %dma_wait3A_537 = arith.constant 0 : i32
      %dma_wait3A_538 = tpu.memref_slice %arg7[%add3A_536, %dma_wait3A_537] : memref<125x80xi32, #tpu.memory_space<vmem>> -> memref<1x80xi32, #tpu.memory_space<vmem>>
      %dma_wait3A_539 = tpu.memref_squeeze %dma_wait3A_538 : memref<1x80xi32, #tpu.memory_space<vmem>> -> memref<80xi32, #tpu.memory_space<vmem>>
      %dma_wait3A_540 = arith.constant 0 : i32
      %dma_wait3A_541 = arith.constant 0 : i32
      %dma_wait3A_542 = tpu.memref_slice %arg3[%dma_wait3A_540, %dma_wait3A_541] : memref<10000x48xf32, #tpu.memory_space<hbm>> -> memref<10000x48xf32, #tpu.memory_space<hbm>>
      tpu.wait_indirect_dma semaphore(%arg22 : memref<!tpu.dma_semaphore, #tpu.memory_space<semaphore_mem>>) src(%dma_wait3A_542 : memref<10000x48xf32, #tpu.memory_space<hbm>>) dst(%arg10 : memref<80x48xf32, #tpu.memory_space<vmem>>)
      %dma_start3A_543 = arith.constant 0 : i32
      %dma_start3A_544 = tpu.memref_slice %arg8[%add3A_536, %dma_start3A_543] : memref<125x80xi32, #tpu.memory_space<vmem>> -> memref<1x80xi32, #tpu.memory_space<vmem>>
      %dma_start3A_545 = tpu.memref_squeeze %dma_start3A_544 : memref<1x80xi32, #tpu.memory_space<vmem>> -> memref<80xi32, #tpu.memory_space<vmem>>
      %dma_start3A_546 = arith.constant 0 : i32
      %dma_start3A_547 = arith.constant 0 : i32
      %dma_start3A_548 = tpu.memref_slice %arg6[%dma_start3A_546, %dma_start3A_547] : memref<10000x48xf32, #tpu.memory_space<vmem_shared>> -> memref<10000x48xf32, #tpu.memory_space<vmem_shared>>
      tpu.enqueue_indirect_dma source(%arg10 : memref<80x48xf32, #tpu.memory_space<vmem>>) target(%dma_start3A_548 : memref<10000x48xf32, #tpu.memory_space<vmem_shared>>) offsets(%dma_start3A_545 : memref<80xi32, #tpu.memory_space<vmem>>) semaphore(%arg32 : memref<!tpu.dma_semaphore, #tpu.memory_space<semaphore_mem>>) {add = true}
      %ge3A_549 = arith.constant 3 : i32
      %ge3A_550 = arith.cmpi sge, %add3A_536, %ge3A_549 : i32
      %convert_element_type3A_551 = arith.extui %ge3A_550 : i1 to i32
      %cond3A_552 = arith.constant 0 : i32
      %cond3A_553 = arith.cmpi ne, %convert_element_type3A_551, %cond3A_552 : i32
      scf.if %cond3A_553 {
        %dma_wait3A_1010 = arith.constant 0 : i32
        %dma_wait3A_1011 = arith.constant 0 : i32
        %dma_wait3A_1012 = tpu.memref_slice %arg8[%dma_wait3A_1010, %dma_wait3A_1011] : memref<125x80xi32, #tpu.memory_space<vmem>> -> memref<1x80xi32, #tpu.memory_space<vmem>>
        %dma_wait3A_1013 = tpu.memref_squeeze %dma_wait3A_1012 : memref<1x80xi32, #tpu.memory_space<vmem>> -> memref<80xi32, #tpu.memory_space<vmem>>
        %dma_wait3A_1014 = arith.constant 0 : i32
        %dma_wait3A_1015 = arith.constant 0 : i32
        %dma_wait3A_1016 = tpu.memref_slice %arg6[%dma_wait3A_1014, %dma_wait3A_1015] : memref<10000x48xf32, #tpu.memory_space<vmem_shared>> -> memref<10000x48xf32, #tpu.memory_space<vmem_shared>>
        tpu.wait_indirect_dma semaphore(%arg39 : memref<!tpu.dma_semaphore, #tpu.memory_space<semaphore_mem>>) src(%arg17 : memref<80x48xf32, #tpu.memory_space<vmem>>) dst(%dma_wait3A_1016 : memref<10000x48xf32, #tpu.memory_space<vmem_shared>>)
      } else {
      }
      %add3A_554 = arith.constant 7 : i32
      %add3A_555 = arith.addi %add3A_536, %add3A_554 : i32
      %lt3A_556 = arith.constant 125 : i32
      %lt3A_557 = arith.cmpi slt, %add3A_555, %lt3A_556 : i32
      %convert_element_type3A_558 = arith.extui %lt3A_557 : i1 to i32
      %cond3A_559 = arith.constant 0 : i32
      %cond3A_560 = arith.cmpi ne, %convert_element_type3A_558, %cond3A_559 : i32
      scf.if %cond3A_560 {
        %add3A_1010 = arith.constant 7 : i32
        %add3A_1011 = arith.addi %add3A_536, %add3A_1010 : i32
        %dma_start3A_1012 = arith.constant 0 : i32
        %dma_start3A_1013 = tpu.memref_slice %arg7[%add3A_1011, %dma_start3A_1012] : memref<125x80xi32, #tpu.memory_space<vmem>> -> memref<1x80xi32, #tpu.memory_space<vmem>>
        %dma_start3A_1014 = tpu.memref_squeeze %dma_start3A_1013 : memref<1x80xi32, #tpu.memory_space<vmem>> -> memref<80xi32, #tpu.memory_space<vmem>>
        %dma_start3A_1015 = arith.constant 0 : i32
        %dma_start3A_1016 = arith.constant 0 : i32
        %dma_start3A_1017 = tpu.memref_slice %arg3[%dma_start3A_1015, %dma_start3A_1016] : memref<10000x48xf32, #tpu.memory_space<hbm>> -> memref<10000x48xf32, #tpu.memory_space<hbm>>
        tpu.enqueue_indirect_dma source(%dma_start3A_1017 : memref<10000x48xf32, #tpu.memory_space<hbm>>) target(%arg17 : memref<80x48xf32, #tpu.memory_space<vmem>>) offsets(%dma_start3A_1014 : memref<80xi32, #tpu.memory_space<vmem>>) semaphore(%arg29 : memref<!tpu.dma_semaphore, #tpu.memory_space<semaphore_mem>>)
      } else {
      }
      %get3A_561 = arith.index_cast %add3A_536 : i32 to index
      %get3A_562 = arith.constant 0 : index
      %get3A_563 = tpu.vector_load %arg8[%get3A_561, %get3A_562] {strides = array<i32>} : memref<125x80xi32, #tpu.memory_space<vmem>>, vector<1x16xi32>,
      %get3A_564 = vector.shape_cast %get3A_563 : vector<1x16xi32> to vector<16xi32>
      %min3A_565 = arith.minsi %min3A_532, %get3A_564 : vector<16xi32>
      %get3A_566 = arith.index_cast %add3A_536 : i32 to index
      %get3A_567 = arith.constant 16 : index
      %get3A_568 = tpu.vector_load %arg8[%get3A_566, %get3A_567] {strides = array<i32>} : memref<125x80xi32, #tpu.memory_space<vmem>>, vector<1x16xi32>,
      %get3A_569 = vector.shape_cast %get3A_568 : vector<1x16xi32> to vector<16xi32>
      %min3A_570 = arith.minsi %min3A_565, %get3A_569 : vector<16xi32>
      %get3A_571 = arith.index_cast %add3A_536 : i32 to index
      %get3A_572 = arith.constant 32 : index
      %get3A_573 = tpu.vector_load %arg8[%get3A_571, %get3A_572] {strides = array<i32>} : memref<125x80xi32, #tpu.memory_space<vmem>>, vector<1x16xi32>,
      %get3A_574 = vector.shape_cast %get3A_573 : vector<1x16xi32> to vector<16xi32>
      %min3A_575 = arith.minsi %min3A_570, %get3A_574 : vector<16xi32>
      %get3A_576 = arith.index_cast %add3A_536 : i32 to index
      %get3A_577 = arith.constant 48 : index
      %get3A_578 = tpu.vector_load %arg8[%get3A_576, %get3A_577] {strides = array<i32>} : memref<125x80xi32, #tpu.memory_space<vmem>>, vector<1x16xi32>,
      %get3A_579 = vector.shape_cast %get3A_578 : vector<1x16xi32> to vector<16xi32>
      %min3A_580 = arith.minsi %min3A_575, %get3A_579 : vector<16xi32>
      %get3A_581 = arith.index_cast %add3A_536 : i32 to index
      %get3A_582 = arith.constant 64 : index
      %get3A_583 = tpu.vector_load %arg8[%get3A_581, %get3A_582] {strides = array<i32>} : memref<125x80xi32, #tpu.memory_space<vmem>>, vector<1x16xi32>,
      %get3A_584 = vector.shape_cast %get3A_583 : vector<1x16xi32> to vector<16xi32>
      %min3A_585 = arith.minsi %min3A_580, %get3A_584 : vector<16xi32>
      %mul3A_586 = arith.constant 10 : i32
      %mul3A_587 = arith.muli %scan3A_480, %mul3A_586 : i32
      %add3A_588 = arith.constant 2 : i32
      %add3A_589 = arith.addi %mul3A_587, %add3A_588 : i32
      %dma_wait3A_590 = arith.constant 0 : i32
      %dma_wait3A_591 = tpu.memref_slice %arg7[%add3A_589, %dma_wait3A_590] : memref<125x80xi32, #tpu.memory_space<vmem>> -> memref<1x80xi32, #tpu.memory_space<vmem>>
      %dma_wait3A_592 = tpu.memref_squeeze %dma_wait3A_591 : memref<1x80xi32, #tpu.memory_space<vmem>> -> memref<80xi32, #tpu.memory_space<vmem>>
      %dma_wait3A_593 = arith.constant 0 : i32
      %dma_wait3A_594 = arith.constant 0 : i32
      %dma_wait3A_595 = tpu.memref_slice %arg3[%dma_wait3A_593, %dma_wait3A_594] : memref<10000x48xf32, #tpu.memory_space<hbm>> -> memref<10000x48xf32, #tpu.memory_space<hbm>>
      tpu.wait_indirect_dma semaphore(%arg23 : memref<!tpu.dma_semaphore, #tpu.memory_space<semaphore_mem>>) src(%dma_wait3A_595 : memref<10000x48xf32, #tpu.memory_space<hbm>>) dst(%arg11 : memref<80x48xf32, #tpu.memory_space<vmem>>)
      %dma_start3A_596 = arith.constant 0 : i32
      %dma_start3A_597 = tpu.memref_slice %arg8[%add3A_589, %dma_start3A_596] : memref<125x80xi32, #tpu.memory_space<vmem>> -> memref<1x80xi32, #tpu.memory_space<vmem>>
      %dma_start3A_598 = tpu.memref_squeeze %dma_start3A_597 : memref<1x80xi32, #tpu.memory_space<vmem>> -> memref<80xi32, #tpu.memory_space<vmem>>
      %dma_start3A_599 = arith.constant 0 : i32
      %dma_start3A_600 = arith.constant 0 : i32
      %dma_start3A_601 = tpu.memref_slice %arg6[%dma_start3A_599, %dma_start3A_600] : memref<10000x48xf32, #tpu.memory_space<vmem_shared>> -> memref<10000x48xf32, #tpu.memory_space<vmem_shared>>
      tpu.enqueue_indirect_dma source(%arg11 : memref<80x48xf32, #tpu.memory_space<vmem>>) target(%dma_start3A_601 : memref<10000x48xf32, #tpu.memory_space<vmem_shared>>) offsets(%dma_start3A_598 : memref<80xi32, #tpu.memory_space<vmem>>) semaphore(%arg33 : memref<!tpu.dma_semaphore, #tpu.memory_space<semaphore_mem>>) {add = true}
      %ge3A_602 = arith.constant 3 : i32
      %ge3A_603 = arith.cmpi sge, %add3A_589, %ge3A_602 : i32
      %convert_element_type3A_604 = arith.extui %ge3A_603 : i1 to i32
      %cond3A_605 = arith.constant 0 : i32
      %cond3A_606 = arith.cmpi ne, %convert_element_type3A_604, %cond3A_605 : i32
      scf.if %cond3A_606 {
        %dma_wait3A_1010 = arith.constant 0 : i32
        %dma_wait3A_1011 = arith.constant 0 : i32
        %dma_wait3A_1012 = tpu.memref_slice %arg8[%dma_wait3A_1010, %dma_wait3A_1011] : memref<125x80xi32, #tpu.memory_space<vmem>> -> memref<1x80xi32, #tpu.memory_space<vmem>>
        %dma_wait3A_1013 = tpu.memref_squeeze %dma_wait3A_1012 : memref<1x80xi32, #tpu.memory_space<vmem>> -> memref<80xi32, #tpu.memory_space<vmem>>
        %dma_wait3A_1014 = arith.constant 0 : i32
        %dma_wait3A_1015 = arith.constant 0 : i32
        %dma_wait3A_1016 = tpu.memref_slice %arg6[%dma_wait3A_1014, %dma_wait3A_1015] : memref<10000x48xf32, #tpu.memory_space<vmem_shared>> -> memref<10000x48xf32, #tpu.memory_space<vmem_shared>>
        tpu.wait_indirect_dma semaphore(%arg40 : memref<!tpu.dma_semaphore, #tpu.memory_space<semaphore_mem>>) src(%arg18 : memref<80x48xf32, #tpu.memory_space<vmem>>) dst(%dma_wait3A_1016 : memref<10000x48xf32, #tpu.memory_space<vmem_shared>>)
      } else {
      }
      %add3A_607 = arith.constant 7 : i32
      %add3A_608 = arith.addi %add3A_589, %add3A_607 : i32
      %lt3A_609 = arith.constant 125 : i32
      %lt3A_610 = arith.cmpi slt, %add3A_608, %lt3A_609 : i32
      %convert_element_type3A_611 = arith.extui %lt3A_610 : i1 to i32
      %cond3A_612 = arith.constant 0 : i32
      %cond3A_613 = arith.cmpi ne, %convert_element_type3A_611, %cond3A_612 : i32
      scf.if %cond3A_613 {
        %add3A_1010 = arith.constant 7 : i32
        %add3A_1011 = arith.addi %add3A_589, %add3A_1010 : i32
        %dma_start3A_1012 = arith.constant 0 : i32
        %dma_start3A_1013 = tpu.memref_slice %arg7[%add3A_1011, %dma_start3A_1012] : memref<125x80xi32, #tpu.memory_space<vmem>> -> memref<1x80xi32, #tpu.memory_space<vmem>>
        %dma_start3A_1014 = tpu.memref_squeeze %dma_start3A_1013 : memref<1x80xi32, #tpu.memory_space<vmem>> -> memref<80xi32, #tpu.memory_space<vmem>>
        %dma_start3A_1015 = arith.constant 0 : i32
        %dma_start3A_1016 = arith.constant 0 : i32
        %dma_start3A_1017 = tpu.memref_slice %arg3[%dma_start3A_1015, %dma_start3A_1016] : memref<10000x48xf32, #tpu.memory_space<hbm>> -> memref<10000x48xf32, #tpu.memory_space<hbm>>
        tpu.enqueue_indirect_dma source(%dma_start3A_1017 : memref<10000x48xf32, #tpu.memory_space<hbm>>) target(%arg18 : memref<80x48xf32, #tpu.memory_space<vmem>>) offsets(%dma_start3A_1014 : memref<80xi32, #tpu.memory_space<vmem>>) semaphore(%arg30 : memref<!tpu.dma_semaphore, #tpu.memory_space<semaphore_mem>>)
      } else {
      }
      %get3A_614 = arith.index_cast %add3A_589 : i32 to index
      %get3A_615 = arith.constant 0 : index
      %get3A_616 = tpu.vector_load %arg8[%get3A_614, %get3A_615] {strides = array<i32>} : memref<125x80xi32, #tpu.memory_space<vmem>>, vector<1x16xi32>,
      %get3A_617 = vector.shape_cast %get3A_616 : vector<1x16xi32> to vector<16xi32>
      %min3A_618 = arith.minsi %min3A_585, %get3A_617 : vector<16xi32>
      %get3A_619 = arith.index_cast %add3A_589 : i32 to index
      %get3A_620 = arith.constant 16 : index
      %get3A_621 = tpu.vector_load %arg8[%get3A_619, %get3A_620] {strides = array<i32>} : memref<125x80xi32, #tpu.memory_space<vmem>>, vector<1x16xi32>,
      %get3A_622 = vector.shape_cast %get3A_621 : vector<1x16xi32> to vector<16xi32>
      %min3A_623 = arith.minsi %min3A_618, %get3A_622 : vector<16xi32>
      %get3A_624 = arith.index_cast %add3A_589 : i32 to index
      %get3A_625 = arith.constant 32 : index
      %get3A_626 = tpu.vector_load %arg8[%get3A_624, %get3A_625] {strides = array<i32>} : memref<125x80xi32, #tpu.memory_space<vmem>>, vector<1x16xi32>,
      %get3A_627 = vector.shape_cast %get3A_626 : vector<1x16xi32> to vector<16xi32>
      %min3A_628 = arith.minsi %min3A_623, %get3A_627 : vector<16xi32>
      %get3A_629 = arith.index_cast %add3A_589 : i32 to index
      %get3A_630 = arith.constant 48 : index
      %get3A_631 = tpu.vector_load %arg8[%get3A_629, %get3A_630] {strides = array<i32>} : memref<125x80xi32, #tpu.memory_space<vmem>>, vector<1x16xi32>,
      %get3A_632 = vector.shape_cast %get3A_631 : vector<1x16xi32> to vector<16xi32>
      %min3A_633 = arith.minsi %min3A_628, %get3A_632 : vector<16xi32>
      %get3A_634 = arith.index_cast %add3A_589 : i32 to index
      %get3A_635 = arith.constant 64 : index
      %get3A_636 = tpu.vector_load %arg8[%get3A_634, %get3A_635] {strides = array<i32>} : memref<125x80xi32, #tpu.memory_space<vmem>>, vector<1x16xi32>,
      %get3A_637 = vector.shape_cast %get3A_636 : vector<1x16xi32> to vector<16xi32>
      %min3A_638 = arith.minsi %min3A_633, %get3A_637 : vector<16xi32>
      %mul3A_639 = arith.constant 10 : i32
      %mul3A_640 = arith.muli %scan3A_480, %mul3A_639 : i32
      %add3A_641 = arith.constant 3 : i32
      %add3A_642 = arith.addi %mul3A_640, %add3A_641 : i32
      %dma_wait3A_643 = arith.constant 0 : i32
      %dma_wait3A_644 = tpu.memref_slice %arg7[%add3A_642, %dma_wait3A_643] : memref<125x80xi32, #tpu.memory_space<vmem>> -> memref<1x80xi32, #tpu.memory_space<vmem>>
      %dma_wait3A_645 = tpu.memref_squeeze %dma_wait3A_644 : memref<1x80xi32, #tpu.memory_space<vmem>> -> memref<80xi32, #tpu.memory_space<vmem>>
      %dma_wait3A_646 = arith.constant 0 : i32
      %dma_wait3A_647 = arith.constant 0 : i32
      %dma_wait3A_648 = tpu.memref_slice %arg3[%dma_wait3A_646, %dma_wait3A_647] : memref<10000x48xf32, #tpu.memory_space<hbm>> -> memref<10000x48xf32, #tpu.memory_space<hbm>>
      tpu.wait_indirect_dma semaphore(%arg24 : memref<!tpu.dma_semaphore, #tpu.memory_space<semaphore_mem>>) src(%dma_wait3A_648 : memref<10000x48xf32, #tpu.memory_space<hbm>>) dst(%arg12 : memref<80x48xf32, #tpu.memory_space<vmem>>)
      %dma_start3A_649 = arith.constant 0 : i32
      %dma_start3A_650 = tpu.memref_slice %arg8[%add3A_642, %dma_start3A_649] : memref<125x80xi32, #tpu.memory_space<vmem>> -> memref<1x80xi32, #tpu.memory_space<vmem>>
      %dma_start3A_651 = tpu.memref_squeeze %dma_start3A_650 : memref<1x80xi32, #tpu.memory_space<vmem>> -> memref<80xi32, #tpu.memory_space<vmem>>
      %dma_start3A_652 = arith.constant 0 : i32
      %dma_start3A_653 = arith.constant 0 : i32
      %dma_start3A_654 = tpu.memref_slice %arg6[%dma_start3A_652, %dma_start3A_653] : memref<10000x48xf32, #tpu.memory_space<vmem_shared>> -> memref<10000x48xf32, #tpu.memory_space<vmem_shared>>
      tpu.enqueue_indirect_dma source(%arg12 : memref<80x48xf32, #tpu.memory_space<vmem>>) target(%dma_start3A_654 : memref<10000x48xf32, #tpu.memory_space<vmem_shared>>) offsets(%dma_start3A_651 : memref<80xi32, #tpu.memory_space<vmem>>) semaphore(%arg34 : memref<!tpu.dma_semaphore, #tpu.memory_space<semaphore_mem>>) {add = true}
      %ge3A_655 = arith.constant 3 : i32
      %ge3A_656 = arith.cmpi sge, %add3A_642, %ge3A_655 : i32
      %convert_element_type3A_657 = arith.extui %ge3A_656 : i1 to i32
      %cond3A_658 = arith.constant 0 : i32
      %cond3A_659 = arith.cmpi ne, %convert_element_type3A_657, %cond3A_658 : i32
      scf.if %cond3A_659 {
        %dma_wait3A_1010 = arith.constant 0 : i32
        %dma_wait3A_1011 = arith.constant 0 : i32
        %dma_wait3A_1012 = tpu.memref_slice %arg8[%dma_wait3A_1010, %dma_wait3A_1011] : memref<125x80xi32, #tpu.memory_space<vmem>> -> memref<1x80xi32, #tpu.memory_space<vmem>>
        %dma_wait3A_1013 = tpu.memref_squeeze %dma_wait3A_1012 : memref<1x80xi32, #tpu.memory_space<vmem>> -> memref<80xi32, #tpu.memory_space<vmem>>
        %dma_wait3A_1014 = arith.constant 0 : i32
        %dma_wait3A_1015 = arith.constant 0 : i32
        %dma_wait3A_1016 = tpu.memref_slice %arg6[%dma_wait3A_1014, %dma_wait3A_1015] : memref<10000x48xf32, #tpu.memory_space<vmem_shared>> -> memref<10000x48xf32, #tpu.memory_space<vmem_shared>>
        tpu.wait_indirect_dma semaphore(%arg31 : memref<!tpu.dma_semaphore, #tpu.memory_space<semaphore_mem>>) src(%arg9 : memref<80x48xf32, #tpu.memory_space<vmem>>) dst(%dma_wait3A_1016 : memref<10000x48xf32, #tpu.memory_space<vmem_shared>>)
      } else {
      }
      %add3A_660 = arith.constant 7 : i32
      %add3A_661 = arith.addi %add3A_642, %add3A_660 : i32
      %lt3A_662 = arith.constant 125 : i32
      %lt3A_663 = arith.cmpi slt, %add3A_661, %lt3A_662 : i32
      %convert_element_type3A_664 = arith.extui %lt3A_663 : i1 to i32
      %cond3A_665 = arith.constant 0 : i32
      %cond3A_666 = arith.cmpi ne, %convert_element_type3A_664, %cond3A_665 : i32
      scf.if %cond3A_666 {
        %add3A_1010 = arith.constant 7 : i32
        %add3A_1011 = arith.addi %add3A_642, %add3A_1010 : i32
        %dma_start3A_1012 = arith.constant 0 : i32
        %dma_start3A_1013 = tpu.memref_slice %arg7[%add3A_1011, %dma_start3A_1012] : memref<125x80xi32, #tpu.memory_space<vmem>> -> memref<1x80xi32, #tpu.memory_space<vmem>>
        %dma_start3A_1014 = tpu.memref_squeeze %dma_start3A_1013 : memref<1x80xi32, #tpu.memory_space<vmem>> -> memref<80xi32, #tpu.memory_space<vmem>>
        %dma_start3A_1015 = arith.constant 0 : i32
        %dma_start3A_1016 = arith.constant 0 : i32
        %dma_start3A_1017 = tpu.memref_slice %arg3[%dma_start3A_1015, %dma_start3A_1016] : memref<10000x48xf32, #tpu.memory_space<hbm>> -> memref<10000x48xf32, #tpu.memory_space<hbm>>
        tpu.enqueue_indirect_dma source(%dma_start3A_1017 : memref<10000x48xf32, #tpu.memory_space<hbm>>) target(%arg9 : memref<80x48xf32, #tpu.memory_space<vmem>>) offsets(%dma_start3A_1014 : memref<80xi32, #tpu.memory_space<vmem>>) semaphore(%arg21 : memref<!tpu.dma_semaphore, #tpu.memory_space<semaphore_mem>>)
      } else {
      }
      %get3A_667 = arith.index_cast %add3A_642 : i32 to index
      %get3A_668 = arith.constant 0 : index
      %get3A_669 = tpu.vector_load %arg8[%get3A_667, %get3A_668] {strides = array<i32>} : memref<125x80xi32, #tpu.memory_space<vmem>>, vector<1x16xi32>,
      %get3A_670 = vector.shape_cast %get3A_669 : vector<1x16xi32> to vector<16xi32>
      %min3A_671 = arith.minsi %min3A_638, %get3A_670 : vector<16xi32>
      %get3A_672 = arith.index_cast %add3A_642 : i32 to index
      %get3A_673 = arith.constant 16 : index
      %get3A_674 = tpu.vector_load %arg8[%get3A_672, %get3A_673] {strides = array<i32>} : memref<125x80xi32, #tpu.memory_space<vmem>>, vector<1x16xi32>,
      %get3A_675 = vector.shape_cast %get3A_674 : vector<1x16xi32> to vector<16xi32>
      %min3A_676 = arith.minsi %min3A_671, %get3A_675 : vector<16xi32>
      %get3A_677 = arith.index_cast %add3A_642 : i32 to index
      %get3A_678 = arith.constant 32 : index
      %get3A_679 = tpu.vector_load %arg8[%get3A_677, %get3A_678] {strides = array<i32>} : memref<125x80xi32, #tpu.memory_space<vmem>>, vector<1x16xi32>,
      %get3A_680 = vector.shape_cast %get3A_679 : vector<1x16xi32> to vector<16xi32>
      %min3A_681 = arith.minsi %min3A_676, %get3A_680 : vector<16xi32>
      %get3A_682 = arith.index_cast %add3A_642 : i32 to index
      %get3A_683 = arith.constant 48 : index
      %get3A_684 = tpu.vector_load %arg8[%get3A_682, %get3A_683] {strides = array<i32>} : memref<125x80xi32, #tpu.memory_space<vmem>>, vector<1x16xi32>,
      %get3A_685 = vector.shape_cast %get3A_684 : vector<1x16xi32> to vector<16xi32>
      %min3A_686 = arith.minsi %min3A_681, %get3A_685 : vector<16xi32>
      %get3A_687 = arith.index_cast %add3A_642 : i32 to index
      %get3A_688 = arith.constant 64 : index
      %get3A_689 = tpu.vector_load %arg8[%get3A_687, %get3A_688] {strides = array<i32>} : memref<125x80xi32, #tpu.memory_space<vmem>>, vector<1x16xi32>,
      %get3A_690 = vector.shape_cast %get3A_689 : vector<1x16xi32> to vector<16xi32>
      %min3A_691 = arith.minsi %min3A_686, %get3A_690 : vector<16xi32>
      %mul3A_692 = arith.constant 10 : i32
      %mul3A_693 = arith.muli %scan3A_480, %mul3A_692 : i32
      %add3A_694 = arith.constant 4 : i32
      %add3A_695 = arith.addi %mul3A_693, %add3A_694 : i32
      %dma_wait3A_696 = arith.constant 0 : i32
      %dma_wait3A_697 = tpu.memref_slice %arg7[%add3A_695, %dma_wait3A_696] : memref<125x80xi32, #tpu.memory_space<vmem>> -> memref<1x80xi32, #tpu.memory_space<vmem>>
      %dma_wait3A_698 = tpu.memref_squeeze %dma_wait3A_697 : memref<1x80xi32, #tpu.memory_space<vmem>> -> memref<80xi32, #tpu.memory_space<vmem>>
      %dma_wait3A_699 = arith.constant 0 : i32
      %dma_wait3A_700 = arith.constant 0 : i32
      %dma_wait3A_701 = tpu.memref_slice %arg3[%dma_wait3A_699, %dma_wait3A_700] : memref<10000x48xf32, #tpu.memory_space<hbm>> -> memref<10000x48xf32, #tpu.memory_space<hbm>>
      tpu.wait_indirect_dma semaphore(%arg25 : memref<!tpu.dma_semaphore, #tpu.memory_space<semaphore_mem>>) src(%dma_wait3A_701 : memref<10000x48xf32, #tpu.memory_space<hbm>>) dst(%arg13 : memref<80x48xf32, #tpu.memory_space<vmem>>)
      %dma_start3A_702 = arith.constant 0 : i32
      %dma_start3A_703 = tpu.memref_slice %arg8[%add3A_695, %dma_start3A_702] : memref<125x80xi32, #tpu.memory_space<vmem>> -> memref<1x80xi32, #tpu.memory_space<vmem>>
      %dma_start3A_704 = tpu.memref_squeeze %dma_start3A_703 : memref<1x80xi32, #tpu.memory_space<vmem>> -> memref<80xi32, #tpu.memory_space<vmem>>
      %dma_start3A_705 = arith.constant 0 : i32
      %dma_start3A_706 = arith.constant 0 : i32
      %dma_start3A_707 = tpu.memref_slice %arg6[%dma_start3A_705, %dma_start3A_706] : memref<10000x48xf32, #tpu.memory_space<vmem_shared>> -> memref<10000x48xf32, #tpu.memory_space<vmem_shared>>
      tpu.enqueue_indirect_dma source(%arg13 : memref<80x48xf32, #tpu.memory_space<vmem>>) target(%dma_start3A_707 : memref<10000x48xf32, #tpu.memory_space<vmem_shared>>) offsets(%dma_start3A_704 : memref<80xi32, #tpu.memory_space<vmem>>) semaphore(%arg35 : memref<!tpu.dma_semaphore, #tpu.memory_space<semaphore_mem>>) {add = true}
      %ge3A_708 = arith.constant 3 : i32
      %ge3A_709 = arith.cmpi sge, %add3A_695, %ge3A_708 : i32
      %convert_element_type3A_710 = arith.extui %ge3A_709 : i1 to i32
      %cond3A_711 = arith.constant 0 : i32
      %cond3A_712 = arith.cmpi ne, %convert_element_type3A_710, %cond3A_711 : i32
      scf.if %cond3A_712 {
        %dma_wait3A_1010 = arith.constant 0 : i32
        %dma_wait3A_1011 = arith.constant 0 : i32
        %dma_wait3A_1012 = tpu.memref_slice %arg8[%dma_wait3A_1010, %dma_wait3A_1011] : memref<125x80xi32, #tpu.memory_space<vmem>> -> memref<1x80xi32, #tpu.memory_space<vmem>>
        %dma_wait3A_1013 = tpu.memref_squeeze %dma_wait3A_1012 : memref<1x80xi32, #tpu.memory_space<vmem>> -> memref<80xi32, #tpu.memory_space<vmem>>
        %dma_wait3A_1014 = arith.constant 0 : i32
        %dma_wait3A_1015 = arith.constant 0 : i32
        %dma_wait3A_1016 = tpu.memref_slice %arg6[%dma_wait3A_1014, %dma_wait3A_1015] : memref<10000x48xf32, #tpu.memory_space<vmem_shared>> -> memref<10000x48xf32, #tpu.memory_space<vmem_shared>>
        tpu.wait_indirect_dma semaphore(%arg32 : memref<!tpu.dma_semaphore, #tpu.memory_space<semaphore_mem>>) src(%arg10 : memref<80x48xf32, #tpu.memory_space<vmem>>) dst(%dma_wait3A_1016 : memref<10000x48xf32, #tpu.memory_space<vmem_shared>>)
      } else {
      }
      %add3A_713 = arith.constant 7 : i32
      %add3A_714 = arith.addi %add3A_695, %add3A_713 : i32
      %lt3A_715 = arith.constant 125 : i32
      %lt3A_716 = arith.cmpi slt, %add3A_714, %lt3A_715 : i32
      %convert_element_type3A_717 = arith.extui %lt3A_716 : i1 to i32
      %cond3A_718 = arith.constant 0 : i32
      %cond3A_719 = arith.cmpi ne, %convert_element_type3A_717, %cond3A_718 : i32
      scf.if %cond3A_719 {
        %add3A_1010 = arith.constant 7 : i32
        %add3A_1011 = arith.addi %add3A_695, %add3A_1010 : i32
        %dma_start3A_1012 = arith.constant 0 : i32
        %dma_start3A_1013 = tpu.memref_slice %arg7[%add3A_1011, %dma_start3A_1012] : memref<125x80xi32, #tpu.memory_space<vmem>> -> memref<1x80xi32, #tpu.memory_space<vmem>>
        %dma_start3A_1014 = tpu.memref_squeeze %dma_start3A_1013 : memref<1x80xi32, #tpu.memory_space<vmem>> -> memref<80xi32, #tpu.memory_space<vmem>>
        %dma_start3A_1015 = arith.constant 0 : i32
        %dma_start3A_1016 = arith.constant 0 : i32
        %dma_start3A_1017 = tpu.memref_slice %arg3[%dma_start3A_1015, %dma_start3A_1016] : memref<10000x48xf32, #tpu.memory_space<hbm>> -> memref<10000x48xf32, #tpu.memory_space<hbm>>
        tpu.enqueue_indirect_dma source(%dma_start3A_1017 : memref<10000x48xf32, #tpu.memory_space<hbm>>) target(%arg10 : memref<80x48xf32, #tpu.memory_space<vmem>>) offsets(%dma_start3A_1014 : memref<80xi32, #tpu.memory_space<vmem>>) semaphore(%arg22 : memref<!tpu.dma_semaphore, #tpu.memory_space<semaphore_mem>>)
      } else {
      }
      %get3A_720 = arith.index_cast %add3A_695 : i32 to index
      %get3A_721 = arith.constant 0 : index
      %get3A_722 = tpu.vector_load %arg8[%get3A_720, %get3A_721] {strides = array<i32>} : memref<125x80xi32, #tpu.memory_space<vmem>>, vector<1x16xi32>,
      %get3A_723 = vector.shape_cast %get3A_722 : vector<1x16xi32> to vector<16xi32>
      %min3A_724 = arith.minsi %min3A_691, %get3A_723 : vector<16xi32>
      %get3A_725 = arith.index_cast %add3A_695 : i32 to index
      %get3A_726 = arith.constant 16 : index
      %get3A_727 = tpu.vector_load %arg8[%get3A_725, %get3A_726] {strides = array<i32>} : memref<125x80xi32, #tpu.memory_space<vmem>>, vector<1x16xi32>,
      %get3A_728 = vector.shape_cast %get3A_727 : vector<1x16xi32> to vector<16xi32>
      %min3A_729 = arith.minsi %min3A_724, %get3A_728 : vector<16xi32>
      %get3A_730 = arith.index_cast %add3A_695 : i32 to index
      %get3A_731 = arith.constant 32 : index
      %get3A_732 = tpu.vector_load %arg8[%get3A_730, %get3A_731] {strides = array<i32>} : memref<125x80xi32, #tpu.memory_space<vmem>>, vector<1x16xi32>,
      %get3A_733 = vector.shape_cast %get3A_732 : vector<1x16xi32> to vector<16xi32>
      %min3A_734 = arith.minsi %min3A_729, %get3A_733 : vector<16xi32>
      %get3A_735 = arith.index_cast %add3A_695 : i32 to index
      %get3A_736 = arith.constant 48 : index
      %get3A_737 = tpu.vector_load %arg8[%get3A_735, %get3A_736] {strides = array<i32>} : memref<125x80xi32, #tpu.memory_space<vmem>>, vector<1x16xi32>,
      %get3A_738 = vector.shape_cast %get3A_737 : vector<1x16xi32> to vector<16xi32>
      %min3A_739 = arith.minsi %min3A_734, %get3A_738 : vector<16xi32>
      %get3A_740 = arith.index_cast %add3A_695 : i32 to index
      %get3A_741 = arith.constant 64 : index
      %get3A_742 = tpu.vector_load %arg8[%get3A_740, %get3A_741] {strides = array<i32>} : memref<125x80xi32, #tpu.memory_space<vmem>>, vector<1x16xi32>,
      %get3A_743 = vector.shape_cast %get3A_742 : vector<1x16xi32> to vector<16xi32>
      %min3A_744 = arith.minsi %min3A_739, %get3A_743 : vector<16xi32>
      %mul3A_745 = arith.constant 10 : i32
      %mul3A_746 = arith.muli %scan3A_480, %mul3A_745 : i32
      %add3A_747 = arith.constant 5 : i32
      %add3A_748 = arith.addi %mul3A_746, %add3A_747 : i32
      %dma_wait3A_749 = arith.constant 0 : i32
      %dma_wait3A_750 = tpu.memref_slice %arg7[%add3A_748, %dma_wait3A_749] : memref<125x80xi32, #tpu.memory_space<vmem>> -> memref<1x80xi32, #tpu.memory_space<vmem>>
      %dma_wait3A_751 = tpu.memref_squeeze %dma_wait3A_750 : memref<1x80xi32, #tpu.memory_space<vmem>> -> memref<80xi32, #tpu.memory_space<vmem>>
      %dma_wait3A_752 = arith.constant 0 : i32
      %dma_wait3A_753 = arith.constant 0 : i32
      %dma_wait3A_754 = tpu.memref_slice %arg3[%dma_wait3A_752, %dma_wait3A_753] : memref<10000x48xf32, #tpu.memory_space<hbm>> -> memref<10000x48xf32, #tpu.memory_space<hbm>>
      tpu.wait_indirect_dma semaphore(%arg26 : memref<!tpu.dma_semaphore, #tpu.memory_space<semaphore_mem>>) src(%dma_wait3A_754 : memref<10000x48xf32, #tpu.memory_space<hbm>>) dst(%arg14 : memref<80x48xf32, #tpu.memory_space<vmem>>)
      %dma_start3A_755 = arith.constant 0 : i32
      %dma_start3A_756 = tpu.memref_slice %arg8[%add3A_748, %dma_start3A_755] : memref<125x80xi32, #tpu.memory_space<vmem>> -> memref<1x80xi32, #tpu.memory_space<vmem>>
      %dma_start3A_757 = tpu.memref_squeeze %dma_start3A_756 : memref<1x80xi32, #tpu.memory_space<vmem>> -> memref<80xi32, #tpu.memory_space<vmem>>
      %dma_start3A_758 = arith.constant 0 : i32
      %dma_start3A_759 = arith.constant 0 : i32
      %dma_start3A_760 = tpu.memref_slice %arg6[%dma_start3A_758, %dma_start3A_759] : memref<10000x48xf32, #tpu.memory_space<vmem_shared>> -> memref<10000x48xf32, #tpu.memory_space<vmem_shared>>
      tpu.enqueue_indirect_dma source(%arg14 : memref<80x48xf32, #tpu.memory_space<vmem>>) target(%dma_start3A_760 : memref<10000x48xf32, #tpu.memory_space<vmem_shared>>) offsets(%dma_start3A_757 : memref<80xi32, #tpu.memory_space<vmem>>) semaphore(%arg36 : memref<!tpu.dma_semaphore, #tpu.memory_space<semaphore_mem>>) {add = true}
      %ge3A_761 = arith.constant 3 : i32
      %ge3A_762 = arith.cmpi sge, %add3A_748, %ge3A_761 : i32
      %convert_element_type3A_763 = arith.extui %ge3A_762 : i1 to i32
      %cond3A_764 = arith.constant 0 : i32
      %cond3A_765 = arith.cmpi ne, %convert_element_type3A_763, %cond3A_764 : i32
      scf.if %cond3A_765 {
        %dma_wait3A_1010 = arith.constant 0 : i32
        %dma_wait3A_1011 = arith.constant 0 : i32
        %dma_wait3A_1012 = tpu.memref_slice %arg8[%dma_wait3A_1010, %dma_wait3A_1011] : memref<125x80xi32, #tpu.memory_space<vmem>> -> memref<1x80xi32, #tpu.memory_space<vmem>>
        %dma_wait3A_1013 = tpu.memref_squeeze %dma_wait3A_1012 : memref<1x80xi32, #tpu.memory_space<vmem>> -> memref<80xi32, #tpu.memory_space<vmem>>
        %dma_wait3A_1014 = arith.constant 0 : i32
        %dma_wait3A_1015 = arith.constant 0 : i32
        %dma_wait3A_1016 = tpu.memref_slice %arg6[%dma_wait3A_1014, %dma_wait3A_1015] : memref<10000x48xf32, #tpu.memory_space<vmem_shared>> -> memref<10000x48xf32, #tpu.memory_space<vmem_shared>>
        tpu.wait_indirect_dma semaphore(%arg33 : memref<!tpu.dma_semaphore, #tpu.memory_space<semaphore_mem>>) src(%arg11 : memref<80x48xf32, #tpu.memory_space<vmem>>) dst(%dma_wait3A_1016 : memref<10000x48xf32, #tpu.memory_space<vmem_shared>>)
      } else {
      }
      %add3A_766 = arith.constant 7 : i32
      %add3A_767 = arith.addi %add3A_748, %add3A_766 : i32
      %lt3A_768 = arith.constant 125 : i32
      %lt3A_769 = arith.cmpi slt, %add3A_767, %lt3A_768 : i32
      %convert_element_type3A_770 = arith.extui %lt3A_769 : i1 to i32
      %cond3A_771 = arith.constant 0 : i32
      %cond3A_772 = arith.cmpi ne, %convert_element_type3A_770, %cond3A_771 : i32
      scf.if %cond3A_772 {
        %add3A_1010 = arith.constant 7 : i32
        %add3A_1011 = arith.addi %add3A_748, %add3A_1010 : i32
        %dma_start3A_1012 = arith.constant 0 : i32
        %dma_start3A_1013 = tpu.memref_slice %arg7[%add3A_1011, %dma_start3A_1012] : memref<125x80xi32, #tpu.memory_space<vmem>> -> memref<1x80xi32, #tpu.memory_space<vmem>>
        %dma_start3A_1014 = tpu.memref_squeeze %dma_start3A_1013 : memref<1x80xi32, #tpu.memory_space<vmem>> -> memref<80xi32, #tpu.memory_space<vmem>>
        %dma_start3A_1015 = arith.constant 0 : i32
        %dma_start3A_1016 = arith.constant 0 : i32
        %dma_start3A_1017 = tpu.memref_slice %arg3[%dma_start3A_1015, %dma_start3A_1016] : memref<10000x48xf32, #tpu.memory_space<hbm>> -> memref<10000x48xf32, #tpu.memory_space<hbm>>
        tpu.enqueue_indirect_dma source(%dma_start3A_1017 : memref<10000x48xf32, #tpu.memory_space<hbm>>) target(%arg11 : memref<80x48xf32, #tpu.memory_space<vmem>>) offsets(%dma_start3A_1014 : memref<80xi32, #tpu.memory_space<vmem>>) semaphore(%arg23 : memref<!tpu.dma_semaphore, #tpu.memory_space<semaphore_mem>>)
      } else {
      }
      %get3A_773 = arith.index_cast %add3A_748 : i32 to index
      %get3A_774 = arith.constant 0 : index
      %get3A_775 = tpu.vector_load %arg8[%get3A_773, %get3A_774] {strides = array<i32>} : memref<125x80xi32, #tpu.memory_space<vmem>>, vector<1x16xi32>,
      %get3A_776 = vector.shape_cast %get3A_775 : vector<1x16xi32> to vector<16xi32>
      %min3A_777 = arith.minsi %min3A_744, %get3A_776 : vector<16xi32>
      %get3A_778 = arith.index_cast %add3A_748 : i32 to index
      %get3A_779 = arith.constant 16 : index
      %get3A_780 = tpu.vector_load %arg8[%get3A_778, %get3A_779] {strides = array<i32>} : memref<125x80xi32, #tpu.memory_space<vmem>>, vector<1x16xi32>,
      %get3A_781 = vector.shape_cast %get3A_780 : vector<1x16xi32> to vector<16xi32>
      %min3A_782 = arith.minsi %min3A_777, %get3A_781 : vector<16xi32>
      %get3A_783 = arith.index_cast %add3A_748 : i32 to index
      %get3A_784 = arith.constant 32 : index
      %get3A_785 = tpu.vector_load %arg8[%get3A_783, %get3A_784] {strides = array<i32>} : memref<125x80xi32, #tpu.memory_space<vmem>>, vector<1x16xi32>,
      %get3A_786 = vector.shape_cast %get3A_785 : vector<1x16xi32> to vector<16xi32>
      %min3A_787 = arith.minsi %min3A_782, %get3A_786 : vector<16xi32>
      %get3A_788 = arith.index_cast %add3A_748 : i32 to index
      %get3A_789 = arith.constant 48 : index
      %get3A_790 = tpu.vector_load %arg8[%get3A_788, %get3A_789] {strides = array<i32>} : memref<125x80xi32, #tpu.memory_space<vmem>>, vector<1x16xi32>,
      %get3A_791 = vector.shape_cast %get3A_790 : vector<1x16xi32> to vector<16xi32>
      %min3A_792 = arith.minsi %min3A_787, %get3A_791 : vector<16xi32>
      %get3A_793 = arith.index_cast %add3A_748 : i32 to index
      %get3A_794 = arith.constant 64 : index
      %get3A_795 = tpu.vector_load %arg8[%get3A_793, %get3A_794] {strides = array<i32>} : memref<125x80xi32, #tpu.memory_space<vmem>>, vector<1x16xi32>,
      %get3A_796 = vector.shape_cast %get3A_795 : vector<1x16xi32> to vector<16xi32>
      %min3A_797 = arith.minsi %min3A_792, %get3A_796 : vector<16xi32>
      %mul3A_798 = arith.constant 10 : i32
      %mul3A_799 = arith.muli %scan3A_480, %mul3A_798 : i32
      %add3A_800 = arith.constant 6 : i32
      %add3A_801 = arith.addi %mul3A_799, %add3A_800 : i32
      %dma_wait3A_802 = arith.constant 0 : i32
      %dma_wait3A_803 = tpu.memref_slice %arg7[%add3A_801, %dma_wait3A_802] : memref<125x80xi32, #tpu.memory_space<vmem>> -> memref<1x80xi32, #tpu.memory_space<vmem>>
      %dma_wait3A_804 = tpu.memref_squeeze %dma_wait3A_803 : memref<1x80xi32, #tpu.memory_space<vmem>> -> memref<80xi32, #tpu.memory_space<vmem>>
      %dma_wait3A_805 = arith.constant 0 : i32
      %dma_wait3A_806 = arith.constant 0 : i32
      %dma_wait3A_807 = tpu.memref_slice %arg3[%dma_wait3A_805, %dma_wait3A_806] : memref<10000x48xf32, #tpu.memory_space<hbm>> -> memref<10000x48xf32, #tpu.memory_space<hbm>>
      tpu.wait_indirect_dma semaphore(%arg27 : memref<!tpu.dma_semaphore, #tpu.memory_space<semaphore_mem>>) src(%dma_wait3A_807 : memref<10000x48xf32, #tpu.memory_space<hbm>>) dst(%arg15 : memref<80x48xf32, #tpu.memory_space<vmem>>)
      %dma_start3A_808 = arith.constant 0 : i32
      %dma_start3A_809 = tpu.memref_slice %arg8[%add3A_801, %dma_start3A_808] : memref<125x80xi32, #tpu.memory_space<vmem>> -> memref<1x80xi32, #tpu.memory_space<vmem>>
      %dma_start3A_810 = tpu.memref_squeeze %dma_start3A_809 : memref<1x80xi32, #tpu.memory_space<vmem>> -> memref<80xi32, #tpu.memory_space<vmem>>
      %dma_start3A_811 = arith.constant 0 : i32
      %dma_start3A_812 = arith.constant 0 : i32
      %dma_start3A_813 = tpu.memref_slice %arg6[%dma_start3A_811, %dma_start3A_812] : memref<10000x48xf32, #tpu.memory_space<vmem_shared>> -> memref<10000x48xf32, #tpu.memory_space<vmem_shared>>
      tpu.enqueue_indirect_dma source(%arg15 : memref<80x48xf32, #tpu.memory_space<vmem>>) target(%dma_start3A_813 : memref<10000x48xf32, #tpu.memory_space<vmem_shared>>) offsets(%dma_start3A_810 : memref<80xi32, #tpu.memory_space<vmem>>) semaphore(%arg37 : memref<!tpu.dma_semaphore, #tpu.memory_space<semaphore_mem>>) {add = true}
      %ge3A_814 = arith.constant 3 : i32
      %ge3A_815 = arith.cmpi sge, %add3A_801, %ge3A_814 : i32
      %convert_element_type3A_816 = arith.extui %ge3A_815 : i1 to i32
      %cond3A_817 = arith.constant 0 : i32
      %cond3A_818 = arith.cmpi ne, %convert_element_type3A_816, %cond3A_817 : i32
      scf.if %cond3A_818 {
        %dma_wait3A_1010 = arith.constant 0 : i32
        %dma_wait3A_1011 = arith.constant 0 : i32
        %dma_wait3A_1012 = tpu.memref_slice %arg8[%dma_wait3A_1010, %dma_wait3A_1011] : memref<125x80xi32, #tpu.memory_space<vmem>> -> memref<1x80xi32, #tpu.memory_space<vmem>>
        %dma_wait3A_1013 = tpu.memref_squeeze %dma_wait3A_1012 : memref<1x80xi32, #tpu.memory_space<vmem>> -> memref<80xi32, #tpu.memory_space<vmem>>
        %dma_wait3A_1014 = arith.constant 0 : i32
        %dma_wait3A_1015 = arith.constant 0 : i32
        %dma_wait3A_1016 = tpu.memref_slice %arg6[%dma_wait3A_1014, %dma_wait3A_1015] : memref<10000x48xf32, #tpu.memory_space<vmem_shared>> -> memref<10000x48xf32, #tpu.memory_space<vmem_shared>>
        tpu.wait_indirect_dma semaphore(%arg34 : memref<!tpu.dma_semaphore, #tpu.memory_space<semaphore_mem>>) src(%arg12 : memref<80x48xf32, #tpu.memory_space<vmem>>) dst(%dma_wait3A_1016 : memref<10000x48xf32, #tpu.memory_space<vmem_shared>>)
      } else {
      }
      %add3A_819 = arith.constant 7 : i32
      %add3A_820 = arith.addi %add3A_801, %add3A_819 : i32
      %lt3A_821 = arith.constant 125 : i32
      %lt3A_822 = arith.cmpi slt, %add3A_820, %lt3A_821 : i32
      %convert_element_type3A_823 = arith.extui %lt3A_822 : i1 to i32
      %cond3A_824 = arith.constant 0 : i32
      %cond3A_825 = arith.cmpi ne, %convert_element_type3A_823, %cond3A_824 : i32
      scf.if %cond3A_825 {
        %add3A_1010 = arith.constant 7 : i32
        %add3A_1011 = arith.addi %add3A_801, %add3A_1010 : i32
        %dma_start3A_1012 = arith.constant 0 : i32
        %dma_start3A_1013 = tpu.memref_slice %arg7[%add3A_1011, %dma_start3A_1012] : memref<125x80xi32, #tpu.memory_space<vmem>> -> memref<1x80xi32, #tpu.memory_space<vmem>>
        %dma_start3A_1014 = tpu.memref_squeeze %dma_start3A_1013 : memref<1x80xi32, #tpu.memory_space<vmem>> -> memref<80xi32, #tpu.memory_space<vmem>>
        %dma_start3A_1015 = arith.constant 0 : i32
        %dma_start3A_1016 = arith.constant 0 : i32
        %dma_start3A_1017 = tpu.memref_slice %arg3[%dma_start3A_1015, %dma_start3A_1016] : memref<10000x48xf32, #tpu.memory_space<hbm>> -> memref<10000x48xf32, #tpu.memory_space<hbm>>
        tpu.enqueue_indirect_dma source(%dma_start3A_1017 : memref<10000x48xf32, #tpu.memory_space<hbm>>) target(%arg12 : memref<80x48xf32, #tpu.memory_space<vmem>>) offsets(%dma_start3A_1014 : memref<80xi32, #tpu.memory_space<vmem>>) semaphore(%arg24 : memref<!tpu.dma_semaphore, #tpu.memory_space<semaphore_mem>>)
      } else {
      }
      %get3A_826 = arith.index_cast %add3A_801 : i32 to index
      %get3A_827 = arith.constant 0 : index
      %get3A_828 = tpu.vector_load %arg8[%get3A_826, %get3A_827] {strides = array<i32>} : memref<125x80xi32, #tpu.memory_space<vmem>>, vector<1x16xi32>,
      %get3A_829 = vector.shape_cast %get3A_828 : vector<1x16xi32> to vector<16xi32>
      %min3A_830 = arith.minsi %min3A_797, %get3A_829 : vector<16xi32>
      %get3A_831 = arith.index_cast %add3A_801 : i32 to index
      %get3A_832 = arith.constant 16 : index
      %get3A_833 = tpu.vector_load %arg8[%get3A_831, %get3A_832] {strides = array<i32>} : memref<125x80xi32, #tpu.memory_space<vmem>>, vector<1x16xi32>,
      %get3A_834 = vector.shape_cast %get3A_833 : vector<1x16xi32> to vector<16xi32>
      %min3A_835 = arith.minsi %min3A_830, %get3A_834 : vector<16xi32>
      %get3A_836 = arith.index_cast %add3A_801 : i32 to index
      %get3A_837 = arith.constant 32 : index
      %get3A_838 = tpu.vector_load %arg8[%get3A_836, %get3A_837] {strides = array<i32>} : memref<125x80xi32, #tpu.memory_space<vmem>>, vector<1x16xi32>,
      %get3A_839 = vector.shape_cast %get3A_838 : vector<1x16xi32> to vector<16xi32>
      %min3A_840 = arith.minsi %min3A_835, %get3A_839 : vector<16xi32>
      %get3A_841 = arith.index_cast %add3A_801 : i32 to index
      %get3A_842 = arith.constant 48 : index
      %get3A_843 = tpu.vector_load %arg8[%get3A_841, %get3A_842] {strides = array<i32>} : memref<125x80xi32, #tpu.memory_space<vmem>>, vector<1x16xi32>,
      %get3A_844 = vector.shape_cast %get3A_843 : vector<1x16xi32> to vector<16xi32>
      %min3A_845 = arith.minsi %min3A_840, %get3A_844 : vector<16xi32>
      %get3A_846 = arith.index_cast %add3A_801 : i32 to index
      %get3A_847 = arith.constant 64 : index
      %get3A_848 = tpu.vector_load %arg8[%get3A_846, %get3A_847] {strides = array<i32>} : memref<125x80xi32, #tpu.memory_space<vmem>>, vector<1x16xi32>,
      %get3A_849 = vector.shape_cast %get3A_848 : vector<1x16xi32> to vector<16xi32>
      %min3A_850 = arith.minsi %min3A_845, %get3A_849 : vector<16xi32>
      %mul3A_851 = arith.constant 10 : i32
      %mul3A_852 = arith.muli %scan3A_480, %mul3A_851 : i32
      %add3A_853 = arith.constant 7 : i32
      %add3A_854 = arith.addi %mul3A_852, %add3A_853 : i32
      %dma_wait3A_855 = arith.constant 0 : i32
      %dma_wait3A_856 = tpu.memref_slice %arg7[%add3A_854, %dma_wait3A_855] : memref<125x80xi32, #tpu.memory_space<vmem>> -> memref<1x80xi32, #tpu.memory_space<vmem>>
      %dma_wait3A_857 = tpu.memref_squeeze %dma_wait3A_856 : memref<1x80xi32, #tpu.memory_space<vmem>> -> memref<80xi32, #tpu.memory_space<vmem>>
      %dma_wait3A_858 = arith.constant 0 : i32
      %dma_wait3A_859 = arith.constant 0 : i32
      %dma_wait3A_860 = tpu.memref_slice %arg3[%dma_wait3A_858, %dma_wait3A_859] : memref<10000x48xf32, #tpu.memory_space<hbm>> -> memref<10000x48xf32, #tpu.memory_space<hbm>>
      tpu.wait_indirect_dma semaphore(%arg28 : memref<!tpu.dma_semaphore, #tpu.memory_space<semaphore_mem>>) src(%dma_wait3A_860 : memref<10000x48xf32, #tpu.memory_space<hbm>>) dst(%arg16 : memref<80x48xf32, #tpu.memory_space<vmem>>)
      %dma_start3A_861 = arith.constant 0 : i32
      %dma_start3A_862 = tpu.memref_slice %arg8[%add3A_854, %dma_start3A_861] : memref<125x80xi32, #tpu.memory_space<vmem>> -> memref<1x80xi32, #tpu.memory_space<vmem>>
      %dma_start3A_863 = tpu.memref_squeeze %dma_start3A_862 : memref<1x80xi32, #tpu.memory_space<vmem>> -> memref<80xi32, #tpu.memory_space<vmem>>
      %dma_start3A_864 = arith.constant 0 : i32
      %dma_start3A_865 = arith.constant 0 : i32
      %dma_start3A_866 = tpu.memref_slice %arg6[%dma_start3A_864, %dma_start3A_865] : memref<10000x48xf32, #tpu.memory_space<vmem_shared>> -> memref<10000x48xf32, #tpu.memory_space<vmem_shared>>
      tpu.enqueue_indirect_dma source(%arg16 : memref<80x48xf32, #tpu.memory_space<vmem>>) target(%dma_start3A_866 : memref<10000x48xf32, #tpu.memory_space<vmem_shared>>) offsets(%dma_start3A_863 : memref<80xi32, #tpu.memory_space<vmem>>) semaphore(%arg38 : memref<!tpu.dma_semaphore, #tpu.memory_space<semaphore_mem>>) {add = true}
      %ge3A_867 = arith.constant 3 : i32
      %ge3A_868 = arith.cmpi sge, %add3A_854, %ge3A_867 : i32
      %convert_element_type3A_869 = arith.extui %ge3A_868 : i1 to i32
      %cond3A_870 = arith.constant 0 : i32
      %cond3A_871 = arith.cmpi ne, %convert_element_type3A_869, %cond3A_870 : i32
      scf.if %cond3A_871 {
        %dma_wait3A_1010 = arith.constant 0 : i32
        %dma_wait3A_1011 = arith.constant 0 : i32
        %dma_wait3A_1012 = tpu.memref_slice %arg8[%dma_wait3A_1010, %dma_wait3A_1011] : memref<125x80xi32, #tpu.memory_space<vmem>> -> memref<1x80xi32, #tpu.memory_space<vmem>>
        %dma_wait3A_1013 = tpu.memref_squeeze %dma_wait3A_1012 : memref<1x80xi32, #tpu.memory_space<vmem>> -> memref<80xi32, #tpu.memory_space<vmem>>
        %dma_wait3A_1014 = arith.constant 0 : i32
        %dma_wait3A_1015 = arith.constant 0 : i32
        %dma_wait3A_1016 = tpu.memref_slice %arg6[%dma_wait3A_1014, %dma_wait3A_1015] : memref<10000x48xf32, #tpu.memory_space<vmem_shared>> -> memref<10000x48xf32, #tpu.memory_space<vmem_shared>>
        tpu.wait_indirect_dma semaphore(%arg35 : memref<!tpu.dma_semaphore, #tpu.memory_space<semaphore_mem>>) src(%arg13 : memref<80x48xf32, #tpu.memory_space<vmem>>) dst(%dma_wait3A_1016 : memref<10000x48xf32, #tpu.memory_space<vmem_shared>>)
      } else {
      }
      %add3A_872 = arith.constant 7 : i32
      %add3A_873 = arith.addi %add3A_854, %add3A_872 : i32
      %lt3A_874 = arith.constant 125 : i32
      %lt3A_875 = arith.cmpi slt, %add3A_873, %lt3A_874 : i32
      %convert_element_type3A_876 = arith.extui %lt3A_875 : i1 to i32
      %cond3A_877 = arith.constant 0 : i32
      %cond3A_878 = arith.cmpi ne, %convert_element_type3A_876, %cond3A_877 : i32
      scf.if %cond3A_878 {
        %add3A_1010 = arith.constant 7 : i32
        %add3A_1011 = arith.addi %add3A_854, %add3A_1010 : i32
        %dma_start3A_1012 = arith.constant 0 : i32
        %dma_start3A_1013 = tpu.memref_slice %arg7[%add3A_1011, %dma_start3A_1012] : memref<125x80xi32, #tpu.memory_space<vmem>> -> memref<1x80xi32, #tpu.memory_space<vmem>>
        %dma_start3A_1014 = tpu.memref_squeeze %dma_start3A_1013 : memref<1x80xi32, #tpu.memory_space<vmem>> -> memref<80xi32, #tpu.memory_space<vmem>>
        %dma_start3A_1015 = arith.constant 0 : i32
        %dma_start3A_1016 = arith.constant 0 : i32
        %dma_start3A_1017 = tpu.memref_slice %arg3[%dma_start3A_1015, %dma_start3A_1016] : memref<10000x48xf32, #tpu.memory_space<hbm>> -> memref<10000x48xf32, #tpu.memory_space<hbm>>
        tpu.enqueue_indirect_dma source(%dma_start3A_1017 : memref<10000x48xf32, #tpu.memory_space<hbm>>) target(%arg13 : memref<80x48xf32, #tpu.memory_space<vmem>>) offsets(%dma_start3A_1014 : memref<80xi32, #tpu.memory_space<vmem>>) semaphore(%arg25 : memref<!tpu.dma_semaphore, #tpu.memory_space<semaphore_mem>>)
      } else {
      }
      %get3A_879 = arith.index_cast %add3A_854 : i32 to index
      %get3A_880 = arith.constant 0 : index
      %get3A_881 = tpu.vector_load %arg8[%get3A_879, %get3A_880] {strides = array<i32>} : memref<125x80xi32, #tpu.memory_space<vmem>>, vector<1x16xi32>,
      %get3A_882 = vector.shape_cast %get3A_881 : vector<1x16xi32> to vector<16xi32>
      %min3A_883 = arith.minsi %min3A_850, %get3A_882 : vector<16xi32>
      %get3A_884 = arith.index_cast %add3A_854 : i32 to index
      %get3A_885 = arith.constant 16 : index
      %get3A_886 = tpu.vector_load %arg8[%get3A_884, %get3A_885] {strides = array<i32>} : memref<125x80xi32, #tpu.memory_space<vmem>>, vector<1x16xi32>,
      %get3A_887 = vector.shape_cast %get3A_886 : vector<1x16xi32> to vector<16xi32>
      %min3A_888 = arith.minsi %min3A_883, %get3A_887 : vector<16xi32>
      %get3A_889 = arith.index_cast %add3A_854 : i32 to index
      %get3A_890 = arith.constant 32 : index
      %get3A_891 = tpu.vector_load %arg8[%get3A_889, %get3A_890] {strides = array<i32>} : memref<125x80xi32, #tpu.memory_space<vmem>>, vector<1x16xi32>,
      %get3A_892 = vector.shape_cast %get3A_891 : vector<1x16xi32> to vector<16xi32>
      %min3A_893 = arith.minsi %min3A_888, %get3A_892 : vector<16xi32>
      %get3A_894 = arith.index_cast %add3A_854 : i32 to index
      %get3A_895 = arith.constant 48 : index
      %get3A_896 = tpu.vector_load %arg8[%get3A_894, %get3A_895] {strides = array<i32>} : memref<125x80xi32, #tpu.memory_space<vmem>>, vector<1x16xi32>,
      %get3A_897 = vector.shape_cast %get3A_896 : vector<1x16xi32> to vector<16xi32>
      %min3A_898 = arith.minsi %min3A_893, %get3A_897 : vector<16xi32>
      %get3A_899 = arith.index_cast %add3A_854 : i32 to index
      %get3A_900 = arith.constant 64 : index
      %get3A_901 = tpu.vector_load %arg8[%get3A_899, %get3A_900] {strides = array<i32>} : memref<125x80xi32, #tpu.memory_space<vmem>>, vector<1x16xi32>,
      %get3A_902 = vector.shape_cast %get3A_901 : vector<1x16xi32> to vector<16xi32>
      %min3A_903 = arith.minsi %min3A_898, %get3A_902 : vector<16xi32>
      %mul3A_904 = arith.constant 10 : i32
      %mul3A_905 = arith.muli %scan3A_480, %mul3A_904 : i32
      %add3A_906 = arith.constant 8 : i32
      %add3A_907 = arith.addi %mul3A_905, %add3A_906 : i32
      %dma_wait3A_908 = arith.constant 0 : i32
      %dma_wait3A_909 = tpu.memref_slice %arg7[%add3A_907, %dma_wait3A_908] : memref<125x80xi32, #tpu.memory_space<vmem>> -> memref<1x80xi32, #tpu.memory_space<vmem>>
      %dma_wait3A_910 = tpu.memref_squeeze %dma_wait3A_909 : memref<1x80xi32, #tpu.memory_space<vmem>> -> memref<80xi32, #tpu.memory_space<vmem>>
      %dma_wait3A_911 = arith.constant 0 : i32
      %dma_wait3A_912 = arith.constant 0 : i32
      %dma_wait3A_913 = tpu.memref_slice %arg3[%dma_wait3A_911, %dma_wait3A_912] : memref<10000x48xf32, #tpu.memory_space<hbm>> -> memref<10000x48xf32, #tpu.memory_space<hbm>>
      tpu.wait_indirect_dma semaphore(%arg29 : memref<!tpu.dma_semaphore, #tpu.memory_space<semaphore_mem>>) src(%dma_wait3A_913 : memref<10000x48xf32, #tpu.memory_space<hbm>>) dst(%arg17 : memref<80x48xf32, #tpu.memory_space<vmem>>)
      %dma_start3A_914 = arith.constant 0 : i32
      %dma_start3A_915 = tpu.memref_slice %arg8[%add3A_907, %dma_start3A_914] : memref<125x80xi32, #tpu.memory_space<vmem>> -> memref<1x80xi32, #tpu.memory_space<vmem>>
      %dma_start3A_916 = tpu.memref_squeeze %dma_start3A_915 : memref<1x80xi32, #tpu.memory_space<vmem>> -> memref<80xi32, #tpu.memory_space<vmem>>
      %dma_start3A_917 = arith.constant 0 : i32
      %dma_start3A_918 = arith.constant 0 : i32
      %dma_start3A_919 = tpu.memref_slice %arg6[%dma_start3A_917, %dma_start3A_918] : memref<10000x48xf32, #tpu.memory_space<vmem_shared>> -> memref<10000x48xf32, #tpu.memory_space<vmem_shared>>
      tpu.enqueue_indirect_dma source(%arg17 : memref<80x48xf32, #tpu.memory_space<vmem>>) target(%dma_start3A_919 : memref<10000x48xf32, #tpu.memory_space<vmem_shared>>) offsets(%dma_start3A_916 : memref<80xi32, #tpu.memory_space<vmem>>) semaphore(%arg39 : memref<!tpu.dma_semaphore, #tpu.memory_space<semaphore_mem>>) {add = true}
      %ge3A_920 = arith.constant 3 : i32
      %ge3A_921 = arith.cmpi sge, %add3A_907, %ge3A_920 : i32
      %convert_element_type3A_922 = arith.extui %ge3A_921 : i1 to i32
      %cond3A_923 = arith.constant 0 : i32
      %cond3A_924 = arith.cmpi ne, %convert_element_type3A_922, %cond3A_923 : i32
      scf.if %cond3A_924 {
        %dma_wait3A_1010 = arith.constant 0 : i32
        %dma_wait3A_1011 = arith.constant 0 : i32
        %dma_wait3A_1012 = tpu.memref_slice %arg8[%dma_wait3A_1010, %dma_wait3A_1011] : memref<125x80xi32, #tpu.memory_space<vmem>> -> memref<1x80xi32, #tpu.memory_space<vmem>>
        %dma_wait3A_1013 = tpu.memref_squeeze %dma_wait3A_1012 : memref<1x80xi32, #tpu.memory_space<vmem>> -> memref<80xi32, #tpu.memory_space<vmem>>
        %dma_wait3A_1014 = arith.constant 0 : i32
        %dma_wait3A_1015 = arith.constant 0 : i32
        %dma_wait3A_1016 = tpu.memref_slice %arg6[%dma_wait3A_1014, %dma_wait3A_1015] : memref<10000x48xf32, #tpu.memory_space<vmem_shared>> -> memref<10000x48xf32, #tpu.memory_space<vmem_shared>>
        tpu.wait_indirect_dma semaphore(%arg36 : memref<!tpu.dma_semaphore, #tpu.memory_space<semaphore_mem>>) src(%arg14 : memref<80x48xf32, #tpu.memory_space<vmem>>) dst(%dma_wait3A_1016 : memref<10000x48xf32, #tpu.memory_space<vmem_shared>>)
      } else {
      }
      %add3A_925 = arith.constant 7 : i32
      %add3A_926 = arith.addi %add3A_907, %add3A_925 : i32
      %lt3A_927 = arith.constant 125 : i32
      %lt3A_928 = arith.cmpi slt, %add3A_926, %lt3A_927 : i32
      %convert_element_type3A_929 = arith.extui %lt3A_928 : i1 to i32
      %cond3A_930 = arith.constant 0 : i32
      %cond3A_931 = arith.cmpi ne, %convert_element_type3A_929, %cond3A_930 : i32
      scf.if %cond3A_931 {
        %add3A_1010 = arith.constant 7 : i32
        %add3A_1011 = arith.addi %add3A_907, %add3A_1010 : i32
        %dma_start3A_1012 = arith.constant 0 : i32
        %dma_start3A_1013 = tpu.memref_slice %arg7[%add3A_1011, %dma_start3A_1012] : memref<125x80xi32, #tpu.memory_space<vmem>> -> memref<1x80xi32, #tpu.memory_space<vmem>>
        %dma_start3A_1014 = tpu.memref_squeeze %dma_start3A_1013 : memref<1x80xi32, #tpu.memory_space<vmem>> -> memref<80xi32, #tpu.memory_space<vmem>>
        %dma_start3A_1015 = arith.constant 0 : i32
        %dma_start3A_1016 = arith.constant 0 : i32
        %dma_start3A_1017 = tpu.memref_slice %arg3[%dma_start3A_1015, %dma_start3A_1016] : memref<10000x48xf32, #tpu.memory_space<hbm>> -> memref<10000x48xf32, #tpu.memory_space<hbm>>
        tpu.enqueue_indirect_dma source(%dma_start3A_1017 : memref<10000x48xf32, #tpu.memory_space<hbm>>) target(%arg14 : memref<80x48xf32, #tpu.memory_space<vmem>>) offsets(%dma_start3A_1014 : memref<80xi32, #tpu.memory_space<vmem>>) semaphore(%arg26 : memref<!tpu.dma_semaphore, #tpu.memory_space<semaphore_mem>>)
      } else {
      }
      %get3A_932 = arith.index_cast %add3A_907 : i32 to index
      %get3A_933 = arith.constant 0 : index
      %get3A_934 = tpu.vector_load %arg8[%get3A_932, %get3A_933] {strides = array<i32>} : memref<125x80xi32, #tpu.memory_space<vmem>>, vector<1x16xi32>,
      %get3A_935 = vector.shape_cast %get3A_934 : vector<1x16xi32> to vector<16xi32>
      %min3A_936 = arith.minsi %min3A_903, %get3A_935 : vector<16xi32>
      %get3A_937 = arith.index_cast %add3A_907 : i32 to index
      %get3A_938 = arith.constant 16 : index
      %get3A_939 = tpu.vector_load %arg8[%get3A_937, %get3A_938] {strides = array<i32>} : memref<125x80xi32, #tpu.memory_space<vmem>>, vector<1x16xi32>,
      %get3A_940 = vector.shape_cast %get3A_939 : vector<1x16xi32> to vector<16xi32>
      %min3A_941 = arith.minsi %min3A_936, %get3A_940 : vector<16xi32>
      %get3A_942 = arith.index_cast %add3A_907 : i32 to index
      %get3A_943 = arith.constant 32 : index
      %get3A_944 = tpu.vector_load %arg8[%get3A_942, %get3A_943] {strides = array<i32>} : memref<125x80xi32, #tpu.memory_space<vmem>>, vector<1x16xi32>,
      %get3A_945 = vector.shape_cast %get3A_944 : vector<1x16xi32> to vector<16xi32>
      %min3A_946 = arith.minsi %min3A_941, %get3A_945 : vector<16xi32>
      %get3A_947 = arith.index_cast %add3A_907 : i32 to index
      %get3A_948 = arith.constant 48 : index
      %get3A_949 = tpu.vector_load %arg8[%get3A_947, %get3A_948] {strides = array<i32>} : memref<125x80xi32, #tpu.memory_space<vmem>>, vector<1x16xi32>,
      %get3A_950 = vector.shape_cast %get3A_949 : vector<1x16xi32> to vector<16xi32>
      %min3A_951 = arith.minsi %min3A_946, %get3A_950 : vector<16xi32>
      %get3A_952 = arith.index_cast %add3A_907 : i32 to index
      %get3A_953 = arith.constant 64 : index
      %get3A_954 = tpu.vector_load %arg8[%get3A_952, %get3A_953] {strides = array<i32>} : memref<125x80xi32, #tpu.memory_space<vmem>>, vector<1x16xi32>,
      %get3A_955 = vector.shape_cast %get3A_954 : vector<1x16xi32> to vector<16xi32>
      %min3A_956 = arith.minsi %min3A_951, %get3A_955 : vector<16xi32>
      %mul3A_957 = arith.constant 10 : i32
      %mul3A_958 = arith.muli %scan3A_480, %mul3A_957 : i32
      %add3A_959 = arith.constant 9 : i32
      %add3A_960 = arith.addi %mul3A_958, %add3A_959 : i32
      %dma_wait3A_961 = arith.constant 0 : i32
      %dma_wait3A_962 = tpu.memref_slice %arg7[%add3A_960, %dma_wait3A_961] : memref<125x80xi32, #tpu.memory_space<vmem>> -> memref<1x80xi32, #tpu.memory_space<vmem>>
      %dma_wait3A_963 = tpu.memref_squeeze %dma_wait3A_962 : memref<1x80xi32, #tpu.memory_space<vmem>> -> memref<80xi32, #tpu.memory_space<vmem>>
      %dma_wait3A_964 = arith.constant 0 : i32
      %dma_wait3A_965 = arith.constant 0 : i32
      %dma_wait3A_966 = tpu.memref_slice %arg3[%dma_wait3A_964, %dma_wait3A_965] : memref<10000x48xf32, #tpu.memory_space<hbm>> -> memref<10000x48xf32, #tpu.memory_space<hbm>>
      tpu.wait_indirect_dma semaphore(%arg30 : memref<!tpu.dma_semaphore, #tpu.memory_space<semaphore_mem>>) src(%dma_wait3A_966 : memref<10000x48xf32, #tpu.memory_space<hbm>>) dst(%arg18 : memref<80x48xf32, #tpu.memory_space<vmem>>)
      %dma_start3A_967 = arith.constant 0 : i32
      %dma_start3A_968 = tpu.memref_slice %arg8[%add3A_960, %dma_start3A_967] : memref<125x80xi32, #tpu.memory_space<vmem>> -> memref<1x80xi32, #tpu.memory_space<vmem>>
      %dma_start3A_969 = tpu.memref_squeeze %dma_start3A_968 : memref<1x80xi32, #tpu.memory_space<vmem>> -> memref<80xi32, #tpu.memory_space<vmem>>
      %dma_start3A_970 = arith.constant 0 : i32
      %dma_start3A_971 = arith.constant 0 : i32
      %dma_start3A_972 = tpu.memref_slice %arg6[%dma_start3A_970, %dma_start3A_971] : memref<10000x48xf32, #tpu.memory_space<vmem_shared>> -> memref<10000x48xf32, #tpu.memory_space<vmem_shared>>
      tpu.enqueue_indirect_dma source(%arg18 : memref<80x48xf32, #tpu.memory_space<vmem>>) target(%dma_start3A_972 : memref<10000x48xf32, #tpu.memory_space<vmem_shared>>) offsets(%dma_start3A_969 : memref<80xi32, #tpu.memory_space<vmem>>) semaphore(%arg40 : memref<!tpu.dma_semaphore, #tpu.memory_space<semaphore_mem>>) {add = true}
      %ge3A_973 = arith.constant 3 : i32
      %ge3A_974 = arith.cmpi sge, %add3A_960, %ge3A_973 : i32
      %convert_element_type3A_975 = arith.extui %ge3A_974 : i1 to i32
      %cond3A_976 = arith.constant 0 : i32
      %cond3A_977 = arith.cmpi ne, %convert_element_type3A_975, %cond3A_976 : i32
      scf.if %cond3A_977 {
        %dma_wait3A_1010 = arith.constant 0 : i32
        %dma_wait3A_1011 = arith.constant 0 : i32
        %dma_wait3A_1012 = tpu.memref_slice %arg8[%dma_wait3A_1010, %dma_wait3A_1011] : memref<125x80xi32, #tpu.memory_space<vmem>> -> memref<1x80xi32, #tpu.memory_space<vmem>>
        %dma_wait3A_1013 = tpu.memref_squeeze %dma_wait3A_1012 : memref<1x80xi32, #tpu.memory_space<vmem>> -> memref<80xi32, #tpu.memory_space<vmem>>
        %dma_wait3A_1014 = arith.constant 0 : i32
        %dma_wait3A_1015 = arith.constant 0 : i32
        %dma_wait3A_1016 = tpu.memref_slice %arg6[%dma_wait3A_1014, %dma_wait3A_1015] : memref<10000x48xf32, #tpu.memory_space<vmem_shared>> -> memref<10000x48xf32, #tpu.memory_space<vmem_shared>>
        tpu.wait_indirect_dma semaphore(%arg37 : memref<!tpu.dma_semaphore, #tpu.memory_space<semaphore_mem>>) src(%arg15 : memref<80x48xf32, #tpu.memory_space<vmem>>) dst(%dma_wait3A_1016 : memref<10000x48xf32, #tpu.memory_space<vmem_shared>>)
      } else {
      }
      %add3A_978 = arith.constant 7 : i32
      %add3A_979 = arith.addi %add3A_960, %add3A_978 : i32
      %lt3A_980 = arith.constant 125 : i32
      %lt3A_981 = arith.cmpi slt, %add3A_979, %lt3A_980 : i32
      %convert_element_type3A_982 = arith.extui %lt3A_981 : i1 to i32
      %cond3A_983 = arith.constant 0 : i32
      %cond3A_984 = arith.cmpi ne, %convert_element_type3A_982, %cond3A_983 : i32
      scf.if %cond3A_984 {
        %add3A_1010 = arith.constant 7 : i32
        %add3A_1011 = arith.addi %add3A_960, %add3A_1010 : i32
        %dma_start3A_1012 = arith.constant 0 : i32
        %dma_start3A_1013 = tpu.memref_slice %arg7[%add3A_1011, %dma_start3A_1012] : memref<125x80xi32, #tpu.memory_space<vmem>> -> memref<1x80xi32, #tpu.memory_space<vmem>>
        %dma_start3A_1014 = tpu.memref_squeeze %dma_start3A_1013 : memref<1x80xi32, #tpu.memory_space<vmem>> -> memref<80xi32, #tpu.memory_space<vmem>>
        %dma_start3A_1015 = arith.constant 0 : i32
        %dma_start3A_1016 = arith.constant 0 : i32
        %dma_start3A_1017 = tpu.memref_slice %arg3[%dma_start3A_1015, %dma_start3A_1016] : memref<10000x48xf32, #tpu.memory_space<hbm>> -> memref<10000x48xf32, #tpu.memory_space<hbm>>
        tpu.enqueue_indirect_dma source(%dma_start3A_1017 : memref<10000x48xf32, #tpu.memory_space<hbm>>) target(%arg15 : memref<80x48xf32, #tpu.memory_space<vmem>>) offsets(%dma_start3A_1014 : memref<80xi32, #tpu.memory_space<vmem>>) semaphore(%arg27 : memref<!tpu.dma_semaphore, #tpu.memory_space<semaphore_mem>>)
      } else {
      }
      %get3A_985 = arith.index_cast %add3A_960 : i32 to index
      %get3A_986 = arith.constant 0 : index
      %get3A_987 = tpu.vector_load %arg8[%get3A_985, %get3A_986] {strides = array<i32>} : memref<125x80xi32, #tpu.memory_space<vmem>>, vector<1x16xi32>,
      %get3A_988 = vector.shape_cast %get3A_987 : vector<1x16xi32> to vector<16xi32>
      %min3A_989 = arith.minsi %min3A_956, %get3A_988 : vector<16xi32>
      %get3A_990 = arith.index_cast %add3A_960 : i32 to index
      %get3A_991 = arith.constant 16 : index
      %get3A_992 = tpu.vector_load %arg8[%get3A_990, %get3A_991] {strides = array<i32>} : memref<125x80xi32, #tpu.memory_space<vmem>>, vector<1x16xi32>,
      %get3A_993 = vector.shape_cast %get3A_992 : vector<1x16xi32> to vector<16xi32>
      %min3A_994 = arith.minsi %min3A_989, %get3A_993 : vector<16xi32>
      %get3A_995 = arith.index_cast %add3A_960 : i32 to index
      %get3A_996 = arith.constant 32 : index
      %get3A_997 = tpu.vector_load %arg8[%get3A_995, %get3A_996] {strides = array<i32>} : memref<125x80xi32, #tpu.memory_space<vmem>>, vector<1x16xi32>,
      %get3A_998 = vector.shape_cast %get3A_997 : vector<1x16xi32> to vector<16xi32>
      %min3A_999 = arith.minsi %min3A_994, %get3A_998 : vector<16xi32>
      %get3A_1000 = arith.index_cast %add3A_960 : i32 to index
      %get3A_1001 = arith.constant 48 : index
      %get3A_1002 = tpu.vector_load %arg8[%get3A_1000, %get3A_1001] {strides = array<i32>} : memref<125x80xi32, #tpu.memory_space<vmem>>, vector<1x16xi32>,
      %get3A_1003 = vector.shape_cast %get3A_1002 : vector<1x16xi32> to vector<16xi32>
      %min3A_1004 = arith.minsi %min3A_999, %get3A_1003 : vector<16xi32>
      %get3A_1005 = arith.index_cast %add3A_960 : i32 to index
      %get3A_1006 = arith.constant 64 : index
      %get3A_1007 = tpu.vector_load %arg8[%get3A_1005, %get3A_1006] {strides = array<i32>} : memref<125x80xi32, #tpu.memory_space<vmem>>, vector<1x16xi32>,
      %get3A_1008 = vector.shape_cast %get3A_1007 : vector<1x16xi32> to vector<16xi32>
      %min3A_1009 = arith.minsi %min3A_1004, %get3A_1008 : vector<16xi32>
      scf.yield %min3A_1009 : vector<16xi32>
    }
    %scan3A_192 = arith.constant 12 : i32
    %dma_wait3A_193 = arith.constant 120 : i32
    %dma_wait3A_194 = arith.constant 0 : i32
    %dma_wait3A_195 = tpu.memref_slice %arg7[%dma_wait3A_193, %dma_wait3A_194] : memref<125x80xi32, #tpu.memory_space<vmem>> -> memref<1x80xi32, #tpu.memory_space<vmem>>
    %dma_wait3A_196 = tpu.memref_squeeze %dma_wait3A_195 : memref<1x80xi32, #tpu.memory_space<vmem>> -> memref<80xi32, #tpu.memory_space<vmem>>
    %dma_wait3A_197 = arith.constant 0 : i32
    %dma_wait3A_198 = arith.constant 0 : i32
    %dma_wait3A_199 = tpu.memref_slice %arg3[%dma_wait3A_197, %dma_wait3A_198] : memref<10000x48xf32, #tpu.memory_space<hbm>> -> memref<10000x48xf32, #tpu.memory_space<hbm>>
    tpu.wait_indirect_dma semaphore(%arg21 : memref<!tpu.dma_semaphore, #tpu.memory_space<semaphore_mem>>) src(%dma_wait3A_199 : memref<10000x48xf32, #tpu.memory_space<hbm>>) dst(%arg9 : memref<80x48xf32, #tpu.memory_space<vmem>>)
    %dma_start3A_200 = arith.constant 120 : i32
    %dma_start3A_201 = arith.constant 0 : i32
    %dma_start3A_202 = tpu.memref_slice %arg8[%dma_start3A_200, %dma_start3A_201] : memref<125x80xi32, #tpu.memory_space<vmem>> -> memref<1x80xi32, #tpu.memory_space<vmem>>
    %dma_start3A_203 = tpu.memref_squeeze %dma_start3A_202 : memref<1x80xi32, #tpu.memory_space<vmem>> -> memref<80xi32, #tpu.memory_space<vmem>>
    %dma_start3A_204 = arith.constant 0 : i32
    %dma_start3A_205 = arith.constant 0 : i32
    %dma_start3A_206 = tpu.memref_slice %arg6[%dma_start3A_204, %dma_start3A_205] : memref<10000x48xf32, #tpu.memory_space<vmem_shared>> -> memref<10000x48xf32, #tpu.memory_space<vmem_shared>>
    tpu.enqueue_indirect_dma source(%arg9 : memref<80x48xf32, #tpu.memory_space<vmem>>) target(%dma_start3A_206 : memref<10000x48xf32, #tpu.memory_space<vmem_shared>>) offsets(%dma_start3A_203 : memref<80xi32, #tpu.memory_space<vmem>>) semaphore(%arg31 : memref<!tpu.dma_semaphore, #tpu.memory_space<semaphore_mem>>) {add = true}
    %dma_wait3A_207 = arith.constant 0 : i32
    %dma_wait3A_208 = arith.constant 0 : i32
    %dma_wait3A_209 = tpu.memref_slice %arg8[%dma_wait3A_207, %dma_wait3A_208] : memref<125x80xi32, #tpu.memory_space<vmem>> -> memref<1x80xi32, #tpu.memory_space<vmem>>
    %dma_wait3A_210 = tpu.memref_squeeze %dma_wait3A_209 : memref<1x80xi32, #tpu.memory_space<vmem>> -> memref<80xi32, #tpu.memory_space<vmem>>
    %dma_wait3A_211 = arith.constant 0 : i32
    %dma_wait3A_212 = arith.constant 0 : i32
    %dma_wait3A_213 = tpu.memref_slice %arg6[%dma_wait3A_211, %dma_wait3A_212] : memref<10000x48xf32, #tpu.memory_space<vmem_shared>> -> memref<10000x48xf32, #tpu.memory_space<vmem_shared>>
    tpu.wait_indirect_dma semaphore(%arg38 : memref<!tpu.dma_semaphore, #tpu.memory_space<semaphore_mem>>) src(%arg16 : memref<80x48xf32, #tpu.memory_space<vmem>>) dst(%dma_wait3A_213 : memref<10000x48xf32, #tpu.memory_space<vmem_shared>>)
    %get3A = arith.constant 120 : i32
    %get3A_214 = arith.index_cast %get3A : i32 to index
    %get3A_215 = arith.constant 0 : index
    %get3A_216 = tpu.vector_load %arg8[%get3A_214, %get3A_215] {strides = array<i32>} : memref<125x80xi32, #tpu.memory_space<vmem>>, vector<1x16xi32>,
    %get3A_217 = vector.shape_cast %get3A_216 : vector<1x16xi32> to vector<16xi32>
    %min3A = arith.minsi %scan3A_191, %get3A_217 : vector<16xi32>
    %get3A_218 = arith.constant 120 : i32
    %get3A_219 = arith.index_cast %get3A_218 : i32 to index
    %get3A_220 = arith.constant 16 : index
    %get3A_221 = tpu.vector_load %arg8[%get3A_219, %get3A_220] {strides = array<i32>} : memref<125x80xi32, #tpu.memory_space<vmem>>, vector<1x16xi32>,
    %get3A_222 = vector.shape_cast %get3A_221 : vector<1x16xi32> to vector<16xi32>
    %min3A_223 = arith.minsi %min3A, %get3A_222 : vector<16xi32>
    %get3A_224 = arith.constant 120 : i32
    %get3A_225 = arith.index_cast %get3A_224 : i32 to index
    %get3A_226 = arith.constant 32 : index
    %get3A_227 = tpu.vector_load %arg8[%get3A_225, %get3A_226] {strides = array<i32>} : memref<125x80xi32, #tpu.memory_space<vmem>>, vector<1x16xi32>,
    %get3A_228 = vector.shape_cast %get3A_227 : vector<1x16xi32> to vector<16xi32>
    %min3A_229 = arith.minsi %min3A_223, %get3A_228 : vector<16xi32>
    %get3A_230 = arith.constant 120 : i32
    %get3A_231 = arith.index_cast %get3A_230 : i32 to index
    %get3A_232 = arith.constant 48 : index
    %get3A_233 = tpu.vector_load %arg8[%get3A_231, %get3A_232] {strides = array<i32>} : memref<125x80xi32, #tpu.memory_space<vmem>>, vector<1x16xi32>,
    %get3A_234 = vector.shape_cast %get3A_233 : vector<1x16xi32> to vector<16xi32>
    %min3A_235 = arith.minsi %min3A_229, %get3A_234 : vector<16xi32>
    %get3A_236 = arith.constant 120 : i32
    %get3A_237 = arith.index_cast %get3A_236 : i32 to index
    %get3A_238 = arith.constant 64 : index
    %get3A_239 = tpu.vector_load %arg8[%get3A_237, %get3A_238] {strides = array<i32>} : memref<125x80xi32, #tpu.memory_space<vmem>>, vector<1x16xi32>,
    %get3A_240 = vector.shape_cast %get3A_239 : vector<1x16xi32> to vector<16xi32>
    %min3A_241 = arith.minsi %min3A_235, %get3A_240 : vector<16xi32>
    %dma_wait3A_242 = arith.constant 121 : i32
    %dma_wait3A_243 = arith.constant 0 : i32
    %dma_wait3A_244 = tpu.memref_slice %arg7[%dma_wait3A_242, %dma_wait3A_243] : memref<125x80xi32, #tpu.memory_space<vmem>> -> memref<1x80xi32, #tpu.memory_space<vmem>>
    %dma_wait3A_245 = tpu.memref_squeeze %dma_wait3A_244 : memref<1x80xi32, #tpu.memory_space<vmem>> -> memref<80xi32, #tpu.memory_space<vmem>>
    %dma_wait3A_246 = arith.constant 0 : i32
    %dma_wait3A_247 = arith.constant 0 : i32
    %dma_wait3A_248 = tpu.memref_slice %arg3[%dma_wait3A_246, %dma_wait3A_247] : memref<10000x48xf32, #tpu.memory_space<hbm>> -> memref<10000x48xf32, #tpu.memory_space<hbm>>
    tpu.wait_indirect_dma semaphore(%arg22 : memref<!tpu.dma_semaphore, #tpu.memory_space<semaphore_mem>>) src(%dma_wait3A_248 : memref<10000x48xf32, #tpu.memory_space<hbm>>) dst(%arg10 : memref<80x48xf32, #tpu.memory_space<vmem>>)
    %dma_start3A_249 = arith.constant 121 : i32
    %dma_start3A_250 = arith.constant 0 : i32
    %dma_start3A_251 = tpu.memref_slice %arg8[%dma_start3A_249, %dma_start3A_250] : memref<125x80xi32, #tpu.memory_space<vmem>> -> memref<1x80xi32, #tpu.memory_space<vmem>>
    %dma_start3A_252 = tpu.memref_squeeze %dma_start3A_251 : memref<1x80xi32, #tpu.memory_space<vmem>> -> memref<80xi32, #tpu.memory_space<vmem>>
    %dma_start3A_253 = arith.constant 0 : i32
    %dma_start3A_254 = arith.constant 0 : i32
    %dma_start3A_255 = tpu.memref_slice %arg6[%dma_start3A_253, %dma_start3A_254] : memref<10000x48xf32, #tpu.memory_space<vmem_shared>> -> memref<10000x48xf32, #tpu.memory_space<vmem_shared>>
    tpu.enqueue_indirect_dma source(%arg10 : memref<80x48xf32, #tpu.memory_space<vmem>>) target(%dma_start3A_255 : memref<10000x48xf32, #tpu.memory_space<vmem_shared>>) offsets(%dma_start3A_252 : memref<80xi32, #tpu.memory_space<vmem>>) semaphore(%arg32 : memref<!tpu.dma_semaphore, #tpu.memory_space<semaphore_mem>>) {add = true}
    %dma_wait3A_256 = arith.constant 0 : i32
    %dma_wait3A_257 = arith.constant 0 : i32
    %dma_wait3A_258 = tpu.memref_slice %arg8[%dma_wait3A_256, %dma_wait3A_257] : memref<125x80xi32, #tpu.memory_space<vmem>> -> memref<1x80xi32, #tpu.memory_space<vmem>>
    %dma_wait3A_259 = tpu.memref_squeeze %dma_wait3A_258 : memref<1x80xi32, #tpu.memory_space<vmem>> -> memref<80xi32, #tpu.memory_space<vmem>>
    %dma_wait3A_260 = arith.constant 0 : i32
    %dma_wait3A_261 = arith.constant 0 : i32
    %dma_wait3A_262 = tpu.memref_slice %arg6[%dma_wait3A_260, %dma_wait3A_261] : memref<10000x48xf32, #tpu.memory_space<vmem_shared>> -> memref<10000x48xf32, #tpu.memory_space<vmem_shared>>
    tpu.wait_indirect_dma semaphore(%arg39 : memref<!tpu.dma_semaphore, #tpu.memory_space<semaphore_mem>>) src(%arg17 : memref<80x48xf32, #tpu.memory_space<vmem>>) dst(%dma_wait3A_262 : memref<10000x48xf32, #tpu.memory_space<vmem_shared>>)
    %get3A_263 = arith.constant 121 : i32
    %get3A_264 = arith.index_cast %get3A_263 : i32 to index
    %get3A_265 = arith.constant 0 : index
    %get3A_266 = tpu.vector_load %arg8[%get3A_264, %get3A_265] {strides = array<i32>} : memref<125x80xi32, #tpu.memory_space<vmem>>, vector<1x16xi32>,
    %get3A_267 = vector.shape_cast %get3A_266 : vector<1x16xi32> to vector<16xi32>
    %min3A_268 = arith.minsi %min3A_241, %get3A_267 : vector<16xi32>
    %get3A_269 = arith.constant 121 : i32
    %get3A_270 = arith.index_cast %get3A_269 : i32 to index
    %get3A_271 = arith.constant 16 : index
    %get3A_272 = tpu.vector_load %arg8[%get3A_270, %get3A_271] {strides = array<i32>} : memref<125x80xi32, #tpu.memory_space<vmem>>, vector<1x16xi32>,
    %get3A_273 = vector.shape_cast %get3A_272 : vector<1x16xi32> to vector<16xi32>
    %min3A_274 = arith.minsi %min3A_268, %get3A_273 : vector<16xi32>
    %get3A_275 = arith.constant 121 : i32
    %get3A_276 = arith.index_cast %get3A_275 : i32 to index
    %get3A_277 = arith.constant 32 : index
    %get3A_278 = tpu.vector_load %arg8[%get3A_276, %get3A_277] {strides = array<i32>} : memref<125x80xi32, #tpu.memory_space<vmem>>, vector<1x16xi32>,
    %get3A_279 = vector.shape_cast %get3A_278 : vector<1x16xi32> to vector<16xi32>
    %min3A_280 = arith.minsi %min3A_274, %get3A_279 : vector<16xi32>
    %get3A_281 = arith.constant 121 : i32
    %get3A_282 = arith.index_cast %get3A_281 : i32 to index
    %get3A_283 = arith.constant 48 : index
    %get3A_284 = tpu.vector_load %arg8[%get3A_282, %get3A_283] {strides = array<i32>} : memref<125x80xi32, #tpu.memory_space<vmem>>, vector<1x16xi32>,
    %get3A_285 = vector.shape_cast %get3A_284 : vector<1x16xi32> to vector<16xi32>
    %min3A_286 = arith.minsi %min3A_280, %get3A_285 : vector<16xi32>
    %get3A_287 = arith.constant 121 : i32
    %get3A_288 = arith.index_cast %get3A_287 : i32 to index
    %get3A_289 = arith.constant 64 : index
    %get3A_290 = tpu.vector_load %arg8[%get3A_288, %get3A_289] {strides = array<i32>} : memref<125x80xi32, #tpu.memory_space<vmem>>, vector<1x16xi32>,
    %get3A_291 = vector.shape_cast %get3A_290 : vector<1x16xi32> to vector<16xi32>
    %min3A_292 = arith.minsi %min3A_286, %get3A_291 : vector<16xi32>
    %dma_wait3A_293 = arith.constant 122 : i32
    %dma_wait3A_294 = arith.constant 0 : i32
    %dma_wait3A_295 = tpu.memref_slice %arg7[%dma_wait3A_293, %dma_wait3A_294] : memref<125x80xi32, #tpu.memory_space<vmem>> -> memref<1x80xi32, #tpu.memory_space<vmem>>
    %dma_wait3A_296 = tpu.memref_squeeze %dma_wait3A_295 : memref<1x80xi32, #tpu.memory_space<vmem>> -> memref<80xi32, #tpu.memory_space<vmem>>
    %dma_wait3A_297 = arith.constant 0 : i32
    %dma_wait3A_298 = arith.constant 0 : i32
    %dma_wait3A_299 = tpu.memref_slice %arg3[%dma_wait3A_297, %dma_wait3A_298] : memref<10000x48xf32, #tpu.memory_space<hbm>> -> memref<10000x48xf32, #tpu.memory_space<hbm>>
    tpu.wait_indirect_dma semaphore(%arg23 : memref<!tpu.dma_semaphore, #tpu.memory_space<semaphore_mem>>) src(%dma_wait3A_299 : memref<10000x48xf32, #tpu.memory_space<hbm>>) dst(%arg11 : memref<80x48xf32, #tpu.memory_space<vmem>>)
    %dma_start3A_300 = arith.constant 122 : i32
    %dma_start3A_301 = arith.constant 0 : i32
    %dma_start3A_302 = tpu.memref_slice %arg8[%dma_start3A_300, %dma_start3A_301] : memref<125x80xi32, #tpu.memory_space<vmem>> -> memref<1x80xi32, #tpu.memory_space<vmem>>
    %dma_start3A_303 = tpu.memref_squeeze %dma_start3A_302 : memref<1x80xi32, #tpu.memory_space<vmem>> -> memref<80xi32, #tpu.memory_space<vmem>>
    %dma_start3A_304 = arith.constant 0 : i32
    %dma_start3A_305 = arith.constant 0 : i32
    %dma_start3A_306 = tpu.memref_slice %arg6[%dma_start3A_304, %dma_start3A_305] : memref<10000x48xf32, #tpu.memory_space<vmem_shared>> -> memref<10000x48xf32, #tpu.memory_space<vmem_shared>>
    tpu.enqueue_indirect_dma source(%arg11 : memref<80x48xf32, #tpu.memory_space<vmem>>) target(%dma_start3A_306 : memref<10000x48xf32, #tpu.memory_space<vmem_shared>>) offsets(%dma_start3A_303 : memref<80xi32, #tpu.memory_space<vmem>>) semaphore(%arg33 : memref<!tpu.dma_semaphore, #tpu.memory_space<semaphore_mem>>) {add = true}
    %dma_wait3A_307 = arith.constant 0 : i32
    %dma_wait3A_308 = arith.constant 0 : i32
    %dma_wait3A_309 = tpu.memref_slice %arg8[%dma_wait3A_307, %dma_wait3A_308] : memref<125x80xi32, #tpu.memory_space<vmem>> -> memref<1x80xi32, #tpu.memory_space<vmem>>
    %dma_wait3A_310 = tpu.memref_squeeze %dma_wait3A_309 : memref<1x80xi32, #tpu.memory_space<vmem>> -> memref<80xi32, #tpu.memory_space<vmem>>
    %dma_wait3A_311 = arith.constant 0 : i32
    %dma_wait3A_312 = arith.constant 0 : i32
    %dma_wait3A_313 = tpu.memref_slice %arg6[%dma_wait3A_311, %dma_wait3A_312] : memref<10000x48xf32, #tpu.memory_space<vmem_shared>> -> memref<10000x48xf32, #tpu.memory_space<vmem_shared>>
    tpu.wait_indirect_dma semaphore(%arg40 : memref<!tpu.dma_semaphore, #tpu.memory_space<semaphore_mem>>) src(%arg18 : memref<80x48xf32, #tpu.memory_space<vmem>>) dst(%dma_wait3A_313 : memref<10000x48xf32, #tpu.memory_space<vmem_shared>>)
    %get3A_314 = arith.constant 122 : i32
    %get3A_315 = arith.index_cast %get3A_314 : i32 to index
    %get3A_316 = arith.constant 0 : index
    %get3A_317 = tpu.vector_load %arg8[%get3A_315, %get3A_316] {strides = array<i32>} : memref<125x80xi32, #tpu.memory_space<vmem>>, vector<1x16xi32>,
    %get3A_318 = vector.shape_cast %get3A_317 : vector<1x16xi32> to vector<16xi32>
    %min3A_319 = arith.minsi %min3A_292, %get3A_318 : vector<16xi32>
    %get3A_320 = arith.constant 122 : i32
    %get3A_321 = arith.index_cast %get3A_320 : i32 to index
    %get3A_322 = arith.constant 16 : index
    %get3A_323 = tpu.vector_load %arg8[%get3A_321, %get3A_322] {strides = array<i32>} : memref<125x80xi32, #tpu.memory_space<vmem>>, vector<1x16xi32>,
    %get3A_324 = vector.shape_cast %get3A_323 : vector<1x16xi32> to vector<16xi32>
    %min3A_325 = arith.minsi %min3A_319, %get3A_324 : vector<16xi32>
    %get3A_326 = arith.constant 122 : i32
    %get3A_327 = arith.index_cast %get3A_326 : i32 to index
    %get3A_328 = arith.constant 32 : index
    %get3A_329 = tpu.vector_load %arg8[%get3A_327, %get3A_328] {strides = array<i32>} : memref<125x80xi32, #tpu.memory_space<vmem>>, vector<1x16xi32>,
    %get3A_330 = vector.shape_cast %get3A_329 : vector<1x16xi32> to vector<16xi32>
    %min3A_331 = arith.minsi %min3A_325, %get3A_330 : vector<16xi32>
    %get3A_332 = arith.constant 122 : i32
    %get3A_333 = arith.index_cast %get3A_332 : i32 to index
    %get3A_334 = arith.constant 48 : index
    %get3A_335 = tpu.vector_load %arg8[%get3A_333, %get3A_334] {strides = array<i32>} : memref<125x80xi32, #tpu.memory_space<vmem>>, vector<1x16xi32>,
    %get3A_336 = vector.shape_cast %get3A_335 : vector<1x16xi32> to vector<16xi32>
    %min3A_337 = arith.minsi %min3A_331, %get3A_336 : vector<16xi32>
    %get3A_338 = arith.constant 122 : i32
    %get3A_339 = arith.index_cast %get3A_338 : i32 to index
    %get3A_340 = arith.constant 64 : index
    %get3A_341 = tpu.vector_load %arg8[%get3A_339, %get3A_340] {strides = array<i32>} : memref<125x80xi32, #tpu.memory_space<vmem>>, vector<1x16xi32>,
    %get3A_342 = vector.shape_cast %get3A_341 : vector<1x16xi32> to vector<16xi32>
    %min3A_343 = arith.minsi %min3A_337, %get3A_342 : vector<16xi32>
    %dma_wait3A_344 = arith.constant 123 : i32
    %dma_wait3A_345 = arith.constant 0 : i32
    %dma_wait3A_346 = tpu.memref_slice %arg7[%dma_wait3A_344, %dma_wait3A_345] : memref<125x80xi32, #tpu.memory_space<vmem>> -> memref<1x80xi32, #tpu.memory_space<vmem>>
    %dma_wait3A_347 = tpu.memref_squeeze %dma_wait3A_346 : memref<1x80xi32, #tpu.memory_space<vmem>> -> memref<80xi32, #tpu.memory_space<vmem>>
    %dma_wait3A_348 = arith.constant 0 : i32
    %dma_wait3A_349 = arith.constant 0 : i32
    %dma_wait3A_350 = tpu.memref_slice %arg3[%dma_wait3A_348, %dma_wait3A_349] : memref<10000x48xf32, #tpu.memory_space<hbm>> -> memref<10000x48xf32, #tpu.memory_space<hbm>>
    tpu.wait_indirect_dma semaphore(%arg24 : memref<!tpu.dma_semaphore, #tpu.memory_space<semaphore_mem>>) src(%dma_wait3A_350 : memref<10000x48xf32, #tpu.memory_space<hbm>>) dst(%arg12 : memref<80x48xf32, #tpu.memory_space<vmem>>)
    %dma_start3A_351 = arith.constant 123 : i32
    %dma_start3A_352 = arith.constant 0 : i32
    %dma_start3A_353 = tpu.memref_slice %arg8[%dma_start3A_351, %dma_start3A_352] : memref<125x80xi32, #tpu.memory_space<vmem>> -> memref<1x80xi32, #tpu.memory_space<vmem>>
    %dma_start3A_354 = tpu.memref_squeeze %dma_start3A_353 : memref<1x80xi32, #tpu.memory_space<vmem>> -> memref<80xi32, #tpu.memory_space<vmem>>
    %dma_start3A_355 = arith.constant 0 : i32
    %dma_start3A_356 = arith.constant 0 : i32
    %dma_start3A_357 = tpu.memref_slice %arg6[%dma_start3A_355, %dma_start3A_356] : memref<10000x48xf32, #tpu.memory_space<vmem_shared>> -> memref<10000x48xf32, #tpu.memory_space<vmem_shared>>
    tpu.enqueue_indirect_dma source(%arg12 : memref<80x48xf32, #tpu.memory_space<vmem>>) target(%dma_start3A_357 : memref<10000x48xf32, #tpu.memory_space<vmem_shared>>) offsets(%dma_start3A_354 : memref<80xi32, #tpu.memory_space<vmem>>) semaphore(%arg34 : memref<!tpu.dma_semaphore, #tpu.memory_space<semaphore_mem>>) {add = true}
    %dma_wait3A_358 = arith.constant 0 : i32
    %dma_wait3A_359 = arith.constant 0 : i32
    %dma_wait3A_360 = tpu.memref_slice %arg8[%dma_wait3A_358, %dma_wait3A_359] : memref<125x80xi32, #tpu.memory_space<vmem>> -> memref<1x80xi32, #tpu.memory_space<vmem>>
    %dma_wait3A_361 = tpu.memref_squeeze %dma_wait3A_360 : memref<1x80xi32, #tpu.memory_space<vmem>> -> memref<80xi32, #tpu.memory_space<vmem>>
    %dma_wait3A_362 = arith.constant 0 : i32
    %dma_wait3A_363 = arith.constant 0 : i32
    %dma_wait3A_364 = tpu.memref_slice %arg6[%dma_wait3A_362, %dma_wait3A_363] : memref<10000x48xf32, #tpu.memory_space<vmem_shared>> -> memref<10000x48xf32, #tpu.memory_space<vmem_shared>>
    tpu.wait_indirect_dma semaphore(%arg31 : memref<!tpu.dma_semaphore, #tpu.memory_space<semaphore_mem>>) src(%arg9 : memref<80x48xf32, #tpu.memory_space<vmem>>) dst(%dma_wait3A_364 : memref<10000x48xf32, #tpu.memory_space<vmem_shared>>)
    %get3A_365 = arith.constant 123 : i32
    %get3A_366 = arith.index_cast %get3A_365 : i32 to index
    %get3A_367 = arith.constant 0 : index
    %get3A_368 = tpu.vector_load %arg8[%get3A_366, %get3A_367] {strides = array<i32>} : memref<125x80xi32, #tpu.memory_space<vmem>>, vector<1x16xi32>,
    %get3A_369 = vector.shape_cast %get3A_368 : vector<1x16xi32> to vector<16xi32>
    %min3A_370 = arith.minsi %min3A_343, %get3A_369 : vector<16xi32>
    %get3A_371 = arith.constant 123 : i32
    %get3A_372 = arith.index_cast %get3A_371 : i32 to index
    %get3A_373 = arith.constant 16 : index
    %get3A_374 = tpu.vector_load %arg8[%get3A_372, %get3A_373] {strides = array<i32>} : memref<125x80xi32, #tpu.memory_space<vmem>>, vector<1x16xi32>,
    %get3A_375 = vector.shape_cast %get3A_374 : vector<1x16xi32> to vector<16xi32>
    %min3A_376 = arith.minsi %min3A_370, %get3A_375 : vector<16xi32>
    %get3A_377 = arith.constant 123 : i32
    %get3A_378 = arith.index_cast %get3A_377 : i32 to index
    %get3A_379 = arith.constant 32 : index
    %get3A_380 = tpu.vector_load %arg8[%get3A_378, %get3A_379] {strides = array<i32>} : memref<125x80xi32, #tpu.memory_space<vmem>>, vector<1x16xi32>,
    %get3A_381 = vector.shape_cast %get3A_380 : vector<1x16xi32> to vector<16xi32>
    %min3A_382 = arith.minsi %min3A_376, %get3A_381 : vector<16xi32>
    %get3A_383 = arith.constant 123 : i32
    %get3A_384 = arith.index_cast %get3A_383 : i32 to index
    %get3A_385 = arith.constant 48 : index
    %get3A_386 = tpu.vector_load %arg8[%get3A_384, %get3A_385] {strides = array<i32>} : memref<125x80xi32, #tpu.memory_space<vmem>>, vector<1x16xi32>,
    %get3A_387 = vector.shape_cast %get3A_386 : vector<1x16xi32> to vector<16xi32>
    %min3A_388 = arith.minsi %min3A_382, %get3A_387 : vector<16xi32>
    %get3A_389 = arith.constant 123 : i32
    %get3A_390 = arith.index_cast %get3A_389 : i32 to index
    %get3A_391 = arith.constant 64 : index
    %get3A_392 = tpu.vector_load %arg8[%get3A_390, %get3A_391] {strides = array<i32>} : memref<125x80xi32, #tpu.memory_space<vmem>>, vector<1x16xi32>,
    %get3A_393 = vector.shape_cast %get3A_392 : vector<1x16xi32> to vector<16xi32>
    %min3A_394 = arith.minsi %min3A_388, %get3A_393 : vector<16xi32>
    %dma_wait3A_395 = arith.constant 124 : i32
    %dma_wait3A_396 = arith.constant 0 : i32
    %dma_wait3A_397 = tpu.memref_slice %arg7[%dma_wait3A_395, %dma_wait3A_396] : memref<125x80xi32, #tpu.memory_space<vmem>> -> memref<1x80xi32, #tpu.memory_space<vmem>>
    %dma_wait3A_398 = tpu.memref_squeeze %dma_wait3A_397 : memref<1x80xi32, #tpu.memory_space<vmem>> -> memref<80xi32, #tpu.memory_space<vmem>>
    %dma_wait3A_399 = arith.constant 0 : i32
    %dma_wait3A_400 = arith.constant 0 : i32
    %dma_wait3A_401 = tpu.memref_slice %arg3[%dma_wait3A_399, %dma_wait3A_400] : memref<10000x48xf32, #tpu.memory_space<hbm>> -> memref<10000x48xf32, #tpu.memory_space<hbm>>
    tpu.wait_indirect_dma semaphore(%arg25 : memref<!tpu.dma_semaphore, #tpu.memory_space<semaphore_mem>>) src(%dma_wait3A_401 : memref<10000x48xf32, #tpu.memory_space<hbm>>) dst(%arg13 : memref<80x48xf32, #tpu.memory_space<vmem>>)
    %dma_start3A_402 = arith.constant 124 : i32
    %dma_start3A_403 = arith.constant 0 : i32
    %dma_start3A_404 = tpu.memref_slice %arg8[%dma_start3A_402, %dma_start3A_403] : memref<125x80xi32, #tpu.memory_space<vmem>> -> memref<1x80xi32, #tpu.memory_space<vmem>>
    %dma_start3A_405 = tpu.memref_squeeze %dma_start3A_404 : memref<1x80xi32, #tpu.memory_space<vmem>> -> memref<80xi32, #tpu.memory_space<vmem>>
    %dma_start3A_406 = arith.constant 0 : i32
    %dma_start3A_407 = arith.constant 0 : i32
    %dma_start3A_408 = tpu.memref_slice %arg6[%dma_start3A_406, %dma_start3A_407] : memref<10000x48xf32, #tpu.memory_space<vmem_shared>> -> memref<10000x48xf32, #tpu.memory_space<vmem_shared>>
    tpu.enqueue_indirect_dma source(%arg13 : memref<80x48xf32, #tpu.memory_space<vmem>>) target(%dma_start3A_408 : memref<10000x48xf32, #tpu.memory_space<vmem_shared>>) offsets(%dma_start3A_405 : memref<80xi32, #tpu.memory_space<vmem>>) semaphore(%arg35 : memref<!tpu.dma_semaphore, #tpu.memory_space<semaphore_mem>>) {add = true}
    %dma_wait3A_409 = arith.constant 0 : i32
    %dma_wait3A_410 = arith.constant 0 : i32
    %dma_wait3A_411 = tpu.memref_slice %arg8[%dma_wait3A_409, %dma_wait3A_410] : memref<125x80xi32, #tpu.memory_space<vmem>> -> memref<1x80xi32, #tpu.memory_space<vmem>>
    %dma_wait3A_412 = tpu.memref_squeeze %dma_wait3A_411 : memref<1x80xi32, #tpu.memory_space<vmem>> -> memref<80xi32, #tpu.memory_space<vmem>>
    %dma_wait3A_413 = arith.constant 0 : i32
    %dma_wait3A_414 = arith.constant 0 : i32
    %dma_wait3A_415 = tpu.memref_slice %arg6[%dma_wait3A_413, %dma_wait3A_414] : memref<10000x48xf32, #tpu.memory_space<vmem_shared>> -> memref<10000x48xf32, #tpu.memory_space<vmem_shared>>
    tpu.wait_indirect_dma semaphore(%arg32 : memref<!tpu.dma_semaphore, #tpu.memory_space<semaphore_mem>>) src(%arg10 : memref<80x48xf32, #tpu.memory_space<vmem>>) dst(%dma_wait3A_415 : memref<10000x48xf32, #tpu.memory_space<vmem_shared>>)
    %get3A_416 = arith.constant 124 : i32
    %get3A_417 = arith.index_cast %get3A_416 : i32 to index
    %get3A_418 = arith.constant 0 : index
    %get3A_419 = tpu.vector_load %arg8[%get3A_417, %get3A_418] {strides = array<i32>} : memref<125x80xi32, #tpu.memory_space<vmem>>, vector<1x16xi32>,
    %get3A_420 = vector.shape_cast %get3A_419 : vector<1x16xi32> to vector<16xi32>
    %min3A_421 = arith.minsi %min3A_394, %get3A_420 : vector<16xi32>
    %get3A_422 = arith.constant 124 : i32
    %get3A_423 = arith.index_cast %get3A_422 : i32 to index
    %get3A_424 = arith.constant 16 : index
    %get3A_425 = tpu.vector_load %arg8[%get3A_423, %get3A_424] {strides = array<i32>} : memref<125x80xi32, #tpu.memory_space<vmem>>, vector<1x16xi32>,
    %get3A_426 = vector.shape_cast %get3A_425 : vector<1x16xi32> to vector<16xi32>
    %min3A_427 = arith.minsi %min3A_421, %get3A_426 : vector<16xi32>
    %get3A_428 = arith.constant 124 : i32
    %get3A_429 = arith.index_cast %get3A_428 : i32 to index
    %get3A_430 = arith.constant 32 : index
    %get3A_431 = tpu.vector_load %arg8[%get3A_429, %get3A_430] {strides = array<i32>} : memref<125x80xi32, #tpu.memory_space<vmem>>, vector<1x16xi32>,
    %get3A_432 = vector.shape_cast %get3A_431 : vector<1x16xi32> to vector<16xi32>
    %min3A_433 = arith.minsi %min3A_427, %get3A_432 : vector<16xi32>
    %get3A_434 = arith.constant 124 : i32
    %get3A_435 = arith.index_cast %get3A_434 : i32 to index
    %get3A_436 = arith.constant 48 : index
    %get3A_437 = tpu.vector_load %arg8[%get3A_435, %get3A_436] {strides = array<i32>} : memref<125x80xi32, #tpu.memory_space<vmem>>, vector<1x16xi32>,
    %get3A_438 = vector.shape_cast %get3A_437 : vector<1x16xi32> to vector<16xi32>
    %min3A_439 = arith.minsi %min3A_433, %get3A_438 : vector<16xi32>
    %get3A_440 = arith.constant 124 : i32
    %get3A_441 = arith.index_cast %get3A_440 : i32 to index
    %get3A_442 = arith.constant 64 : index
    %get3A_443 = tpu.vector_load %arg8[%get3A_441, %get3A_442] {strides = array<i32>} : memref<125x80xi32, #tpu.memory_space<vmem>>, vector<1x16xi32>,
    %get3A_444 = vector.shape_cast %get3A_443 : vector<1x16xi32> to vector<16xi32>
    %min3A_445 = arith.minsi %min3A_439, %get3A_444 : vector<16xi32>
    %dma_wait3A_446 = arith.constant 0 : i32
    %dma_wait3A_447 = arith.constant 0 : i32
    %dma_wait3A_448 = tpu.memref_slice %arg8[%dma_wait3A_446, %dma_wait3A_447] : memref<125x80xi32, #tpu.memory_space<vmem>> -> memref<1x80xi32, #tpu.memory_space<vmem>>
    %dma_wait3A_449 = tpu.memref_squeeze %dma_wait3A_448 : memref<1x80xi32, #tpu.memory_space<vmem>> -> memref<80xi32, #tpu.memory_space<vmem>>
    %dma_wait3A_450 = arith.constant 0 : i32
    %dma_wait3A_451 = arith.constant 0 : i32
    %dma_wait3A_452 = tpu.memref_slice %arg6[%dma_wait3A_450, %dma_wait3A_451] : memref<10000x48xf32, #tpu.memory_space<vmem_shared>> -> memref<10000x48xf32, #tpu.memory_space<vmem_shared>>
    tpu.wait_indirect_dma semaphore(%arg33 : memref<!tpu.dma_semaphore, #tpu.memory_space<semaphore_mem>>) src(%arg11 : memref<80x48xf32, #tpu.memory_space<vmem>>) dst(%dma_wait3A_452 : memref<10000x48xf32, #tpu.memory_space<vmem_shared>>)
    %dma_wait3A_453 = arith.constant 0 : i32
    %dma_wait3A_454 = arith.constant 0 : i32
    %dma_wait3A_455 = tpu.memref_slice %arg8[%dma_wait3A_453, %dma_wait3A_454] : memref<125x80xi32, #tpu.memory_space<vmem>> -> memref<1x80xi32, #tpu.memory_space<vmem>>
    %dma_wait3A_456 = tpu.memref_squeeze %dma_wait3A_455 : memref<1x80xi32, #tpu.memory_space<vmem>> -> memref<80xi32, #tpu.memory_space<vmem>>
    %dma_wait3A_457 = arith.constant 0 : i32
    %dma_wait3A_458 = arith.constant 0 : i32
    %dma_wait3A_459 = tpu.memref_slice %arg6[%dma_wait3A_457, %dma_wait3A_458] : memref<10000x48xf32, #tpu.memory_space<vmem_shared>> -> memref<10000x48xf32, #tpu.memory_space<vmem_shared>>
    tpu.wait_indirect_dma semaphore(%arg34 : memref<!tpu.dma_semaphore, #tpu.memory_space<semaphore_mem>>) src(%arg12 : memref<80x48xf32, #tpu.memory_space<vmem>>) dst(%dma_wait3A_459 : memref<10000x48xf32, #tpu.memory_space<vmem_shared>>)
    %dma_wait3A_460 = arith.constant 0 : i32
    %dma_wait3A_461 = arith.constant 0 : i32
    %dma_wait3A_462 = tpu.memref_slice %arg8[%dma_wait3A_460, %dma_wait3A_461] : memref<125x80xi32, #tpu.memory_space<vmem>> -> memref<1x80xi32, #tpu.memory_space<vmem>>
    %dma_wait3A_463 = tpu.memref_squeeze %dma_wait3A_462 : memref<1x80xi32, #tpu.memory_space<vmem>> -> memref<80xi32, #tpu.memory_space<vmem>>
    %dma_wait3A_464 = arith.constant 0 : i32
    %dma_wait3A_465 = arith.constant 0 : i32
    %dma_wait3A_466 = tpu.memref_slice %arg6[%dma_wait3A_464, %dma_wait3A_465] : memref<10000x48xf32, #tpu.memory_space<vmem_shared>> -> memref<10000x48xf32, #tpu.memory_space<vmem_shared>>
    tpu.wait_indirect_dma semaphore(%arg35 : memref<!tpu.dma_semaphore, #tpu.memory_space<semaphore_mem>>) src(%arg13 : memref<80x48xf32, #tpu.memory_space<vmem>>) dst(%dma_wait3A_466 : memref<10000x48xf32, #tpu.memory_space<vmem_shared>>)
    %swap3A = arith.constant 0 : index
    %swap3A_467 = tpu.vector_load %arg20[%swap3A] {strides = array<i32>} : memref<16xi32, #tpu.memory_space<vmem>>, vector<16xi32>,
    %swap3A_468 = vector.shape_cast %swap3A_467 : vector<16xi32> to vector<16xi32>
    %swap3A_469 = vector.shape_cast %min3A_445 : vector<16xi32> to vector<16xi32>
    tpu.vector_store %arg20[%swap3A], %swap3A_469 {strides = array<i32>} : memref<16xi32, #tpu.memory_space<vmem>>, vector<16xi32>,
    "tpu.region"() ({
      %run_scoped3A_480 = tpu.sem_alloc : memref<!tpu.dma_semaphore, #tpu.memory_space<semaphore_mem>>
      %dma_start3A_481 = arith.constant 0 : i32
      %dma_start3A_482 = tpu.memref_slice %arg5[%add3A, %dma_start3A_481] : memref<32x16xi32, #tpu.memory_space<hbm>> -> memref<1x16xi32, #tpu.memory_space<hbm>>
      %dma_start3A_483 = tpu.memref_squeeze %dma_start3A_482 : memref<1x16xi32, #tpu.memory_space<hbm>> -> memref<16xi32, #tpu.memory_space<hbm>>
      %dma_start3A_484 = arith.constant 0 : i32
      %dma_start3A_485 = tpu.memref_slice %arg5[%add3A, %dma_start3A_484] : memref<32x16xi32, #tpu.memory_space<hbm>> -> memref<1x16xi32, #tpu.memory_space<hbm>>
      %dma_start3A_486 = tpu.memref_squeeze %dma_start3A_485 : memref<1x16xi32, #tpu.memory_space<hbm>> -> memref<16xi32, #tpu.memory_space<hbm>>
      tpu.enqueue_dma source(%arg20 : memref<16xi32, #tpu.memory_space<vmem>>) target(%dma_start3A_486 : memref<16xi32, #tpu.memory_space<hbm>>) target_semaphore(%run_scoped3A_480 : memref<!tpu.dma_semaphore, #tpu.memory_space<semaphore_mem>>)
      %dma_wait3A_487 = arith.constant 0 : i32
      %dma_wait3A_488 = tpu.memref_slice %arg5[%add3A, %dma_wait3A_487] : memref<32x16xi32, #tpu.memory_space<hbm>> -> memref<1x16xi32, #tpu.memory_space<hbm>>
      %dma_wait3A_489 = tpu.memref_squeeze %dma_wait3A_488 : memref<1x16xi32, #tpu.memory_space<hbm>> -> memref<16xi32, #tpu.memory_space<hbm>>
      %dma_wait3A_490 = arith.constant 0 : i32
      %dma_wait3A_491 = tpu.memref_slice %arg5[%add3A, %dma_wait3A_490] : memref<32x16xi32, #tpu.memory_space<hbm>> -> memref<1x16xi32, #tpu.memory_space<hbm>>
      %dma_wait3A_492 = tpu.memref_squeeze %dma_wait3A_491 : memref<1x16xi32, #tpu.memory_space<hbm>> -> memref<16xi32, #tpu.memory_space<hbm>>
      tpu.wait_dma2 semaphore(%run_scoped3A_480 : memref<!tpu.dma_semaphore, #tpu.memory_space<semaphore_mem>>) src(%arg20 : memref<16xi32, #tpu.memory_space<vmem>>) dst(%dma_wait3A_492 : memref<16xi32, #tpu.memory_space<hbm>>)
      tpu.yield
    }) : () -> ()
    %barrier3A_470 = arith.constant 0 : index
    tpu.barrier barrier_id(%barrier3A_470)
    %mul3A_471 = arith.constant 624 : i32
    %mul3A_472 = arith.muli %arg1, %mul3A_471 : i32
    %mul3A_473 = arith.constant 624 : i32
    %mul3A_474 = arith.muli %arg1, %mul3A_473 : i32
    "tpu.region"() ({
      %run_scoped3A_480 = tpu.sem_alloc : memref<!tpu.dma_semaphore, #tpu.memory_space<semaphore_mem>>
      %dma_start3A_481 = arith.constant 0 : i32
      %dma_start3A_482 = tpu.memref_slice %arg4[%arg0, %mul3A_474, %dma_start3A_481] : memref<2x20016x48xf32, #tpu.memory_space<hbm>> -> memref<1x624x48xf32, #tpu.memory_space<hbm>>
      %dma_start3A_483 = tpu.memref_squeeze %dma_start3A_482 : memref<1x624x48xf32, #tpu.memory_space<hbm>> -> memref<624x48xf32, #tpu.memory_space<hbm>>
      %dma_start3A_484 = arith.constant 0 : i32
      %dma_start3A_485 = tpu.memref_slice %arg6[%mul3A_472, %dma_start3A_484] : memref<10000x48xf32, #tpu.memory_space<vmem_shared>> -> memref<624x48xf32, #tpu.memory_space<vmem_shared>>
      tpu.enqueue_dma source(%dma_start3A_485 : memref<624x48xf32, #tpu.memory_space<vmem_shared>>) target(%dma_start3A_483 : memref<624x48xf32, #tpu.memory_space<hbm>>) target_semaphore(%run_scoped3A_480 : memref<!tpu.dma_semaphore, #tpu.memory_space<semaphore_mem>>)
      %dma_wait3A_486 = arith.constant 0 : i32
      %dma_wait3A_487 = tpu.memref_slice %arg4[%arg0, %mul3A_474, %dma_wait3A_486] : memref<2x20016x48xf32, #tpu.memory_space<hbm>> -> memref<1x624x48xf32, #tpu.memory_space<hbm>>
      %dma_wait3A_488 = tpu.memref_squeeze %dma_wait3A_487 : memref<1x624x48xf32, #tpu.memory_space<hbm>> -> memref<624x48xf32, #tpu.memory_space<hbm>>
      %dma_wait3A_489 = arith.constant 0 : i32
      %dma_wait3A_490 = tpu.memref_slice %arg6[%mul3A_472, %dma_wait3A_489] : memref<10000x48xf32, #tpu.memory_space<vmem_shared>> -> memref<624x48xf32, #tpu.memory_space<vmem_shared>>
      tpu.wait_dma2 semaphore(%run_scoped3A_480 : memref<!tpu.dma_semaphore, #tpu.memory_space<semaphore_mem>>) src(%dma_wait3A_490 : memref<624x48xf32, #tpu.memory_space<vmem_shared>>) dst(%dma_wait3A_488 : memref<624x48xf32, #tpu.memory_space<hbm>>)
      tpu.yield
    }) : () -> ()
    %eq3A_475 = arith.constant 0 : i32
    %eq3A_476 = arith.cmpi eq, %arg1, %eq3A_475 : i32
    %convert_element_type3A_477 = arith.extui %eq3A_476 : i1 to i32
    %cond3A_478 = arith.constant 0 : i32
    %cond3A_479 = arith.cmpi ne, %convert_element_type3A_477, %cond3A_478 : i32
    scf.if %cond3A_479 {
      "tpu.region"() ({
        %run_scoped3A_480 = tpu.sem_alloc : memref<!tpu.dma_semaphore, #tpu.memory_space<semaphore_mem>>
        %dma_start3A_481 = arith.constant 9984 : i32
        %dma_start3A_482 = arith.constant 0 : i32
        %dma_start3A_483 = tpu.memref_slice %arg4[%arg0, %dma_start3A_481, %dma_start3A_482] : memref<2x20016x48xf32, #tpu.memory_space<hbm>> -> memref<1x16x48xf32, #tpu.memory_space<hbm>>
        %dma_start3A_484 = tpu.memref_squeeze %dma_start3A_483 : memref<1x16x48xf32, #tpu.memory_space<hbm>> -> memref<16x48xf32, #tpu.memory_space<hbm>>
        %dma_start3A_485 = arith.constant 9984 : i32
        %dma_start3A_486 = arith.constant 0 : i32
        %dma_start3A_487 = tpu.memref_slice %arg6[%dma_start3A_485, %dma_start3A_486] : memref<10000x48xf32, #tpu.memory_space<vmem_shared>> -> memref<16x48xf32, #tpu.memory_space<vmem_shared>>
        tpu.enqueue_dma source(%dma_start3A_487 : memref<16x48xf32, #tpu.memory_space<vmem_shared>>) target(%dma_start3A_484 : memref<16x48xf32, #tpu.memory_space<hbm>>) target_semaphore(%run_scoped3A_480 : memref<!tpu.dma_semaphore, #tpu.memory_space<semaphore_mem>>)
        %dma_wait3A_488 = arith.constant 9984 : i32
        %dma_wait3A_489 = arith.constant 0 : i32
        %dma_wait3A_490 = tpu.memref_slice %arg4[%arg0, %dma_wait3A_488, %dma_wait3A_489] : memref<2x20016x48xf32, #tpu.memory_space<hbm>> -> memref<1x16x48xf32, #tpu.memory_space<hbm>>
        %dma_wait3A_491 = tpu.memref_squeeze %dma_wait3A_490 : memref<1x16x48xf32, #tpu.memory_space<hbm>> -> memref<16x48xf32, #tpu.memory_space<hbm>>
        %dma_wait3A_492 = arith.constant 9984 : i32
        %dma_wait3A_493 = arith.constant 0 : i32
        %dma_wait3A_494 = tpu.memref_slice %arg6[%dma_wait3A_492, %dma_wait3A_493] : memref<10000x48xf32, #tpu.memory_space<vmem_shared>> -> memref<16x48xf32, #tpu.memory_space<vmem_shared>>
        tpu.wait_dma2 semaphore(%run_scoped3A_480 : memref<!tpu.dma_semaphore, #tpu.memory_space<semaphore_mem>>) src(%dma_wait3A_494 : memref<16x48xf32, #tpu.memory_space<vmem_shared>>) dst(%dma_wait3A_491 : memref<16x48xf32, #tpu.memory_space<hbm>>)
        tpu.yield
      }) : () -> ()
    } else {
    }
    return
  }
}

</mosaic_0001>

<sc_bundles>
// kernel: kernel.4.cloned.1.call-start
scs
__scs_entry_jumppad:
0x0: {  	(pc) =	sbr.rel $0x88, $3  }
0x1: {  	(tag) =	ssettag $0x0;
	lr =	simm.s32 $0x1  }
0x2: {  	[smem:$0x3F9E] =	sst lr;
	_ =	strace $0xD0000000  }
0x3: {  	_ = 	snop  }
0x4: {  	_ = 	snop  }
0x5: {  	_ = 	snop  }
0x6: {  	_ = 	snop  }
0x7: {  	_ = 	snop  }
__scs_overlays_trampoline_lowered:
0x8: {  	[smem:$0x3FAD] =	sst s0  }
0x9: {  	[smem:$0x3FAE] =	sst s1  }
0xa: {  	[smem:$0x3FAF] =	sst s2  }
0xb: {  	[smem:$0x3FB0] =	sst s3  }
0xc: {  	[smem:$0x3FB1] =	sst s4  }
0xd: {  	[smem:$0x3FB2] =	sst s5  }
0xe: {  	[smem:$0x3FB3] =	sst s6  }
0xf: {  	[smem:$0x3FB4] =	sst s7  }
0x10: {  	[smem:$0x3FB5] =	sst s8  }
0x11: {  	[smem:$0x3FB6] =	sst s9;
	s0 =	simm.s32 @!p0 $0x0  }
0x12: {  	s1 =	sld [smem:$0x3F9C];
	s0 =	simm.s32 @p0 $0x1  }
0x13: {  	[smem:$0x3FB7] =	sst s0;
	s0 =	simm.s32 @!p1 $0x0  }
0x14: {  	s2 =	sld [smem:$0x3F9B];
	s0 =	simm.s32 @p1 $0x1  }
0x15: {  	[smem:$0x3FB8] =	sst s0;
	s0 =	simm.s32 @!p2 $0x0  }
0x16: {  	s3 =	sld [smem:$0x3FDB];
	s0 =	simm.s32 @p2 $0x1  }
0x17: {  	s4 =	simm.s32 $0x1BF5;
	[smem:$0x3FBA] =	sst s0  }
0x18: {  	s0 =	sld [smem:$0x3F9D];
	_ =	swait.ge [sflag:s4], $0x0  }
0x19: {  	s7 =	sld [smem:$0x3F9E]  }
0x1a: {  	s8 =	sadd.s32 $0xFFFFE003, lr  }
0x1b: {  	s9 =	sadd.s32 $0xFFFFFEF7, lr;
	s5 =	simm.s32 $0xFFFFFFFF;
	p2 =	slt.u32 s8, $0xFFFFF086  }
0x1c: {  	p1 =	slt.u32 s9, $0xF7A;
	s5 =	simm.s32 @!p2 $0x0  }
0x1d: {  	s5 =	simm.s32 @p1 $0x1;
	p0 =	seq.s32 s7, s2  }
0x1e: {  	s7 =	smul.u32 @!p0 $0xF7A, s2;
	p2 =	seq.s32 @!p0 s5, $0x0  }
0x1f: {  	s9 =	smul.u32 $0xF7A, s1;
	s8 =	simm.s32 @!p0 $0x1BF5;
	p2 =	por !p2, p0  }
0x20: {  	[sflag:s8] =	ssyncset.s32 @!p0 $0xFFFFF086;
	s6 =	sadd.s32 @!p0 s3, s7;
	s7 =	simm.s32 @!p0 $0x108  }
0x21: {  	s3 =	sadd.s32 s3, s9;
	s6 =	sadd.s32 @!p0 $0x88, s6;
	s7 =	simm.s32 @p2 $0x1082  }
0x22: {  	[simem:s7], [sflag:s8] =	dma.local @!p0 [hbm:s6], $0xF7A  }
0x23: {  	s9 =	sor.u32 $0xD0000000, s2;
	s6 =	simm.s32 $0x108;
	_ =	swait.ge @!p0 [sflag:s8], $0x0  }
0x24: {  	s3 =	sadd.s32 $0x88, s3;
	s6 =	simm.s32 @!p1 $0x1082;
	[sflag:s4] =	ssyncset.s32 $0xFFFFF086  }
0x25: {  	[simem:s6], [sflag:s4] =	dma.local [hbm:s3], $0xF7A  }
0x26: {  	[smem:$0x3F9E] =	sst s1;
	(tag) =	ssettag s2;
	_ =	strace s9  }
0x27: {  	s1 =	sld [smem:$0x3FAE]  }
0x28: {  	s2 =	sld [smem:$0x3FAF]  }
0x29: {  	s4 =	sld [smem:$0x3FB1]  }
0x2a: {  	p0 =	seq.s32 s5, $0x0;
	s5 =	sld [smem:$0x3FB2]  }
0x2b: {  	s6 =	sld [smem:$0x3FB3]  }
0x2c: {  	s7 =	sld [smem:$0x3FB4]  }
0x2d: {  	s3 =	simm.s32 $0x108;
	s8 =	sld [smem:$0x3FB5]  }
0x2e: {  	s3 =	simm.s32 @!p0 $0x1082;
	s9 =	sld [smem:$0x3FB6]  }
0x2f: {  	lr =	sadd.s32 s0, s3;
	s0 =	sld [smem:$0x3FAD]  }
0x30: {  	s3 =	sld [smem:$0x3FB0]  }
0x31: {  	[smem:$0x3FB9] =	sst s10  }
0x32: {  	s10 =	sld [smem:$0x3FB7];
	_ =	sdelay $0x3  }
0x33: {  	p0 =	seq.s32 s10, $0x1;
	s10 =	sld [smem:$0x3FB9];
	_ =	sdelay $0x3  }
0x34: {  	[smem:$0x3FB9] =	sst s10  }
0x35: {  	s10 =	sld [smem:$0x3FB8];
	_ =	sdelay $0x3  }
0x36: {  	p1 =	seq.s32 s10, $0x1;
	s10 =	sld [smem:$0x3FB9];
	_ =	sdelay $0x3  }
0x37: {  	[smem:$0x3FB9] =	sst s10  }
0x38: {  	s10 =	sld [smem:$0x3FBA]  }
0x39: {  	_ = 	snop;
	(pc) =	sbr.ind lr, $3  }
0x3a: {  	_ = 	snop  }
0x3b: {  	_ = 	snop  }
0x3c: {  	p2 =	seq.s32 s10, $0x1;
	s10 =	sld [smem:$0x3FB9]  }
0x3d: {  	_ =	shalt  }
0x3e: {  	_ =	shalt  }
0x3f: {  	_ =	shalt  }
0x40: {  	_ =	shalt  }
0x41: {  	_ =	shalt  }
0x42: {  	_ =	shalt  }
0x43: {  	_ =	shalt  }
0x44: {  	_ =	shalt  }
0x45: {  	_ =	shalt  }
0x46: {  	_ =	shalt  }
0x47: {  	_ =	shalt  }
0x48: {  	_ =	shalt  }
0x49: {  	_ =	shalt  }
0x4a: {  	_ =	shalt  }
0x4b: {  	_ =	shalt  }
0x4c: {  	_ =	shalt  }
0x4d: {  	_ =	shalt  }
0x4e: {  	_ =	shalt  }
0x4f: {  	_ =	shalt  }
0x50: {  	_ =	shalt  }
0x51: {  	_ =	shalt  }
0x52: {  	_ =	shalt  }
0x53: {  	_ =	shalt  }
0x54: {  	_ =	shalt  }
0x55: {  	_ =	shalt  }
0x56: {  	_ =	shalt  }
0x57: {  	_ =	shalt  }
0x58: {  	_ =	shalt  }
0x59: {  	_ =	shalt  }
0x5a: {  	_ =	shalt  }
0x5b: {  	_ =	shalt  }
0x5c: {  	_ =	shalt  }
0x5d: {  	_ =	shalt  }
0x5e: {  	_ =	shalt  }
0x5f: {  	_ =	shalt  }
0x60: {  	_ =	shalt  }
0x61: {  	_ =	shalt  }
0x62: {  	_ =	shalt  }
0x63: {  	_ =	shalt  }
0x64: {  	_ =	shalt  }
0x65: {  	_ =	shalt  }
0x66: {  	_ =	shalt  }
0x67: {  	_ =	shalt  }
0x68: {  	_ =	shalt  }
0x69: {  	_ =	shalt  }
0x6a: {  	_ =	shalt  }
0x6b: {  	_ =	shalt  }
0x6c: {  	_ =	shalt  }
0x6d: {  	_ =	shalt  }
0x6e: {  	_ =	shalt  }
0x6f: {  	_ =	shalt  }
0x70: {  	_ =	shalt  }
0x71: {  	_ =	shalt  }
0x72: {  	_ =	shalt  }
0x73: {  	_ =	shalt  }
0x74: {  	_ =	shalt  }
0x75: {  	_ =	shalt  }
0x76: {  	_ =	shalt  }
0x77: {  	_ =	shalt  }
0x78: {  	_ =	shalt  }
0x79: {  	_ =	shalt  }
0x7a: {  	_ =	shalt  }
0x7b: {  	_ =	shalt  }
0x7c: {  	_ =	shalt  }
0x7d: {  	_ =	shalt  }
0x7e: {  	_ =	shalt  }
0x7f: {  	_ =	shalt  }
0x80: {  	_ =	shalt  }
0x81: {  	_ =	shalt  }
0x82: {  	_ =	shalt  }
0x83: {  	_ =	shalt  }
0x84: {  	_ =	shalt  }
0x85: {  	_ =	shalt  }
0x86: {  	_ =	shalt  }
0x87: {  	_ =	shalt  }
.Lfunc_end0:
.L_simem_size_0:
called_computation_lowered:
.L_overlay_start_0:
0x88: {  	s2 =	sld [smem:$0x3FD9]  }
0x89: {  	s3 =	sld [smem:$0x3FFE];
	_ =	sdelay $0x1  }
0x8a: {  	s1 =	srdreg.scid  }
0x8b: {  	s0 =	sand.u32 $0x1, s1  }
0x8c: {  	s16 =	sshll.u32 s0, $0xA;
	s2 =	sadd.s32 s3, s2  }
0x8d: {  	s2 =	sadd.s32 s2, s16  }
0x8e: {  	[smem:$0x3FC5] =	sst s2  }
0x8f: {  	_ = 	snop  }
0x90: {  	(tm) =	ssettm $0x1  }
0x91: {  	s17 =	sld [smem:$0x3FFB];
	_ =	sdelay $0x3  }
0x92: {  	_ =	strace s17  }
0x93: {  	s2 =	sld [smem:$0x3FFC];
	_ =	sdelay $0x3  }
0x94: {  	_ =	strace s2  }
0x95: {  	s2 =	sld [smem:$0x3FFD];
	_ =	sdelay $0x3  }
0x96: {  	_ =	strace s2  }
0x97: {  	_ =	strace $0x8FFFFFFF  }
0x98: {  	s18 =	sld [smem:$0x3FDB];
	_ =	sdelay $0x1  }
0x99: {  	s19 =	simm.s32 $_scs_section_size  }
0x9a: {  	s4 =	simm.s32 $_size__tile_overlayer_lowered;
	s5 =	simm.s32 $_tile_overlayer_lowered  }
0x9b: {  	s22 =	simm.s32 $0x1BFF;
	s21 =	sshll.u32 s5, $0x1;
	s2 =	sadd.s32 s19, s18  }
0x9c: {  	s6 =	simm.s32 $0x0;
	s20 =	sshll.u32 s4, $0x1;
	s4 =	sadd.s32 s21, s2  }
0x9d: {  	[timem:s6], [sflag:s22] =	dma.local [hbm:s4], s20  }
0x9e: {  	_ =	swait.ge [sflag:s22], s20  }
0x9f: {  	s3 =	ssub.s32 $0x0, s20;
	[sflag:s22] =	ssyncset.done $0x0  }
0xa0: {  	[sflag:s22] =	ssyncadd.s32 s3;
	_ =	sdelay $0x1  }
0xa1: {  	s23 =	simm.s32 $0x1B8B  }
0xa2: {  	_ =	swait.ge [sflag:s23], $0x1  }
0xa3: {  	[sflag:s23] =	ssyncset.done $0x0  }
0xa4: {  	s25 =	simm.s32 $0x1B8E;
	s24 =	sld [smem:$0x3FFE];
	[sflag:s23] =	ssyncadd.s32 $0xFFFFFFFF  }
0xa5: {  	s26 =	simm.s32 $execute0_lowered;
	[smem:$0x3FD2] =	sst s25  }
0xa6: {  	s4 =	sshll.u32 s26, $0x1;
	_ =	strace $0x80000046;
	[dreg:$0x1] =	wrdreg $0xFFFFFFFF  }
0xa7: {  	s28 =	simm.s32 $_size_execute0_lowered;
	s2 =	sadd.s32 s2, s4;
	[dreg:$0x0] =	wrdreg $0x0  }
0xa8: {  	s4 =	sshll.u32 s28, $0x1;
	[dreg:$0x2] =	wrdreg s2  }
0xa9: {  	[dreg:$0x3] =	wrdreg s4  }
0xaa: {  	[dreg:$0x4] =	wrdreg $0xC0  }
0xab: {  	_ =	task [dreg:s6], $0x5FFFF  }
0xac: {  	[dreg:$0x1] =	wrdreg $0xFFFFFFFF  }
0xad: {  	[dreg:$0x0] =	wrdreg $0x60  }
0xae: {  	[dreg:$0x2] =	wrdreg s24  }
0xaf: {  	[dreg:$0x3] =	wrdreg $0x0  }
0xb0: {  	[dreg:$0x4] =	wrdreg $0x9  }
0xb1: {  	_ =	task.clear_ibuf [dreg:s6], $0x5FFFF;
	_ =	strace $0x90000046  }
0xb2: {  	s29 =	simm.s32 $0x9;
	_ =	strace $0x80000048  }
0xb3: {  	_ =	swait.ge [sflag:s29], $0x1  }
0xb4: {  	[sflag:s29] =	ssyncadd.s32 $0xFFFFFFFF  }
0xb5: {  	_ =	strace $0x90000048  }
0xb6: {  	_ =	sfence  }
0xb7: {  	s30 =	sld [smem:$0x0];
	_ =	sdelay $0x2  }
0xb8: {  	s31 =	sshll.u32 s1, $0xD;
	s1 =	sshrl.u32 s1, $0x2  }
0xb9: {  	s3 =	sand.u32 $0x4000, s31;
	s1 =	sadd.s32 s1, s30  }
0xba: {  	s0 =	sor.u32 s3, s0;
	s1 =	sshll.u32 s1, $0x11  }
0xbb: {  	s0 =	sor.u32 s1, s0  }
0xbc: {  	s0 =	sadd.s32 $0x8F2B, s0  }
0xbd: {  	[sflag:s0] =	ssyncadd.remote.s32 $0x1  }
0xbe: {  	_ =	sfence.sel $0xFFFF  }
0xbf: {  	[dreg:$0x0] =	wrdreg $0xFFFFFFFF;
	(pc) =	sbr.abs _section_cstart, $3  }
0xc0: {  	[dreg:$0x1] =	wrdreg $0xFFFFFFFF  }
0xc1: {  	_ =	task.clear_ibuf [dreg:s6], $0x2FFFF;
	_ =	strace $0x9FFFFFFF  }
0xc2: {  	(tm) =	ssettm $0x7FFFFFFF  }
0xc3: {  	_ =	shalt  }
tec
execute0_lowered:
.L_overlay_start_1:
0x0: {  	(tag) =	ssettag $0x1  }
0x1: {  	s0 =	srdreg.scid  }
0x2: {  	s1 =	rddreg [dreg:$0x0];
	s10 =	stileid.u32  }
0x3: {  	s2 =	rddreg [dreg:$0x1];
	s24 =	simm.s32 $0x0;
	s31 =	simm.s32 $0x15  }
0x4: {  	s29 =	simm.s32 $0xD250;
	s12 =	simm.s32 $0xF050;
	s11 =	simm.s32 $0x1  }
0x5: {  	s13 =	simm.s32 $0x2;
	s30 =	simm.s32 $0x12C50;
	s0 =	sand.u32 $0x1, s0  }
0x6: {  	[smem:$0x7FF] =	sst s24;
	s6 =	sadd.s32 $0x23400, s1;
	s8 =	smul.u32 $0x1D400, s10  }
0x7: {  	s9 =	smul.u32 $0x7500, s10;
	p0 =	sne.s32 s10, $0x0;
	s3 =	sshll.u32 s0, $0x4  }
0x8: {  	_ =	strace $0x80000047;
	s7 =	ssub.s32 $0x2, s0;
	s0 =	smul.u32 $0xEA900, s0  }
0x9: {  	s3 =	sor.u32 s10, s3;
	s14 =	sshrl.u32 s7, $0x1;
	s16 =	sshrl.u32 s8, $0x2  }
0xa: {  	s26 =	sadd.s32 s9, s2;
	s8 =	simm.s32 $0xE;
	s4 =	smul.u32 $0x2710, s3  }
0xb: {  	s3 =	sshll.u32 s3, $0x1;
	s17 =	sadd.s32 s16, s2;
	s23 =	sadd.s32 s9, s0  }
0xc: {  	s0 =	sshrl.u32 s0, $0x3;
	[dreg:$0x5] =	wrdreg s26;
	s18 =	sadd.s32 $0x1D40, s17  }
0xd: {  	s9 =	simm.s32 $0xF;
	s19 =	sadd.s32 $0x2BE0, s17;
	[dreg:$0x7] =	wrdreg s18  }
0xe: {  	s16 =	simm.s32 $0x3;
	s20 =	sadd.s32 $0x3A80, s17;
	[dreg:$0x8] =	wrdreg s19  }
0xf: {  	s21 =	sadd.s32 $0x4920, s17;
	s22 =	sadd.s32 $0x57C0, s17;
	[dreg:$0x9] =	wrdreg s20  }
0x10: {  	s0 =	sadd.s32 s6, s0;
	s4 =	sshrl.u32 s4, $0x3;
	[dreg:$0xa] =	wrdreg s21  }
0x11: {  	[dreg:$0xb] =	wrdreg s22;
	s0 =	sadd.s32 $0xEA00, s0;
	s22 =	simm.s32 $0xE150  }
0x12: {  	s20 =	simm.s32 $0x11;
	s18 =	simm.s32 $0x3;
	s19 =	simm.s32 $0x4  }
0x13: {  	s5 =	sadd.s32 s4, s1;
	s4 =	sadd.s32 $0xE00, s1;
	s1 =	sadd.s32 s3, s1  }
0x14: {  	s3 =	ssub.s32 s7, s14;
	s7 =	sadd.s32 $0xEA0, s17;
	[dreg:$0x10] =	wrdreg s0  }
0x15: {  	s14 =	simm.s32 $0xFF50;
	s15 =	sadd.s32 $0x19640, s5;
	[dreg:$0x6] =	wrdreg s7  }
0x16: {  	s5 =	sadd.s32 $0xFA00, s5;
	s7 =	sadd.s32 $0x75000, s2;
	[dreg:$0x3] =	wrdreg s15  }
0x17: {  	s1 =	sadd.s32 $0x5E000, s1;
	s28 =	smax.u32 s3, $0x1;
	[dreg:$0x4] =	wrdreg s5  }
0x18: {  	s3 =	simm.s32 $0x0;
	s5 =	sadd.s32 $0x6660, s17;
	[dreg:$0xe] =	wrdreg s1  }
0x19: {  	[dreg:$0x11] =	wrdreg s28;
	s15 =	simm.s32 $0xC350;
	s1 =	simm.s32 $0xB  }
0x1a: {  	s17 =	simm.s32 $0x10;
	[dreg:$0xc] =	wrdreg s5;
	s5 =	sshrl.u32 s23, $0x3  }
0x1b: {  	[dreg:$0xd] =	wrdreg s7;
	s23 =	simm.s32 $0x50;
	s25 =	sadd.s32 s6, s5  }
0x1c: {  	v0 =	vimm.f32 $0.0e+00;
	v14 =	vimm.s32 $0x7FFFFFFF;
	s5 =	simm.s32 $0xC;
	s6 =	simm.s32 $0xD;
	[dreg:$0xf] =	wrdreg s25  }
.LBB2_1:
0x1d: {  	[dreg:$0x12] =	wrdreg s3  }
0x1e: {  	s0 =	rddreg [dreg:$0x3];
	s21 =	simm.s32 $0x7530  }
0x1f: {  	[tilespmem:s21], [sflag:$0x15] =	stream.linear.gather [hbm4b:s0+s24], $0x2710, $0x38;
	[tilespmem:$0x16800] =	vst v63  }
0x20: {  	_ =	swait.ge [sflag:s31], $0x2710  }
0x21: {  	[sflag:s31] =	ssyncset.done $0x0  }
0x22: {  	s28 =	simm.s32 $0x9C40;
	s10 =	rddreg [dreg:$0x4];
	[sflag:s31] =	ssyncadd.s32 $0xFFFFD8F0  }
0x23: {  	[tilespmem:s28], [sflag:$0x15] =	stream.linear.gather [hbm4b:s10+s24], $0x2710, $0x38;
	[tilespmem:$0x16800] =	vst v63  }
0x24: {  	_ =	swait.ge [sflag:s31], $0x2710  }
0x25: {  	[sflag:s31] =	ssyncset.done $0x0  }
0x26: {  	[sflag:s31] =	ssyncadd.s32 $0xFFFFD8F0  }
0x27: {  	[tilespmem:s15], [sflag:$0x1] =	stream.indirect.gather [hbm4b:s4+s23], $0x30, s21, s23, $0xb8;
	[tilespmem:$0x16800] =	vst v63  }
0x28: {  	s15 =	simm.s32 $0x7580  }
0x29: {  	[tilespmem:s29], [sflag:$0x2] =	stream.indirect.gather [hbm4b:s4+s23], $0x30, s15, s23, $0xb8;
	[tilespmem:$0x16800] =	vst v63  }
0x2a: {  	s25 =	simm.s32 $0x76C0;
	s21 =	simm.s32 $0x75D0  }
0x2b: {  	[tilespmem:s22], [sflag:$0x3] =	stream.indirect.gather [hbm4b:s4+s23], $0x30, s21, s23, $0xb8;
	[tilespmem:$0x16800] =	vst v63  }
0x2c: {  	s0 =	simm.s32 $0xC0;
	s24 =	simm.s32 $0x7670;
	s22 =	simm.s32 $0x7620  }
0x2d: {  	[tilespmem:s12], [sflag:$0x4] =	stream.indirect.gather [hbm4b:s4+s23], $0x30, s22, s23, $0xb8;
	[tilespmem:$0x16800] =	vst v63  }
0x2e: {  	s28 =	simm.s32 $0x7710;
	s31 =	simm.s32 $0x11D50;
	s29 =	simm.s32 $0xD250  }
0x2f: {  	[tilespmem:s14], [sflag:$0x5] =	stream.indirect.gather [hbm4b:s4+s23], $0x30, s24, s23, $0xb8;
	[tilespmem:$0x16800] =	vst v63  }
0x30: {  	s21 =	simm.s32 $0x0;
	s22 =	simm.s32 $0xE150;
	s14 =	simm.s32 $0x10E50  }
0x31: {  	[tilespmem:s14], [sflag:$0x6] =	stream.indirect.gather [hbm4b:s4+s23], $0x30, s25, s23, $0xb8;
	[tilespmem:$0x16800] =	vst v63  }
0x32: {  	s12 =	simm.s32 $0xF050;
	s24 =	simm.s32 $0xC350;
	s25 =	simm.s32 $0xFF50  }
0x33: {  	[tilespmem:s31], [sflag:$0x7] =	stream.indirect.gather [hbm4b:s4+s23], $0x30, s28, s23, $0xb8;
	[tilespmem:$0x16800] =	vst v63  }
.LBB2_2:
0x34: {  	p1 =	sne.s32 s0, $0x39C0;
	[tilespmem:s21+$0x15970] =	vst v0;
	s28 =	smov.u32 s0;
	s0 =	sadd.s32 $0xC0, s0  }
.Ltmp0:
0x35: {  	[tilespmem:s21+$0x15950] =	vst v0;
	(pc) =	sbr.rel @p1 .LBB2_2-.Ltmp0, $2  }
0x36: {  	[tilespmem:s21+$0x15960] =	vst v0;
	_ =	sdelay $0x2  }
0x37: {  	s21 =	sshra.s32 s28, $0x2  }
0x38: {  	[tilespmem:s21+$0x15970] =	vst v0  }
0x39: {  	[tilespmem:s21+$0x15950] =	vst v0  }
0x3a: {  	[tilespmem:s21+$0x15960] =	vst v0;
	s21 =	simm.s32 $0x15950  }
0x3b: {  	[spmem:s26] =	stream.linear.scatter [tilespmem:s21], [sflag:$0xB], $0xEA0, $0x38;
	[tilespmem:$0x16800] =	vst v63  }
0x3c: {  	s0 =	rddreg [dreg:$0x6]  }
0x3d: {  	[spmem:s0] =	stream.linear.scatter [tilespmem:s21], [sflag:$0xC], $0xEA0, $0x38;
	[tilespmem:$0x16800] =	vst v63  }
0x3e: {  	s26 =	rddreg [dreg:$0x7]  }
0x3f: {  	[spmem:s26] =	stream.linear.scatter [tilespmem:s21], [sflag:$0xD], $0xEA0, $0x38;
	[tilespmem:$0x16800] =	vst v63  }
0x40: {  	s3 =	rddreg [dreg:$0x8]  }
0x41: {  	[spmem:s3] =	stream.linear.scatter [tilespmem:s21], [sflag:$0xE], $0xEA0, $0x38;
	[tilespmem:$0x16800] =	vst v63  }
0x42: {  	s10 =	rddreg [dreg:$0x9]  }
0x43: {  	[spmem:s10] =	stream.linear.scatter [tilespmem:s21], [sflag:$0xF], $0xEA0, $0x38;
	[tilespmem:$0x16800] =	vst v63  }
0x44: {  	s15 =	rddreg [dreg:$0xa]  }
0x45: {  	[spmem:s15] =	stream.linear.scatter [tilespmem:s21], [sflag:$0x10], $0xEA0, $0x38;
	[tilespmem:$0x16800] =	vst v63  }
0x46: {  	s26 =	rddreg [dreg:$0xb]  }
0x47: {  	[spmem:s26] =	stream.linear.scatter [tilespmem:s21], [sflag:$0x11], $0xEA0, $0x38;
	[tilespmem:$0x16800] =	vst v63  }
0x48: {  	s3 =	rddreg [dreg:$0xc]  }
0x49: {  	[spmem:s3] =	stream.linear.scatter [tilespmem:s21], [sflag:$0x12], $0xEA0, $0x38;
	[tilespmem:$0x16800] =	vst v63  }
0x4a: {  	_ =	swait.ge [sflag:s1], $0xEA0  }
0x4b: {  	[sflag:s1] =	ssyncset.done $0x0  }
0x4c: {  	[sflag:s1] =	ssyncadd.s32 $0xFFFFF160  }
0x4d: {  	_ =	swait.ge [sflag:s5], $0xEA0  }
0x4e: {  	[sflag:s5] =	ssyncset.done $0x0  }
0x4f: {  	[sflag:s5] =	ssyncadd.s32 $0xFFFFF160  }
0x50: {  	_ =	swait.ge [sflag:s6], $0xEA0  }
0x51: {  	[sflag:s6] =	ssyncset.done $0x0  }
0x52: {  	[sflag:s6] =	ssyncadd.s32 $0xFFFFF160  }
0x53: {  	_ =	swait.ge [sflag:s8], $0xEA0  }
0x54: {  	[sflag:s8] =	ssyncset.done $0x0  }
0x55: {  	[sflag:s8] =	ssyncadd.s32 $0xFFFFF160  }
0x56: {  	_ =	swait.ge [sflag:s9], $0xEA0  }
0x57: {  	[sflag:s9] =	ssyncset.done $0x0  }
0x58: {  	[sflag:s9] =	ssyncadd.s32 $0xFFFFF160  }
0x59: {  	_ =	swait.ge [sflag:s17], $0xEA0  }
0x5a: {  	[sflag:s17] =	ssyncset.done $0x0  }
0x5b: {  	[sflag:s17] =	ssyncadd.s32 $0xFFFFF160  }
0x5c: {  	_ =	swait.ge [sflag:s20], $0xEA0  }
0x5d: {  	[sflag:s20] =	ssyncset.done $0x0  }
0x5e: {  	s5 =	simm.s32 $0x12;
	[sflag:s20] =	ssyncadd.s32 $0xFFFFF160  }
0x5f: {  	_ =	swait.ge [sflag:s5], $0xEA0  }
0x60: {  	[sflag:s5] =	ssyncset.done $0x0  }
0x61: {  	s0 =	simm.s32 @!p0 $0x15950;
	[sflag:s5] =	ssyncadd.s32 $0xFFFFF160  }
0x62: {  	[spmem:s7] =	stream.linear.scatter @!p0 [tilespmem:s0], [sflag:$0x15], $0x300, $0x38;
	[tilespmem:$0x16800] =	vst v63  }
0x63: {  	s0 =	simm.s32 @!p0 $0x15  }
0x64: {  	_ =	swait.ge @!p0 [sflag:s0], $0x300  }
0x65: {  	[sflag:s0] =	ssyncset.done @!p0 $0x0  }
0x66: {  	[sflag:s0] =	ssyncadd.s32 @!p0 $0xFFFFFD00  }
0x67: {  	[bflag:$0x0] =	sbarrier.arrive $0xFFFF  }
0x68: {  	_ =	swait.ge [sflag:s11], $0xF00  }
0x69: {  	p1 =	por $0x1, $0x1;
	[sflag:s11] =	ssyncset.done $0x0  }
0x6a: {  	s28 =	simm.s32 @!p1 $0x12;
	s6 =	simm.s32 $0x9C40;
	[sflag:s11] =	ssyncadd.s32 $0xFFFFF100  }
0x6b: {  	[spmem:s2] =	stream.indirect.scatter.add.f32 [tilespmem:s24], [sflag:$0xB], $0x30, s6, s23, $0xb8;
	[tilespmem:$0x16800] =	vst v63  }
0x6c: {  	_ =	swait.ge @!p1 [sflag:s28], $0xF00  }
0x6d: {  	s21 =	simm.s32 $0x0;
	[sflag:s28] =	ssyncset.done @!p1 $0x0  }
0x6e: {  	s7 =	simm.s32 $0x7760;
	s11 =	simm.s32 $0x12C50;
	[sflag:s28] =	ssyncadd.s32 @!p1 $0xFFFFF100  }
0x6f: {  	[tilespmem:s11], [sflag:$0x8] =	stream.indirect.gather [hbm4b:s4+s23], $0x30, s7, s23, $0xb8;
	[tilespmem:$0x16800] =	vst v63  }
0x70: {  	v1 =	vld [tilespmem:s21+$0x9C50]  }
0x71: {  	v2 =	vld [tilespmem:s21+$0x9C70]  }
0x72: {  	v3 =	vld [tilespmem:s21+$0x9C80]  }
0x73: {  	v4 =	vld [tilespmem:s21+$0x9C40]  }
0x74: {  	v5 =	vld [tilespmem:s21+$0x9C60];
	_ =	swait.ge [sflag:s13], $0xF00  }
0x75: {  	[sflag:s13] =	ssyncset.done $0x0  }
0x76: {  	s8 =	simm.s32 $0x9C90;
	s28 =	simm.s32 @!p1 $0x13;
	[sflag:s13] =	ssyncadd.s32 $0xFFFFF100  }
0x77: {  	[spmem:s2] =	stream.indirect.scatter.add.f32 [tilespmem:s29], [sflag:$0xC], $0x30, s8, s23, $0xb8;
	[tilespmem:$0x16800] =	vst v63  }
0x78: {  	_ =	swait.ge @!p1 [sflag:s28], $0xF00  }
0x79: {  	[sflag:s28] =	ssyncset.done @!p1 $0x0  }
0x7a: {  	s15 =	simm.s32 $0x77B0;
	s8 =	simm.s32 $0x13B50;
	[sflag:s28] =	ssyncadd.s32 @!p1 $0xFFFFF100  }
0x7b: {  	[tilespmem:s8], [sflag:$0x9] =	stream.indirect.gather [hbm4b:s4+s23], $0x30, s15, s23, $0xb8;
	[tilespmem:$0x16800] =	vst v63  }
0x7c: {  	v6 =	vld [tilespmem:s21+$0x9CC0]  }
0x7d: {  	v7 =	vld [tilespmem:s21+$0x9CD0]  }
0x7e: {  	v8 =	vld [tilespmem:s21+$0x9CB0]  }
0x7f: {  	v9 =	vld [tilespmem:s21+$0x9CA0]  }
0x80: {  	v10 =	vld [tilespmem:s21+$0x9C90];
	_ =	swait.ge [sflag:s16], $0xF00  }
0x81: {  	[sflag:s16] =	ssyncset.done $0x0  }
0x82: {  	s28 =	simm.s32 @!p1 $0x14;
	[sflag:s16] =	ssyncadd.s32 $0xFFFFF100;
	s16 =	simm.s32 $0x9CE0  }
0x83: {  	[spmem:s2] =	stream.indirect.scatter.add.f32 [tilespmem:s22], [sflag:$0xD], $0x30, s16, s23, $0xb8;
	[tilespmem:$0x16800] =	vst v63  }
0x84: {  	_ =	swait.ge @!p1 [sflag:s28], $0xF00  }
0x85: {  	[sflag:s28] =	ssyncset.done @!p1 $0x0  }
0x86: {  	s26 =	simm.s32 $0x7800;
	s3 =	simm.s32 $0x14A50;
	vm0 =	vlt.s32 v14, v4;
	[sflag:s28] =	ssyncadd.s32 @!p1 $0xFFFFF100  }
0x87: {  	v4 =	vsel vm0, v14, v4;
	[tilespmem:s3], [sflag:$0xA] =	stream.indirect.gather [hbm4b:s4+s23], $0x30, s26, s23, $0xb8;
	[tilespmem:$0x16800] =	vst v63  }
0x88: {  	vm0 =	vlt.s32 v4, v1;
	v11 =	vld [tilespmem:s21+$0x9CE0]  }
0x89: {  	v1 =	vsel vm0, v4, v1;
	v12 =	vld [tilespmem:s21+$0x9D10]  }
0x8a: {  	vm0 =	vlt.s32 v1, v5;
	v13 =	vld [tilespmem:s21+$0x9D00]  }
0x8b: {  	v1 =	vsel vm0, v1, v5;
	v15 =	vld [tilespmem:s21+$0x9D20]  }
0x8c: {  	vm0 =	vlt.s32 v1, v2;
	v16 =	vld [tilespmem:s21+$0x9CF0];
	_ =	swait.ge [sflag:s19], $0xF00  }
0x8d: {  	v1 =	vsel vm0, v1, v2;
	[sflag:s19] =	ssyncset.done $0x0  }
0x8e: {  	s1 =	simm.s32 $0xB;
	s7 =	simm.s32 $0x9D30;
	vm0 =	vlt.s32 v1, v3;
	[sflag:s19] =	ssyncadd.s32 $0xFFFFF100  }
0x8f: {  	v1 =	vsel vm0, v1, v3;
	[spmem:s2] =	stream.indirect.scatter.add.f32 [tilespmem:s12], [sflag:$0xE], $0x30, s7, s23, $0xb8;
	[tilespmem:$0x16800] =	vst v63  }
0x90: {  	vm0 =	vlt.s32 v1, v10;
	_ =	swait.ge [sflag:s1], $0xF00  }
0x91: {  	v1 =	vsel vm0, v1, v10;
	[sflag:s1] =	ssyncset.done $0x0  }
0x92: {  	s15 =	simm.s32 $0x7850;
	vm0 =	vlt.s32 v1, v9;
	[sflag:s1] =	ssyncadd.s32 $0xFFFFF100  }
0x93: {  	v1 =	vsel vm0, v1, v9;
	[tilespmem:s24], [sflag:$0x1] =	stream.indirect.gather [hbm4b:s4+s23], $0x30, s15, s23, $0xb8;
	[tilespmem:$0x16800] =	vst v63  }
0x94: {  	vm0 =	vlt.s32 v1, v8;
	v2 =	vld [tilespmem:s21+$0x9D70]  }
0x95: {  	v1 =	vsel vm0, v1, v8;
	v3 =	vld [tilespmem:s21+$0x9D40]  }
0x96: {  	vm0 =	vlt.s32 v1, v6;
	v4 =	vld [tilespmem:s21+$0x9D60]  }
0x97: {  	s3 =	simm.s32 $0x5;
	v1 =	vsel vm0, v1, v6;
	v5 =	vld [tilespmem:s21+$0x9D50]  }
0x98: {  	vm0 =	vlt.s32 v1, v7;
	v57 =	vld [tilespmem:s21+$0x9D30];
	_ =	swait.ge [sflag:s3], $0xF00  }
0x99: {  	v1 =	vsel vm0, v1, v7;
	[sflag:s3] =	ssyncset.done $0x0  }
0x9a: {  	s5 =	simm.s32 $0xC;
	s24 =	simm.s32 $0x9D80;
	vm0 =	vlt.s32 v1, v11;
	[sflag:s3] =	ssyncadd.s32 $0xFFFFF100  }
0x9b: {  	v1 =	vsel vm0, v1, v11;
	[spmem:s2] =	stream.indirect.scatter.add.f32 [tilespmem:s25], [sflag:$0xF], $0x30, s24, s23, $0xb8;
	[tilespmem:$0x16800] =	vst v63  }
0x9c: {  	vm0 =	vlt.s32 v1, v16;
	_ =	swait.ge [sflag:s5], $0xF00  }
0x9d: {  	v1 =	vsel vm0, v1, v16;
	[sflag:s5] =	ssyncset.done $0x0  }
0x9e: {  	s26 =	simm.s32 $0x78A0;
	vm0 =	vlt.s32 v1, v13;
	[sflag:s5] =	ssyncadd.s32 $0xFFFFF100  }
0x9f: {  	v1 =	vsel vm0, v1, v13;
	[tilespmem:s29], [sflag:$0x2] =	stream.indirect.gather [hbm4b:s4+s23], $0x30, s26, s23, $0xb8;
	[tilespmem:$0x16800] =	vst v63  }
0xa0: {  	vm0 =	vlt.s32 v1, v12;
	v6 =	vld [tilespmem:s21+$0x9DC0]  }
0xa1: {  	v7 =	vld [tilespmem:s21+$0x9DB0];
	v1 =	vsel vm0, v1, v12  }
0xa2: {  	v58 =	vld [tilespmem:s21+$0x9D90];
	vm0 =	vlt.s32 v1, v15  }
0xa3: {  	s7 =	simm.s32 $0x6;
	v59 =	vld [tilespmem:s21+$0x9DA0];
	v1 =	vsel vm0, v1, v15  }
0xa4: {  	v60 =	vld [tilespmem:s21+$0x9D80];
	_ =	swait.ge [sflag:s7], $0xF00;
	vm0 =	vlt.s32 v1, v57  }
0xa5: {  	[sflag:s7] =	ssyncset.done $0x0;
	v1 =	vsel vm0, v1, v57  }
0xa6: {  	s6 =	simm.s32 $0xD;
	s29 =	simm.s32 $0x9DD0;
	[sflag:s7] =	ssyncadd.s32 $0xFFFFF100;
	vm0 =	vlt.s32 v1, v3  }
0xa7: {  	[spmem:s2] =	stream.indirect.scatter.add.f32 [tilespmem:s14], [sflag:$0x10], $0x30, s29, s23, $0xb8;
	v1 =	vsel vm0, v1, v3;
	[tilespmem:$0x16800] =	vst v63  }
0xa8: {  	_ =	swait.ge [sflag:s6], $0xF00;
	vm0 =	vlt.s32 v1, v5  }
0xa9: {  	[sflag:s6] =	ssyncset.done $0x0;
	v1 =	vsel vm0, v1, v5  }
0xaa: {  	s15 =	simm.s32 $0x78F0;
	[sflag:s6] =	ssyncadd.s32 $0xFFFFF100;
	vm0 =	vlt.s32 v1, v4  }
0xab: {  	[tilespmem:s22], [sflag:$0x3] =	stream.indirect.gather [hbm4b:s4+s23], $0x30, s15, s23, $0xb8;
	v1 =	vsel vm0, v1, v4;
	[tilespmem:$0x16800] =	vst v63  }
0xac: {  	v3 =	vld [tilespmem:s21+$0x9DE0];
	vm0 =	vlt.s32 v1, v2  }
0xad: {  	v5 =	vld [tilespmem:s21+$0x9DD0];
	v1 =	vsel vm0, v1, v2  }
0xae: {  	v61 =	vld [tilespmem:s21+$0x9E00];
	vm0 =	vlt.s32 v1, v60  }
0xaf: {  	s15 =	simm.s32 $0x7;
	v4 =	vld [tilespmem:s21+$0x9DF0];
	v1 =	vsel vm0, v1, v60  }
0xb0: {  	v2 =	vld [tilespmem:s21+$0x9E10];
	_ =	swait.ge [sflag:s15], $0xF00;
	vm0 =	vlt.s32 v1, v58  }
0xb1: {  	[sflag:s15] =	ssyncset.done $0x0;
	v1 =	vsel vm0, v1, v58  }
0xb2: {  	s10 =	simm.s32 $0xE;
	s22 =	simm.s32 $0x9E20;
	[sflag:s15] =	ssyncadd.s32 $0xFFFFF100;
	vm0 =	vlt.s32 v1, v59  }
0xb3: {  	[spmem:s2] =	stream.indirect.scatter.add.f32 [tilespmem:s31], [sflag:$0x11], $0x30, s22, s23, $0xb8;
	v1 =	vsel vm0, v1, v59;
	[tilespmem:$0x16800] =	vst v63  }
0xb4: {  	_ =	swait.ge [sflag:s10], $0xF00;
	vm0 =	vlt.s32 v1, v7  }
0xb5: {  	[sflag:s10] =	ssyncset.done $0x0;
	v1 =	vsel vm0, v1, v7  }
0xb6: {  	s24 =	simm.s32 $0x7940;
	[sflag:s10] =	ssyncadd.s32 $0xFFFFF100;
	vm0 =	vlt.s32 v1, v6  }
0xb7: {  	[tilespmem:s12], [sflag:$0x4] =	stream.indirect.gather [hbm4b:s4+s23], $0x30, s24, s23, $0xb8;
	v1 =	vsel vm0, v1, v6;
	[tilespmem:$0x16800] =	vst v63  }
0xb8: {  	v7 =	vld [tilespmem:s21+$0x9E20];
	vm0 =	vlt.s32 v1, v5  }
0xb9: {  	v62 =	vld [tilespmem:s21+$0x9E50];
	v1 =	vsel vm0, v1, v5  }
0xba: {  	v63 =	vld [tilespmem:s21+$0x9E30];
	vm0 =	vlt.s32 v1, v3  }
0xbb: {  	s10 =	simm.s32 $0x8;
	v6 =	vld [tilespmem:s21+$0x9E40];
	v1 =	vsel vm0, v1, v3  }
0xbc: {  	v5 =	vld [tilespmem:s21+$0x9E60];
	_ =	swait.ge [sflag:s10], $0xF00;
	vm0 =	vlt.s32 v1, v4  }
0xbd: {  	[sflag:s10] =	ssyncset.done $0x0;
	v1 =	vsel vm0, v1, v4  }
0xbe: {  	s9 =	simm.s32 $0xF;
	s26 =	simm.s32 $0x9E70;
	[sflag:s10] =	ssyncadd.s32 $0xFFFFF100;
	vm0 =	vlt.s32 v1, v61  }
0xbf: {  	[spmem:s2] =	stream.indirect.scatter.add.f32 [tilespmem:s11], [sflag:$0x12], $0x30, s26, s23, $0xb8;
	v1 =	vsel vm0, v1, v61;
	[tilespmem:$0x16800] =	vst v63  }
0xc0: {  	_ =	swait.ge [sflag:s9], $0xF00;
	vm0 =	vlt.s32 v1, v2  }
0xc1: {  	[sflag:s9] =	ssyncset.done $0x0;
	v1 =	vsel vm0, v1, v2  }
0xc2: {  	s29 =	simm.s32 $0x7990;
	[sflag:s9] =	ssyncadd.s32 $0xFFFFF100;
	vm0 =	vlt.s32 v1, v7  }
0xc3: {  	[tilespmem:s25], [sflag:$0x5] =	stream.indirect.gather [hbm4b:s4+s23], $0x30, s29, s23, $0xb8;
	v2 =	vsel vm0, v1, v7;
	[tilespmem:$0x16800] =	vst v63  }
0xc4: {  	v4 =	vld [tilespmem:s21+$0x9E80];
	vm0 =	vlt.s32 v2, v63  }
0xc5: {  	v3 =	vld [tilespmem:s21+$0x9E90];
	v7 =	vsel vm0, v2, v63  }
0xc6: {  	v1 =	vld [tilespmem:s21+$0x9EB0];
	vm0 =	vlt.s32 v7, v6  }
0xc7: {  	s17 =	simm.s32 $0x11;
	s25 =	simm.s32 $0x9;
	v6 =	vsel vm0, v7, v6;
	v7 =	vld [tilespmem:s21+$0x9E70]  }
0xc8: {  	s20 =	simm.s32 $0x10;
	s0 =	simm.s32 $0xC80;
	v2 =	vld [tilespmem:s21+$0x9EA0];
	_ =	swait.ge [sflag:s25], $0xF00;
	vm0 =	vlt.s32 v6, v62  }
0xc9: {  	s13 =	simm.s32 $0x1;
	s16 =	simm.s32 $0x2;
	[sflag:s25] =	ssyncset.done $0x0;
	v6 =	vsel vm0, v6, v62  }
0xca: {  	s28 =	simm.s32 $0x0;
	s31 =	simm.s32 $0x9EC0;
	[sflag:s25] =	ssyncadd.s32 $0xFFFFF100;
	vm0 =	vlt.s32 v6, v5  }
0xcb: {  	[spmem:s2] =	stream.indirect.scatter.add.f32 [tilespmem:s8], [sflag:$0x13], $0x30, s31, s23, $0xb8;
	v5 =	vsel vm0, v6, v5;
	[tilespmem:$0x16800] =	vst v63  }
0xcc: {  	s14 =	simm.s32 $0xFF50;
	s22 =	simm.s32 $0xE150;
	_ =	swait.ge [sflag:s20], $0xF00;
	vm0 =	vlt.s32 v5, v7  }
0xcd: {  	s12 =	simm.s32 $0xF050;
	s11 =	simm.s32 $0xA;
	[sflag:s20] =	ssyncset.done $0x0;
	v5 =	vsel vm0, v5, v7  }
.LBB2_4:
0xce: {  	s24 =	smov.u32 s0;
	s0 =	sadd.s32 $0xC80, s0  }
0xcf: {  	p1 =	sne.s32 s0, $0x9600;
	_ =	sdelay $0x1  }
0xd0: {  	p2 =	seq.s32 s28, $0x8980  }
0xd1: {  	vm0 =	vlt.s32 v5, v4;
	s26 =	sshra.s32 @!p2 s28, $0x2;
	s29 =	simm.s32 @!p2 $0x10E50;
	s28 =	smov.u32 s24  }
0xd2: {  	v4 =	vsel vm0, v5, v4;
	s31 =	simm.s32 @!p2 $0x50;
	s24 =	sadd.s32 @!p2 $0x79E0, s26;
	[sflag:s20] =	ssyncadd.s32 $0xFFFFF100  }
0xd3: {  	vm0 =	vlt.s32 v4, v3;
	[tilespmem:s29], [sflag:$0x6] =	stream.indirect.gather @!p2 [hbm4b:s4+s31], $0x30, s24, s31, $0xb8;
	[tilespmem:$0x16800] =	vst v63  }
0xd4: {  	v3 =	vsel vm0, v4, v3;
	s24 =	sadd.s32 @!p2 $0x7A30, s26;
	v4 =	vld [tilespmem:s21+$0x9F00]  }
0xd5: {  	vm0 =	vlt.s32 v3, v2;
	v5 =	vld [tilespmem:s21+$0x9ED0]  }
0xd6: {  	v2 =	vsel vm0, v3, v2;
	v3 =	vld [tilespmem:s21+$0x9EF0]  }
0xd7: {  	vm0 =	vlt.s32 v2, v1;
	v6 =	vld [tilespmem:s21+$0x9EC0]  }
0xd8: {  	v1 =	vsel vm0, v2, v1;
	v2 =	vld [tilespmem:s21+$0x9EE0]  }
0xd9: {  	_ =	swait.ge [sflag:s11], $0xF00  }
0xda: {  	[sflag:s11] =	ssyncset.done $0x0  }
0xdb: {  	s9 =	simm.s32 $0x14A50;
	s26 =	sadd.s32 $0x9F10, s21;
	[sflag:s11] =	ssyncadd.s32 $0xFFFFF100  }
0xdc: {  	vm0 =	vlt.s32 v1, v6;
	[spmem:s2] =	stream.indirect.scatter.add.f32 [tilespmem:s9], [sflag:$0x14], $0x30, s26, s23, $0xb8;
	[tilespmem:$0x16800] =	vst v63  }
0xdd: {  	v1 =	vsel vm0, v1, v6;
	_ =	swait.ge [sflag:s17], $0xF00  }
0xde: {  	vm0 =	vlt.s32 v1, v5;
	[sflag:s17] =	ssyncset.done $0x0  }
0xdf: {  	s26 =	simm.s32 @!p2 $0x11D50;
	v1 =	vsel vm0, v1, v5;
	[sflag:s17] =	ssyncadd.s32 $0xFFFFF100  }
0xe0: {  	[tilespmem:s26], [sflag:$0x7] =	stream.indirect.gather @!p2 [hbm4b:s4+s31], $0x30, s24, s31, $0xb8;
	[tilespmem:$0x16800] =	vst v63  }
0xe1: {  	s29 =	simm.s32 $0xC350;
	vm0 =	vlt.s32 v1, v2;
	s31 =	simm.s32 $0xD250  }
0xe2: {  	v1 =	vsel vm0, v1, v2;
	v2 =	vld [tilespmem:s21+$0x9F40]  }
0xe3: {  	vm0 =	vlt.s32 v1, v3;
	v5 =	vld [tilespmem:s21+$0x9F30]  }
0xe4: {  	v1 =	vsel vm0, v1, v3;
	v3 =	vld [tilespmem:s21+$0x9F20]  }
0xe5: {  	vm0 =	vlt.s32 v1, v4;
	v6 =	vld [tilespmem:s21+$0x9F10]  }
0xe6: {  	v1 =	vsel vm0, v1, v4;
	v4 =	vld [tilespmem:s21+$0x9F50]  }
0xe7: {  	s21 =	sshra.s32 s28, $0x2;
	_ =	swait.ge [sflag:s13], $0xF00  }
0xe8: {  	p2 =	seq.s32 s28, $0x0;
	s24 =	sadd.s32 $0x9C40, s21;
	[sflag:s13] =	ssyncset.done $0x0  }
0xe9: {  	s26 =	simm.s32 @!p2 $0x12;
	[sflag:s13] =	ssyncadd.s32 $0xFFFFF100  }
0xea: {  	[spmem:s2] =	stream.indirect.scatter.add.f32 [tilespmem:s29], [sflag:$0xB], $0x30, s24, s23, $0xb8;
	vm0 =	vlt.s32 v1, v6;
	[tilespmem:$0x16800] =	vst v63  }
0xeb: {  	_ =	swait.ge @!p2 [sflag:s26], $0xF00;
	v1 =	vsel vm0, v1, v6  }
0xec: {  	s24 =	sadd.s32 $0x7760, s21;
	[sflag:s26] =	ssyncset.done @!p2 $0x0;
	vm0 =	vlt.s32 v1, v3  }
0xed: {  	[sflag:s26] =	ssyncadd.s32 @!p2 $0xFFFFF100;
	v1 =	vsel vm0, v1, v3  }
0xee: {  	[tilespmem:s30], [sflag:$0x8] =	stream.indirect.gather [hbm4b:s4+s23], $0x30, s24, s23, $0xb8;
	vm0 =	vlt.s32 v1, v5;
	[tilespmem:$0x16800] =	vst v63  }
0xef: {  	v3 =	vld [tilespmem:s21+$0x9C50];
	v1 =	vsel vm0, v1, v5  }
0xf0: {  	v5 =	vld [tilespmem:s21+$0x9C70];
	vm0 =	vlt.s32 v1, v2  }
0xf1: {  	v6 =	vld [tilespmem:s21+$0x9C80];
	v1 =	vsel vm0, v1, v2  }
0xf2: {  	v2 =	vld [tilespmem:s21+$0x9C40];
	vm0 =	vlt.s32 v1, v4  }
0xf3: {  	v7 =	vld [tilespmem:s21+$0x9C60];
	v1 =	vsel vm0, v1, v4  }
0xf4: {  	_ =	swait.ge [sflag:s16], $0xF00  }
0xf5: {  	s26 =	simm.s32 @!p2 $0x13;
	s24 =	sadd.s32 $0x9C90, s21;
	[sflag:s16] =	ssyncset.done $0x0  }
0xf6: {  	[sflag:s16] =	ssyncadd.s32 $0xFFFFF100  }
0xf7: {  	vm0 =	vlt.s32 v1, v2;
	[spmem:s2] =	stream.indirect.scatter.add.f32 [tilespmem:s31], [sflag:$0xC], $0x30, s24, s23, $0xb8;
	[tilespmem:$0x16800] =	vst v63  }
0xf8: {  	v1 =	vsel vm0, v1, v2;
	_ =	swait.ge @!p2 [sflag:s26], $0xF00  }
0xf9: {  	vm0 =	vlt.s32 v1, v3;
	[sflag:s26] =	ssyncset.done @!p2 $0x0  }
0xfa: {  	s8 =	simm.s32 $0x13B50;
	s24 =	sadd.s32 $0x77B0, s21;
	v1 =	vsel vm0, v1, v3;
	[sflag:s26] =	ssyncadd.s32 @!p2 $0xFFFFF100  }
0xfb: {  	vm0 =	vlt.s32 v1, v7;
	[tilespmem:s8], [sflag:$0x9] =	stream.indirect.gather [hbm4b:s4+s23], $0x30, s24, s23, $0xb8;
	[tilespmem:$0x16800] =	vst v63  }
0xfc: {  	v1 =	vsel vm0, v1, v7;
	v2 =	vld [tilespmem:s21+$0x9CC0]  }
0xfd: {  	vm0 =	vlt.s32 v1, v5;
	v3 =	vld [tilespmem:s21+$0x9CD0]  }
0xfe: {  	v1 =	vsel vm0, v1, v5;
	v4 =	vld [tilespmem:s21+$0x9CB0]  }
0xff: {  	vm0 =	vlt.s32 v1, v6;
	v5 =	vld [tilespmem:s21+$0x9CA0]  }
0x100: {  	v1 =	vsel vm0, v1, v6  }
0x101: {  	v6 =	vld [tilespmem:s21+$0x9C90]  }
0x102: {  	_ =	swait.ge [sflag:s18], $0xF00  }
0x103: {  	[sflag:s18] =	ssyncset.done $0x0  }
0x104: {  	s26 =	simm.s32 @!p2 $0x14;
	s24 =	sadd.s32 $0x9CE0, s21;
	[sflag:s18] =	ssyncadd.s32 $0xFFFFF100  }
0x105: {  	[spmem:s2] =	stream.indirect.scatter.add.f32 [tilespmem:s22], [sflag:$0xD], $0x30, s24, s23, $0xb8;
	[tilespmem:$0x16800] =	vst v63  }
0x106: {  	vm0 =	vlt.s32 v1, v6;
	_ =	swait.ge @!p2 [sflag:s26], $0xF00  }
0x107: {  	v1 =	vsel vm0, v1, v6;
	[sflag:s26] =	ssyncset.done @!p2 $0x0  }
0x108: {  	s24 =	sadd.s32 $0x7800, s21;
	vm0 =	vlt.s32 v1, v5;
	[sflag:s26] =	ssyncadd.s32 @!p2 $0xFFFFF100;
	s26 =	simm.s32 $0x14A50  }
0x109: {  	v1 =	vsel vm0, v1, v5;
	[tilespmem:s9], [sflag:$0xA] =	stream.indirect.gather [hbm4b:s4+s23], $0x30, s24, s23, $0xb8;
	[tilespmem:$0x16800] =	vst v63  }
0x10a: {  	vm0 =	vlt.s32 v1, v4;
	v5 =	vld [tilespmem:s21+$0x9CE0]  }
0x10b: {  	v1 =	vsel vm0, v1, v4;
	v4 =	vld [tilespmem:s21+$0x9D10]  }
0x10c: {  	vm0 =	vlt.s32 v1, v2;
	v6 =	vld [tilespmem:s21+$0x9D00]  }
0x10d: {  	v1 =	vsel vm0, v1, v2;
	v2 =	vld [tilespmem:s21+$0x9D20]  }
0x10e: {  	vm0 =	vlt.s32 v1, v3;
	v7 =	vld [tilespmem:s21+$0x9CF0]  }
0x10f: {  	v1 =	vsel vm0, v1, v3;
	_ =	swait.ge [sflag:s19], $0xF00  }
0x110: {  	vm0 =	vlt.s32 v1, v5;
	[sflag:s19] =	ssyncset.done $0x0  }
0x111: {  	s24 =	sadd.s32 $0x9D30, s21;
	v1 =	vsel vm0, v1, v5;
	[sflag:s19] =	ssyncadd.s32 $0xFFFFF100  }
0x112: {  	[spmem:s2] =	stream.indirect.scatter.add.f32 [tilespmem:s12], [sflag:$0xE], $0x30, s24, s23, $0xb8;
	[tilespmem:$0x16800] =	vst v63  }
0x113: {  	vm0 =	vlt.s32 v1, v7;
	_ =	swait.ge [sflag:s1], $0xF00  }
0x114: {  	v1 =	vsel vm0, v1, v7;
	[sflag:s1] =	ssyncset.done $0x0  }
0x115: {  	s24 =	sadd.s32 $0x7850, s21;
	vm0 =	vlt.s32 v1, v6;
	[sflag:s1] =	ssyncadd.s32 $0xFFFFF100  }
0x116: {  	v1 =	vsel vm0, v1, v6;
	[tilespmem:s29], [sflag:$0x1] =	stream.indirect.gather [hbm4b:s4+s23], $0x30, s24, s23, $0xb8;
	[tilespmem:$0x16800] =	vst v63  }
0x117: {  	vm0 =	vlt.s32 v1, v4;
	v3 =	vld [tilespmem:s21+$0x9D70]  }
0x118: {  	v1 =	vsel vm0, v1, v4;
	v4 =	vld [tilespmem:s21+$0x9D40]  }
0x119: {  	v5 =	vld [tilespmem:s21+$0x9D60]  }
0x11a: {  	vm0 =	vlt.s32 v1, v2;
	v6 =	vld [tilespmem:s21+$0x9D50]  }
0x11b: {  	v1 =	vsel vm0, v1, v2;
	v2 =	vld [tilespmem:s21+$0x9D30]  }
0x11c: {  	_ =	swait.ge [sflag:s3], $0xF00  }
0x11d: {  	[sflag:s3] =	ssyncset.done $0x0  }
0x11e: {  	s24 =	sadd.s32 $0x9D80, s21;
	[sflag:s3] =	ssyncadd.s32 $0xFFFFF100  }
0x11f: {  	[spmem:s2] =	stream.indirect.scatter.add.f32 [tilespmem:s14], [sflag:$0xF], $0x30, s24, s23, $0xb8;
	[tilespmem:$0x16800] =	vst v63  }
0x120: {  	vm0 =	vlt.s32 v1, v2;
	_ =	swait.ge [sflag:s5], $0xF00  }
0x121: {  	v1 =	vsel vm0, v1, v2;
	[sflag:s5] =	ssyncset.done $0x0  }
0x122: {  	s24 =	sadd.s32 $0x78A0, s21;
	vm0 =	vlt.s32 v1, v4;
	[sflag:s5] =	ssyncadd.s32 $0xFFFFF100  }
0x123: {  	v1 =	vsel vm0, v1, v4;
	[tilespmem:s31], [sflag:$0x2] =	stream.indirect.gather [hbm4b:s4+s23], $0x30, s24, s23, $0xb8;
	[tilespmem:$0x16800] =	vst v63  }
0x124: {  	vm0 =	vlt.s32 v1, v6;
	v2 =	vld [tilespmem:s21+$0x9DC0]  }
0x125: {  	v1 =	vsel vm0, v1, v6;
	v4 =	vld [tilespmem:s21+$0x9DB0]  }
0x126: {  	vm0 =	vlt.s32 v1, v5;
	v6 =	vld [tilespmem:s21+$0x9D90]  }
0x127: {  	v1 =	vsel vm0, v1, v5;
	v5 =	vld [tilespmem:s21+$0x9DA0]  }
0x128: {  	vm0 =	vlt.s32 v1, v3;
	v7 =	vld [tilespmem:s21+$0x9D80]  }
0x129: {  	v1 =	vsel vm0, v1, v3;
	_ =	swait.ge [sflag:s7], $0xF00  }
0x12a: {  	[sflag:s7] =	ssyncset.done $0x0  }
0x12b: {  	s9 =	simm.s32 $0x10E50;
	s24 =	sadd.s32 $0x9DD0, s21;
	[sflag:s7] =	ssyncadd.s32 $0xFFFFF100  }
0x12c: {  	[spmem:s2] =	stream.indirect.scatter.add.f32 [tilespmem:s9], [sflag:$0x10], $0x30, s24, s23, $0xb8;
	[tilespmem:$0x16800] =	vst v63  }
0x12d: {  	vm0 =	vlt.s32 v1, v7;
	_ =	swait.ge [sflag:s6], $0xF00  }
0x12e: {  	v1 =	vsel vm0, v1, v7;
	[sflag:s6] =	ssyncset.done $0x0  }
0x12f: {  	s24 =	sadd.s32 $0x78F0, s21;
	vm0 =	vlt.s32 v1, v6;
	[sflag:s6] =	ssyncadd.s32 $0xFFFFF100  }
0x130: {  	v1 =	vsel vm0, v1, v6;
	[tilespmem:s22], [sflag:$0x3] =	stream.indirect.gather [hbm4b:s4+s23], $0x30, s24, s23, $0xb8;
	[tilespmem:$0x16800] =	vst v63  }
0x131: {  	vm0 =	vlt.s32 v1, v5;
	v3 =	vld [tilespmem:s21+$0x9DE0]  }
0x132: {  	v1 =	vsel vm0, v1, v5;
	v5 =	vld [tilespmem:s21+$0x9DD0]  }
0x133: {  	vm0 =	vlt.s32 v1, v4;
	v6 =	vld [tilespmem:s21+$0x9DF0]  }
0x134: {  	v1 =	vsel vm0, v1, v4;
	v4 =	vld [tilespmem:s21+$0x9E00]  }
0x135: {  	vm0 =	vlt.s32 v1, v2;
	v7 =	vld [tilespmem:s21+$0x9E10]  }
0x136: {  	v1 =	vsel vm0, v1, v2;
	_ =	swait.ge [sflag:s15], $0xF00  }
0x137: {  	vm0 =	vlt.s32 v1, v5;
	[sflag:s15] =	ssyncset.done $0x0  }
0x138: {  	s9 =	simm.s32 $0x11D50;
	s24 =	sadd.s32 $0x9E20, s21;
	v1 =	vsel vm0, v1, v5;
	[sflag:s15] =	ssyncadd.s32 $0xFFFFF100  }
0x139: {  	[spmem:s2] =	stream.indirect.scatter.add.f32 [tilespmem:s9], [sflag:$0x11], $0x30, s24, s23, $0xb8;
	[tilespmem:$0x16800] =	vst v63  }
0x13a: {  	vm0 =	vlt.s32 v1, v3;
	s9 =	simm.s32 $0xE  }
0x13b: {  	v1 =	vsel vm0, v1, v3;
	_ =	swait.ge [sflag:s9], $0xF00  }
0x13c: {  	vm0 =	vlt.s32 v1, v6;
	[sflag:s9] =	ssyncset.done $0x0  }
0x13d: {  	s24 =	sadd.s32 $0x7940, s21;
	v1 =	vsel vm0, v1, v6;
	[sflag:s9] =	ssyncadd.s32 $0xFFFFF100  }
0x13e: {  	vm0 =	vlt.s32 v1, v4;
	[tilespmem:s12], [sflag:$0x4] =	stream.indirect.gather [hbm4b:s4+s23], $0x30, s24, s23, $0xb8;
	[tilespmem:$0x16800] =	vst v63  }
0x13f: {  	v1 =	vsel vm0, v1, v4;
	v2 =	vld [tilespmem:s21+$0x9E20]  }
0x140: {  	vm0 =	vlt.s32 v1, v7;
	v3 =	vld [tilespmem:s21+$0x9E40]  }
0x141: {  	v1 =	vsel vm0, v1, v7;
	v5 =	vld [tilespmem:s21+$0x9E50]  }
0x142: {  	v6 =	vld [tilespmem:s21+$0x9E60]  }
0x143: {  	v4 =	vld [tilespmem:s21+$0x9E30]  }
0x144: {  	vm0 =	vlt.s32 v1, v2;
	_ =	swait.ge [sflag:s10], $0xF00  }
0x145: {  	v1 =	vsel vm0, v1, v2;
	[sflag:s10] =	ssyncset.done $0x0  }
0x146: {  	s9 =	simm.s32 $0xF;
	s24 =	sadd.s32 $0x9E70, s21;
	[sflag:s10] =	ssyncadd.s32 $0xFFFFF100  }
0x147: {  	[spmem:s2] =	stream.indirect.scatter.add.f32 [tilespmem:s30], [sflag:$0x12], $0x30, s24, s23, $0xb8;
	[tilespmem:$0x16800] =	vst v63  }
0x148: {  	vm0 =	vlt.s32 v1, v4;
	_ =	swait.ge [sflag:s9], $0xF00  }
0x149: {  	v1 =	vsel vm0, v1, v4;
	[sflag:s9] =	ssyncset.done $0x0  }
0x14a: {  	s24 =	sadd.s32 $0x7990, s21;
	vm0 =	vlt.s32 v1, v3;
	[sflag:s9] =	ssyncadd.s32 $0xFFFFF100  }
0x14b: {  	v1 =	vsel vm0, v1, v3;
	[tilespmem:s14], [sflag:$0x5] =	stream.indirect.gather [hbm4b:s4+s23], $0x30, s24, s23, $0xb8;
	[tilespmem:$0x16800] =	vst v63  }
0x14c: {  	vm0 =	vlt.s32 v1, v5;
	v4 =	vld [tilespmem:s21+$0x9E80]  }
0x14d: {  	v2 =	vsel vm0, v1, v5;
	v1 =	vld [tilespmem:s21+$0x9EB0]  }
0x14e: {  	vm0 =	vlt.s32 v2, v6;
	v3 =	vld [tilespmem:s21+$0x9E90]  }
0x14f: {  	v5 =	vsel vm0, v2, v6;
	v2 =	vld [tilespmem:s21+$0x9EA0]  }
0x150: {  	v6 =	vld [tilespmem:s21+$0x9E70]  }
0x151: {  	_ =	swait.ge [sflag:s25], $0xF00  }
.Ltmp1:
0x152: {  	[sflag:s25] =	ssyncset.done $0x0;
	(pc) =	sbr.rel @p1 .LBB2_4-.Ltmp1, $4  }
0x153: {  	s24 =	sadd.s32 $0x9EC0, s21;
	[sflag:s25] =	ssyncadd.s32 $0xFFFFF100  }
0x154: {  	[spmem:s2] =	stream.indirect.scatter.add.f32 [tilespmem:s8], [sflag:$0x13], $0x30, s24, s23, $0xb8;
	[tilespmem:$0x16800] =	vst v63  }
0x155: {  	vm0 =	vlt.s32 v5, v6;
	_ =	swait.ge [sflag:s20], $0xF00  }
0x156: {  	v5 =	vsel vm0, v5, v6;
	[sflag:s20] =	ssyncset.done $0x0  }
0x157: {  	p1 =	seq.s32 s28, $0x8980  }
0x158: {  	[sflag:s20] =	ssyncadd.s32 $0xFFFFF100;
	s0 =	sshra.s32 @!p1 s28, $0x2  }
0x159: {  	s24 =	simm.s32 @!p1 $0x10E50;
	s28 =	simm.s32 @!p1 $0x50;
	s7 =	sadd.s32 @!p1 $0x79E0, s0  }
0x15a: {  	[tilespmem:s24], [sflag:$0x6] =	stream.indirect.gather @!p1 [hbm4b:s4+s28], $0x30, s7, s28, $0xb8;
	[tilespmem:$0x16800] =	vst v63  }
0x15b: {  	v6 =	vld [tilespmem:s21+$0x9F00]  }
0x15c: {  	v7 =	vld [tilespmem:s21+$0x9ED0]  }
0x15d: {  	v8 =	vld [tilespmem:s21+$0x9EF0]  }
0x15e: {  	v9 =	vld [tilespmem:s21+$0x9EC0]  }
0x15f: {  	vm0 =	vlt.s32 v5, v4;
	v10 =	vld [tilespmem:s21+$0x9EE0];
	_ =	swait.ge [sflag:s11], $0xF00  }
0x160: {  	v4 =	vsel vm0, v5, v4;
	[sflag:s11] =	ssyncset.done $0x0  }
0x161: {  	s20 =	sadd.s32 $0x9F10, s21;
	vm0 =	vlt.s32 v4, v3;
	[sflag:s11] =	ssyncadd.s32 $0xFFFFF100  }
0x162: {  	v3 =	vsel vm0, v4, v3;
	[spmem:s2] =	stream.indirect.scatter.add.f32 [tilespmem:s26], [sflag:$0x14], $0x30, s20, s23, $0xb8;
	[tilespmem:$0x16800] =	vst v63  }
0x163: {  	vm0 =	vlt.s32 v3, v2;
	_ =	swait.ge [sflag:s17], $0xF00  }
0x164: {  	v2 =	vsel vm0, v3, v2;
	[sflag:s17] =	ssyncset.done $0x0  }
0x165: {  	s0 =	sadd.s32 @!p1 $0x7A30, s0;
	s24 =	simm.s32 @!p1 $0x11D50;
	vm0 =	vlt.s32 v2, v1;
	[sflag:s17] =	ssyncadd.s32 $0xFFFFF100  }
0x166: {  	v1 =	vsel vm0, v2, v1;
	[tilespmem:s24], [sflag:$0x7] =	stream.indirect.gather @!p1 [hbm4b:s4+s28], $0x30, s0, s28, $0xb8;
	[tilespmem:$0x16800] =	vst v63  }
0x167: {  	vm0 =	vlt.s32 v1, v9;
	v45 =	vld [tilespmem:s21+$0x9F40]  }
0x168: {  	v1 =	vsel vm0, v1, v9;
	v46 =	vld [tilespmem:s21+$0x9F30]  }
0x169: {  	vm0 =	vlt.s32 v1, v7;
	v3 =	vld [tilespmem:s21+$0x9F20]  }
0x16a: {  	v11 =	vld [tilespmem:s21+$0x9F10];
	v1 =	vsel vm0, v1, v7  }
0x16b: {  	v2 =	vld [tilespmem:s21+$0x9F50];
	_ =	swait.ge [sflag:s13], $0xF00;
	vm0 =	vlt.s32 v1, v10  }
0x16c: {  	[sflag:s13] =	ssyncset.done $0x0;
	v1 =	vsel vm0, v1, v10  }
0x16d: {  	s24 =	simm.s32 $0x12;
	s21 =	simm.s32 $0xC1C0;
	[sflag:s13] =	ssyncadd.s32 $0xFFFFF100;
	vm0 =	vlt.s32 v1, v8  }
0x16e: {  	[spmem:s2] =	stream.indirect.scatter.add.f32 [tilespmem:s29], [sflag:$0xB], $0x30, s21, s23, $0xb8;
	v1 =	vsel vm0, v1, v8;
	[tilespmem:$0x16800] =	vst v63  }
0x16f: {  	_ =	swait.ge [sflag:s24], $0xF00;
	vm0 =	vlt.s32 v1, v6  }
0x170: {  	[sflag:s24] =	ssyncset.done $0x0;
	v1 =	vsel vm0, v1, v6  }
0x171: {  	[sflag:s24] =	ssyncadd.s32 $0xFFFFF100;
	vm0 =	vlt.s32 v1, v11  }
0x172: {  	v47 =	vld [tilespmem:$0xC1C0];
	v1 =	vsel vm0, v1, v11  }
0x173: {  	v48 =	vld [tilespmem:$0xC1D0];
	vm0 =	vlt.s32 v1, v3  }
0x174: {  	v49 =	vld [tilespmem:$0xC1E0];
	v1 =	vsel vm0, v1, v3  }
0x175: {  	v50 =	vld [tilespmem:$0xC1F0];
	vm0 =	vlt.s32 v1, v46  }
0x176: {  	v51 =	vld [tilespmem:$0xC200];
	_ =	swait.ge [sflag:s16], $0xF00;
	v1 =	vsel vm0, v1, v46  }
0x177: {  	[sflag:s16] =	ssyncset.done $0x0;
	vm0 =	vlt.s32 v1, v45  }
0x178: {  	s25 =	simm.s32 $0xC210;
	s26 =	simm.s32 $0x13;
	[sflag:s16] =	ssyncadd.s32 $0xFFFFF100;
	v1 =	vsel vm0, v1, v45  }
0x179: {  	[spmem:s2] =	stream.indirect.scatter.add.f32 [tilespmem:s31], [sflag:$0xC], $0x30, s25, s23, $0xb8;
	vm0 =	vlt.s32 v1, v2;
	[tilespmem:$0x16800] =	vst v63  }
0x17a: {  	_ =	swait.ge [sflag:s26], $0xF00;
	v1 =	vsel vm0, v1, v2  }
0x17b: {  	[sflag:s26] =	ssyncset.done $0x0;
	vm0 =	vlt.s32 v1, v47  }
0x17c: {  	[sflag:s26] =	ssyncadd.s32 $0xFFFFF100;
	v1 =	vsel vm0, v1, v47  }
0x17d: {  	v3 =	vld [tilespmem:$0xC220];
	vm0 =	vlt.s32 v1, v48  }
0x17e: {  	v52 =	vld [tilespmem:$0xC230];
	v1 =	vsel vm0, v1, v48  }
0x17f: {  	v53 =	vld [tilespmem:$0xC240];
	vm0 =	vlt.s32 v1, v49  }
0x180: {  	v2 =	vld [tilespmem:$0xC210];
	v1 =	vsel vm0, v1, v49  }
0x181: {  	v54 =	vld [tilespmem:$0xC250];
	_ =	swait.ge [sflag:s18], $0xF00;
	vm0 =	vlt.s32 v1, v50  }
0x182: {  	[sflag:s18] =	ssyncset.done $0x0;
	v1 =	vsel vm0, v1, v50  }
0x183: {  	s7 =	simm.s32 $0x14;
	s28 =	simm.s32 $0xC260;
	[sflag:s18] =	ssyncadd.s32 $0xFFFFF100;
	vm0 =	vlt.s32 v1, v51  }
0x184: {  	[spmem:s2] =	stream.indirect.scatter.add.f32 [tilespmem:s22], [sflag:$0xD], $0x30, s28, s23, $0xb8;
	v1 =	vsel vm0, v1, v51;
	[tilespmem:$0x16800] =	vst v63  }
0x185: {  	_ =	swait.ge [sflag:s7], $0xF00;
	vm0 =	vlt.s32 v1, v2  }
0x186: {  	[sflag:s7] =	ssyncset.done $0x0;
	v1 =	vsel vm0, v1, v2  }
0x187: {  	[sflag:s7] =	ssyncadd.s32 $0xFFFFF100;
	vm0 =	vlt.s32 v1, v3  }
0x188: {  	v55 =	vld [tilespmem:$0xC270];
	v1 =	vsel vm0, v1, v3  }
0x189: {  	v56 =	vld [tilespmem:$0xC290];
	vm0 =	vlt.s32 v1, v52  }
0x18a: {  	v2 =	vld [tilespmem:$0xC260];
	v1 =	vsel vm0, v1, v52  }
0x18b: {  	v57 =	vld [tilespmem:$0xC2A0];
	vm0 =	vlt.s32 v1, v53  }
0x18c: {  	v3 =	vld [tilespmem:$0xC280];
	_ =	swait.ge [sflag:s19], $0xF00;
	v1 =	vsel vm0, v1, v53  }
0x18d: {  	[sflag:s19] =	ssyncset.done $0x0;
	vm0 =	vlt.s32 v1, v54  }
0x18e: {  	s8 =	simm.s32 $0xC2B0;
	[sflag:s19] =	ssyncadd.s32 $0xFFFFF100;
	v1 =	vsel vm0, v1, v54  }
0x18f: {  	[spmem:s2] =	stream.indirect.scatter.add.f32 [tilespmem:s12], [sflag:$0xE], $0x30, s8, s23, $0xb8;
	vm0 =	vlt.s32 v1, v2;
	[tilespmem:$0x16800] =	vst v63  }
0x190: {  	_ =	swait.ge [sflag:s1], $0xF00;
	v1 =	vsel vm0, v1, v2  }
0x191: {  	[sflag:s1] =	ssyncset.done $0x0;
	vm0 =	vlt.s32 v1, v55  }
0x192: {  	[sflag:s1] =	ssyncadd.s32 $0xFFFFF100;
	v1 =	vsel vm0, v1, v55  }
0x193: {  	v58 =	vld [tilespmem:$0xC2C0];
	vm0 =	vlt.s32 v1, v3  }
0x194: {  	v2 =	vld [tilespmem:$0xC2B0];
	v1 =	vsel vm0, v1, v3  }
0x195: {  	v59 =	vld [tilespmem:$0xC2E0];
	vm0 =	vlt.s32 v1, v56  }
0x196: {  	v60 =	vld [tilespmem:$0xC2F0];
	v1 =	vsel vm0, v1, v56  }
0x197: {  	v3 =	vld [tilespmem:$0xC2D0];
	_ =	swait.ge [sflag:s3], $0xF00;
	vm0 =	vlt.s32 v1, v57  }
0x198: {  	[sflag:s3] =	ssyncset.done $0x0;
	v1 =	vsel vm0, v1, v57  }
0x199: {  	s9 =	simm.s32 $0xC300;
	[sflag:s3] =	ssyncadd.s32 $0xFFFFF100;
	vm0 =	vlt.s32 v1, v2  }
0x19a: {  	[spmem:s2] =	stream.indirect.scatter.add.f32 [tilespmem:s14], [sflag:$0xF], $0x30, s9, s23, $0xb8;
	v1 =	vsel vm0, v1, v2;
	[tilespmem:$0x16800] =	vst v63  }
0x19b: {  	_ =	swait.ge [sflag:s5], $0xF00;
	vm0 =	vlt.s32 v1, v58  }
0x19c: {  	[sflag:s5] =	ssyncset.done $0x0;
	v1 =	vsel vm0, v1, v58  }
0x19d: {  	[sflag:s5] =	ssyncadd.s32 $0xFFFFF100;
	vm0 =	vlt.s32 v1, v3  }
0x19e: {  	v2 =	vld [tilespmem:$0xC300];
	v1 =	vsel vm0, v1, v3  }
0x19f: {  	vm0 =	vlt.s32 v1, v59  }
0x1a0: {  	v3 =	vld [tilespmem:$0xC310];
	v1 =	vsel vm0, v1, v59  }
0x1a1: {  	vm0 =	vlt.s32 v1, v60  }
0x1a2: {  	v61 =	vld [tilespmem:$0xC320];
	v1 =	vsel vm0, v1, v60  }
0x1a3: {  	v62 =	vld [tilespmem:$0xC330];
	vm0 =	vlt.s32 v1, v2  }
0x1a4: {  	v63 =	vld [tilespmem:$0xC340];
	_ =	swait.ge [sflag:s6], $0xF00;
	v1 =	vsel vm0, v1, v2  }
0x1a5: {  	[sflag:s6] =	ssyncset.done $0x0;
	vm0 =	vlt.s32 v1, v3  }
0x1a6: {  	s10 =	simm.s32 $0xE;
	[sflag:s6] =	ssyncadd.s32 $0xFFFFF100;
	v1 =	vsel vm0, v1, v3  }
0x1a7: {  	_ =	swait.ge [sflag:s10], $0xF00;
	vm0 =	vlt.s32 v1, v61  }
0x1a8: {  	[sflag:s10] =	ssyncset.done $0x0;
	v1 =	vsel vm0, v1, v61  }
0x1a9: {  	s11 =	simm.s32 $0xF;
	[sflag:s10] =	ssyncadd.s32 $0xFFFFF100;
	vm0 =	vlt.s32 v1, v62  }
0x1aa: {  	_ =	swait.ge [sflag:s11], $0xF00;
	v1 =	vsel vm0, v1, v62  }
0x1ab: {  	[sflag:s11] =	ssyncset.done $0x0;
	vm0 =	vlt.s32 v1, v63  }
0x1ac: {  	s15 =	simm.s32 $0x167F0;
	[sflag:s11] =	ssyncadd.s32 $0xFFFFF100;
	v1 =	vsel vm0, v1, v63  }
0x1ad: {  	s24 =	simm.s32 $0x0;
	s31 =	simm.s32 $0x15;
	s13 =	rddreg [dreg:$0xe];
	[tilespmem:$0x167F0] =	vst v1  }
0x1ae: {  	[hbm4b:s13+s24] =	stream.linear.scatter [tilespmem:s15], [sflag:$0x15], $0x10, $0x38;
	[tilespmem:$0x16800] =	vst v63  }
0x1af: {  	_ =	swait.ge [sflag:s31], $0x10  }
0x1b0: {  	[sflag:s31] =	ssyncset.done $0x0  }
0x1b1: {  	[sflag:s31] =	ssyncadd.s32 $0xFFFFFFF0  }
0x1b2: {  	s16 =	stileid.u32;
	[bflag:$0x0] =	sbarrier.arrive $0xFFFF  }
0x1b3: {  	s0 =	sshll.u32 s16, $0x6;
	s26 =	rddreg [dreg:$0x5]  }
0x1b4: {  	s0 =	sor.u32 $0x1C15, s0;
	s20 =	rddreg [dreg:$0xf];
	s17 =	sshrl.u32 s26, $0x3  }
0x1b5: {  	[hbm:s20], [sflag:s0] =	dma.local [spmem:s17], $0xEA0  }
0x1b6: {  	_ =	swait.ge [sflag:s31], $0xEA0  }
0x1b7: {  	[sflag:s31] =	ssyncset.done $0x0;
	s7 =	rddreg [dreg:$0xd]  }
0x1b8: {  	s28 =	rddreg [dreg:$0x10];
	[sflag:s31] =	ssyncadd.s32 $0xFFFFF160;
	s21 =	sshrl.u32 @!p0 s7, $0x3  }
0x1b9: {  	[hbm:s28], [sflag:s0] =	dma.local @!p0 [spmem:s21], $0x60  }
0x1ba: {  	s0 =	simm.s32 @!p0 $0x15  }
0x1bb: {  	_ =	swait.ge @!p0 [sflag:s0], $0x60  }
0x1bc: {  	s25 =	rddreg [dreg:$0x12]  }
0x1bd: {  	s28 =	rddreg [dreg:$0x11];
	s3 =	sadd.s32 $0x1, s25  }
0x1be: {  	p1 =	sne.s32 s3, s28  }
.Ltmp2:
0x1bf: {  	s29 =	simm.s32 $0xD250;
	s16 =	simm.s32 $0x3;
	(pc) =	sbr.rel @p1 .LBB2_1-.Ltmp2, $4  }
0x1c0: {  	s8 =	simm.s32 $0xE;
	s1 =	simm.s32 $0xB;
	s9 =	simm.s32 $0xF  }
0x1c1: {  	s5 =	simm.s32 $0xC;
	s6 =	simm.s32 $0xD;
	s11 =	simm.s32 $0x1  }
0x1c2: {  	s15 =	simm.s32 $0xC350;
	s13 =	simm.s32 $0x2;
	[sflag:s0] =	ssyncset.done @!p0 $0x0  }
0x1c3: {  	s17 =	simm.s32 $0x10;
	s20 =	simm.s32 $0x11;
	[sflag:s0] =	ssyncadd.s32 @!p0 $0xFFFFFFA0  }
0x1c4: {  	_ =	sfence.sel $0x180000  }
0x1c5: {  	[bflag:$0x0] =	sbarrier.arrive $0xFFFF  }
0x1c6: {  	_ =	strace $0x90000047  }
0x1c7: {  	[bflag:$0x2] =	sbarrier.arrive $0xFFFF  }
0x1c8: {  	s0 =	rddreg [dreg:$0x2]  }
0x1c9: {  	s0 =	sadd.s32 @!p0 $0x100000, s0  }
0x1ca: {  	[sflag:s0] =	ssyncadd.tile.s32 @!p0 $0x1;
	_ =	shalt  }
.Lfunc_end2:
_tile_overlayer_lowered:
.L_overlay_start_2:
0x1cb: {  	(tag) =	ssettag $0x2  }
0x1cc: {  	s0 =	rddreg [dreg:$0x0];
	s2 =	stileid.u32  }
0x1cd: {  	s1 =	rddreg [dreg:$0x1];
	p0 =	sne.s32 s2, $0x0  }
0x1ce: {  	s3 =	rddreg [dreg:$0x2];
	[bflag:$0x3] =	sbarrier.arrive $0xFFFF;
	s2 =	simm.s32 @!p0 $0x1C15  }
0x1cf: {  	[timem:s3], [sflag:s2] =	dma.local @!p0 [hbm:s0], s1  }
0x1d0: {  	s0 =	simm.s32 @!p0 $0x15  }
0x1d1: {  	_ =	swait.ge @!p0 [sflag:s0], s1  }
0x1d2: {  	s1 =	ssub.s32 @!p0 $0x0, s1;
	[sflag:s0] =	ssyncset.done @!p0 $0x0  }
0x1d3: {  	[sflag:s0] =	ssyncadd.s32 @!p0 s1  }
0x1d4: {  	[bflag:$0x3] =	sbarrier.arrive $0xFFFF  }
0x1d5: {  	_ =	shalt  }

// kernel: kernel.7.cloned.1.call-start
scs
__scs_entry_jumppad:
0x0: {  	(pc) =	sbr.rel $0x88, $3  }
0x1: {  	(tag) =	ssettag $0x0;
	lr =	simm.s32 $0x1  }
0x2: {  	[smem:$0x3F9E] =	sst lr;
	_ =	strace $0xD0000000  }
0x3: {  	_ = 	snop  }
0x4: {  	_ = 	snop  }
0x5: {  	_ = 	snop  }
0x6: {  	_ = 	snop  }
0x7: {  	_ = 	snop  }
__scs_overlays_trampoline_lowered:
0x8: {  	[smem:$0x3FAD] =	sst s0  }
0x9: {  	[smem:$0x3FAE] =	sst s1  }
0xa: {  	[smem:$0x3FAF] =	sst s2  }
0xb: {  	[smem:$0x3FB0] =	sst s3  }
0xc: {  	[smem:$0x3FB1] =	sst s4  }
0xd: {  	[smem:$0x3FB2] =	sst s5  }
0xe: {  	[smem:$0x3FB3] =	sst s6  }
0xf: {  	[smem:$0x3FB4] =	sst s7  }
0x10: {  	[smem:$0x3FB5] =	sst s8  }
0x11: {  	[smem:$0x3FB6] =	sst s9;
	s0 =	simm.s32 @!p0 $0x0  }
0x12: {  	s1 =	sld [smem:$0x3F9C];
	s0 =	simm.s32 @p0 $0x1  }
0x13: {  	[smem:$0x3FB7] =	sst s0;
	s0 =	simm.s32 @!p1 $0x0  }
0x14: {  	s2 =	sld [smem:$0x3F9B];
	s0 =	simm.s32 @p1 $0x1  }
0x15: {  	[smem:$0x3FB8] =	sst s0;
	s0 =	simm.s32 @!p2 $0x0  }
0x16: {  	s3 =	sld [smem:$0x3FDB];
	s0 =	simm.s32 @p2 $0x1  }
0x17: {  	s4 =	simm.s32 $0x1BF5;
	[smem:$0x3FBA] =	sst s0  }
0x18: {  	s0 =	sld [smem:$0x3F9D];
	_ =	swait.ge [sflag:s4], $0x0  }
0x19: {  	s7 =	sld [smem:$0x3F9E]  }
0x1a: {  	s8 =	sadd.s32 $0xFFFFE003, lr  }
0x1b: {  	s9 =	sadd.s32 $0xFFFFFEF7, lr;
	s5 =	simm.s32 $0xFFFFFFFF;
	p2 =	slt.u32 s8, $0xFFFFF086  }
0x1c: {  	p1 =	slt.u32 s9, $0xF7A;
	s5 =	simm.s32 @!p2 $0x0  }
0x1d: {  	s5 =	simm.s32 @p1 $0x1;
	p0 =	seq.s32 s7, s2  }
0x1e: {  	s7 =	smul.u32 @!p0 $0xF7A, s2;
	p2 =	seq.s32 @!p0 s5, $0x0  }
0x1f: {  	s9 =	smul.u32 $0xF7A, s1;
	s8 =	simm.s32 @!p0 $0x1BF5;
	p2 =	por !p2, p0  }
0x20: {  	[sflag:s8] =	ssyncset.s32 @!p0 $0xFFFFF086;
	s6 =	sadd.s32 @!p0 s3, s7;
	s7 =	simm.s32 @!p0 $0x108  }
0x21: {  	s3 =	sadd.s32 s3, s9;
	s6 =	sadd.s32 @!p0 $0x88, s6;
	s7 =	simm.s32 @p2 $0x1082  }
0x22: {  	[simem:s7], [sflag:s8] =	dma.local @!p0 [hbm:s6], $0xF7A  }
0x23: {  	s9 =	sor.u32 $0xD0000000, s2;
	s6 =	simm.s32 $0x108;
	_ =	swait.ge @!p0 [sflag:s8], $0x0  }
0x24: {  	s3 =	sadd.s32 $0x88, s3;
	s6 =	simm.s32 @!p1 $0x1082;
	[sflag:s4] =	ssyncset.s32 $0xFFFFF086  }
0x25: {  	[simem:s6], [sflag:s4] =	dma.local [hbm:s3], $0xF7A  }
0x26: {  	[smem:$0x3F9E] =	sst s1;
	(tag) =	ssettag s2;
	_ =	strace s9  }
0x27: {  	s1 =	sld [smem:$0x3FAE]  }
0x28: {  	s2 =	sld [smem:$0x3FAF]  }
0x29: {  	s4 =	sld [smem:$0x3FB1]  }
0x2a: {  	p0 =	seq.s32 s5, $0x0;
	s5 =	sld [smem:$0x3FB2]  }
0x2b: {  	s6 =	sld [smem:$0x3FB3]  }
0x2c: {  	s7 =	sld [smem:$0x3FB4]  }
0x2d: {  	s3 =	simm.s32 $0x108;
	s8 =	sld [smem:$0x3FB5]  }
0x2e: {  	s3 =	simm.s32 @!p0 $0x1082;
	s9 =	sld [smem:$0x3FB6]  }
0x2f: {  	lr =	sadd.s32 s0, s3;
	s0 =	sld [smem:$0x3FAD]  }
0x30: {  	s3 =	sld [smem:$0x3FB0]  }
0x31: {  	[smem:$0x3FB9] =	sst s10  }
0x32: {  	s10 =	sld [smem:$0x3FB7];
	_ =	sdelay $0x3  }
0x33: {  	p0 =	seq.s32 s10, $0x1;
	s10 =	sld [smem:$0x3FB9];
	_ =	sdelay $0x3  }
0x34: {  	[smem:$0x3FB9] =	sst s10  }
0x35: {  	s10 =	sld [smem:$0x3FB8];
	_ =	sdelay $0x3  }
0x36: {  	p1 =	seq.s32 s10, $0x1;
	s10 =	sld [smem:$0x3FB9];
	_ =	sdelay $0x3  }
0x37: {  	[smem:$0x3FB9] =	sst s10  }
0x38: {  	s10 =	sld [smem:$0x3FBA]  }
0x39: {  	_ = 	snop;
	(pc) =	sbr.ind lr, $3  }
0x3a: {  	_ = 	snop  }
0x3b: {  	_ = 	snop  }
0x3c: {  	p2 =	seq.s32 s10, $0x1;
	s10 =	sld [smem:$0x3FB9]  }
0x3d: {  	_ =	shalt  }
0x3e: {  	_ =	shalt  }
0x3f: {  	_ =	shalt  }
0x40: {  	_ =	shalt  }
0x41: {  	_ =	shalt  }
0x42: {  	_ =	shalt  }
0x43: {  	_ =	shalt  }
0x44: {  	_ =	shalt  }
0x45: {  	_ =	shalt  }
0x46: {  	_ =	shalt  }
0x47: {  	_ =	shalt  }
0x48: {  	_ =	shalt  }
0x49: {  	_ =	shalt  }
0x4a: {  	_ =	shalt  }
0x4b: {  	_ =	shalt  }
0x4c: {  	_ =	shalt  }
0x4d: {  	_ =	shalt  }
0x4e: {  	_ =	shalt  }
0x4f: {  	_ =	shalt  }
0x50: {  	_ =	shalt  }
0x51: {  	_ =	shalt  }
0x52: {  	_ =	shalt  }
0x53: {  	_ =	shalt  }
0x54: {  	_ =	shalt  }
0x55: {  	_ =	shalt  }
0x56: {  	_ =	shalt  }
0x57: {  	_ =	shalt  }
0x58: {  	_ =	shalt  }
0x59: {  	_ =	shalt  }
0x5a: {  	_ =	shalt  }
0x5b: {  	_ =	shalt  }
0x5c: {  	_ =	shalt  }
0x5d: {  	_ =	shalt  }
0x5e: {  	_ =	shalt  }
0x5f: {  	_ =	shalt  }
0x60: {  	_ =	shalt  }
0x61: {  	_ =	shalt  }
0x62: {  	_ =	shalt  }
0x63: {  	_ =	shalt  }
0x64: {  	_ =	shalt  }
0x65: {  	_ =	shalt  }
0x66: {  	_ =	shalt  }
0x67: {  	_ =	shalt  }
0x68: {  	_ =	shalt  }
0x69: {  	_ =	shalt  }
0x6a: {  	_ =	shalt  }
0x6b: {  	_ =	shalt  }
0x6c: {  	_ =	shalt  }
0x6d: {  	_ =	shalt  }
0x6e: {  	_ =	shalt  }
0x6f: {  	_ =	shalt  }
0x70: {  	_ =	shalt  }
0x71: {  	_ =	shalt  }
0x72: {  	_ =	shalt  }
0x73: {  	_ =	shalt  }
0x74: {  	_ =	shalt  }
0x75: {  	_ =	shalt  }
0x76: {  	_ =	shalt  }
0x77: {  	_ =	shalt  }
0x78: {  	_ =	shalt  }
0x79: {  	_ =	shalt  }
0x7a: {  	_ =	shalt  }
0x7b: {  	_ =	shalt  }
0x7c: {  	_ =	shalt  }
0x7d: {  	_ =	shalt  }
0x7e: {  	_ =	shalt  }
0x7f: {  	_ =	shalt  }
0x80: {  	_ =	shalt  }
0x81: {  	_ =	shalt  }
0x82: {  	_ =	shalt  }
0x83: {  	_ =	shalt  }
0x84: {  	_ =	shalt  }
0x85: {  	_ =	shalt  }
0x86: {  	_ =	shalt  }
0x87: {  	_ =	shalt  }
.Lfunc_end0:
.L_simem_size_0:
called_computation.1_lowered:
.L_overlay_start_0:
0x88: {  	s2 =	sld [smem:$0x3FD9]  }
0x89: {  	s3 =	sld [smem:$0x3FFE];
	_ =	sdelay $0x1  }
0x8a: {  	s1 =	srdreg.scid  }
0x8b: {  	s0 =	sand.u32 $0x1, s1  }
0x8c: {  	s17 =	sshll.u32 s0, $0xA;
	s2 =	sadd.s32 s3, s2  }
0x8d: {  	s2 =	sadd.s32 s2, s17  }
0x8e: {  	[smem:$0x3FC5] =	sst s2  }
0x8f: {  	_ = 	snop  }
0x90: {  	s2 =	sld [smem:$0x3FC7]  }
0x91: {  	s18 =	sld [smem:$0x3FD0];
	(tm) =	ssettm $0x1  }
0x92: {  	s4 =	sld [smem:$0x3FFB];
	_ =	sdelay $0x3  }
0x93: {  	_ =	strace s4  }
0x94: {  	s4 =	sld [smem:$0x3FFC];
	_ =	sdelay $0x3  }
0x95: {  	_ =	strace s4  }
0x96: {  	s4 =	sld [smem:$0x3FFD];
	_ =	sdelay $0x3  }
0x97: {  	_ =	strace s4  }
0x98: {  	_ =	strace $0x8FFFFFFF  }
0x99: {  	s19 =	sld [smem:$0x3FDB];
	_ =	sdelay $0x1  }
0x9a: {  	s5 =	simm.s32 $_scs_section_size  }
0x9b: {  	s6 =	simm.s32 $_size__tile_overlayer_lowered;
	s7 =	simm.s32 $_tile_overlayer_lowered  }
0x9c: {  	s22 =	simm.s32 $0x1BFF;
	s21 =	sshll.u32 s7, $0x1;
	s4 =	sadd.s32 s5, s19  }
0x9d: {  	s8 =	simm.s32 $0x0;
	s20 =	sshll.u32 s6, $0x1;
	s6 =	sadd.s32 s21, s4  }
0x9e: {  	[timem:s8], [sflag:s22] =	dma.local [hbm:s6], s20  }
0x9f: {  	_ =	swait.ge [sflag:s22], s20  }
0xa0: {  	s5 =	ssub.s32 $0x0, s20;
	[sflag:s22] =	ssyncset.done $0x0  }
0xa1: {  	[sflag:s22] =	ssyncadd.s32 s5;
	_ =	sdelay $0x1  }
0xa2: {  	s23 =	simm.s32 $0x1B8B  }
0xa3: {  	_ =	swait.ge [sflag:s23], $0x1  }
0xa4: {  	[sflag:s23] =	ssyncset.done $0x0  }
0xa5: {  	s25 =	simm.s32 $0x1B8E;
	s24 =	sld [smem:$0x3FFE];
	[sflag:s23] =	ssyncadd.s32 $0xFFFFFFFF  }
0xa6: {  	s26 =	simm.s32 $execute0_lowered;
	[smem:$0x3FD2] =	sst s25  }
0xa7: {  	s6 =	sshll.u32 s26, $0x1;
	_ =	strace $0x80000049;
	[dreg:$0x1] =	wrdreg $0xFFFFFFFF  }
0xa8: {  	s28 =	simm.s32 $_size_execute0_lowered;
	s4 =	sadd.s32 s4, s6;
	[dreg:$0x0] =	wrdreg $0x0  }
0xa9: {  	s6 =	sshll.u32 s28, $0x1;
	[dreg:$0x2] =	wrdreg s4  }
0xaa: {  	[dreg:$0x3] =	wrdreg s6  }
0xab: {  	[dreg:$0x4] =	wrdreg $0xC0  }
0xac: {  	_ =	task [dreg:s8], $0x5FFFF  }
0xad: {  	[dreg:$0x1] =	wrdreg $0xFFFFFFFF  }
0xae: {  	[dreg:$0x0] =	wrdreg $0x60  }
0xaf: {  	[dreg:$0x2] =	wrdreg s24  }
0xb0: {  	[dreg:$0x3] =	wrdreg s2  }
0xb1: {  	[dreg:$0x4] =	wrdreg s18  }
0xb2: {  	[dreg:$0x5] =	wrdreg $0x9  }
0xb3: {  	_ =	task.clear_ibuf [dreg:s8], $0x6FFFF;
	_ =	strace $0x90000049  }
0xb4: {  	s29 =	simm.s32 $0x9;
	_ =	strace $0x8000004B  }
0xb5: {  	_ =	swait.ge [sflag:s29], $0x1  }
0xb6: {  	[sflag:s29] =	ssyncadd.s32 $0xFFFFFFFF  }
0xb7: {  	_ =	strace $0x9000004B  }
0xb8: {  	_ =	sfence  }
0xb9: {  	s30 =	sld [smem:$0x0];
	_ =	sdelay $0x2  }
0xba: {  	s31 =	sshll.u32 s1, $0xD;
	s1 =	sshrl.u32 s1, $0x2  }
0xbb: {  	s3 =	sand.u32 $0x4000, s31;
	s1 =	sadd.s32 s1, s30  }
0xbc: {  	s0 =	sor.u32 s3, s0;
	s1 =	sshll.u32 s1, $0x11  }
0xbd: {  	s0 =	sor.u32 s1, s0  }
0xbe: {  	s0 =	sadd.s32 $0x8F2B, s0  }
0xbf: {  	[sflag:s0] =	ssyncadd.remote.s32 $0x1  }
0xc0: {  	_ =	sfence.sel $0xFFFF  }
0xc1: {  	[dreg:$0x0] =	wrdreg $0xFFFFFFFF;
	(pc) =	sbr.abs _section_cstart, $3  }
0xc2: {  	[dreg:$0x1] =	wrdreg $0xFFFFFFFF  }
0xc3: {  	_ =	task.clear_ibuf [dreg:s8], $0x2FFFF;
	_ =	strace $0x9FFFFFFF  }
0xc4: {  	(tm) =	ssettm $0x7FFFFFFF  }
0xc5: {  	_ =	shalt  }
tec
execute0_lowered:
.L_overlay_start_1:
0x0: {  	(tag) =	ssettag $0x1  }
0x1: {  	s6 =	rddreg [dreg:$0x0]  }
0x2: {  	s2 =	rddreg [dreg:$0x1]  }
0x3: {  	s0 =	srdreg.scid;
	s8 =	rddreg [dreg:$0x2]  }
0x4: {  	s1 =	stileid.u32;
	s3 =	simm.s32 $0x0;
	s13 =	simm.s32 $0xB010  }
0x5: {  	s14 =	simm.s32 $0x3AB0;
	s15 =	simm.s32 $0x1;
	s7 =	sand.u32 $0x1, s0  }
0x6: {  	s16 =	simm.s32 $0x2;
	s31 =	smul.u32 $0x139, s1;
	s4 =	sshll.u32 s7, $0x4  }
0x7: {  	s0 =	rddreg [dreg:$0x3];
	s12 =	smul.u32 $0x1390, s7;
	s17 =	sor.u32 s1, s4  }
0x8: {  	[smem:$0x7FF] =	sst s3;
	s5 =	sadd.s32 $0x23400, s6;
	s4 =	smul.u32 $0x139, s17  }
.Ltmp0:
0x9: {  	s6 =	sadd.s32 $0x5E000, s6;
	s9 =	ssub.s32 $0x2, s7;
	(pc) =	sbr.rel .LBB2_1-.Ltmp0, $4  }
0xa: {  	_ =	strace $0x8000004A;
	s11 =	sshrl.u32 s9, $0x1;
	s10 =	smul.u32 $0x61D, s17  }
0xb: {  	s9 =	ssub.s32 s9, s11;
	s11 =	simm.s32 $0xB040;
	p0 =	seq.s32 s17, $0x1F  }
0xc: {  	s17 =	simm.s32 $0x0;
	s9 =	smax.u32 s9, $0x1;
	s7 =	sadd.s32 s8, s10  }
0xd: {  	s8 =	sadd.s32 $0xBD83, s8;
	s10 =	sadd.s32 s31, s12;
	s12 =	simm.s32 $0x3  }
.LBB2_8:
0xe: {  	[hbm4b:s21+s3] =	stream.linear.scatter [tilespmem:s18], [sflag:$0x3], $0x28, $0x38;
	[tilespmem:$0xB240] =	vst v63  }
0xf: {  	_ =	swait.ge [sflag:s12], $0x30E8  }
0x10: {  	[sflag:s12] =	ssyncset.done $0x0  }
0x11: {  	[sflag:s12] =	ssyncadd.s32 $0xFFFFCF18  }
.LBB2_12:
0x12: {  	s17 =	sadd.s32 $0x1, s17  }
0x13: {  	p1 =	sne.s32 s17, s9  }
.Ltmp1:
0x14: {  	_ = 	snop;
	(pc) =	sbr.rel @!p1 .LBB2_13-.Ltmp1, $1  }
0x15: {  	_ =	sdelay $0x3  }
.LBB2_1:
0x16: {  	[tilespmem:s11], [sflag:$0x3] =	stream.linear.gather [hbm4b:s6+s3], $0x200, $0x38;
	[tilespmem:$0xB240] =	vst v63  }
0x17: {  	_ =	swait.ge [sflag:s12], $0x200  }
0x18: {  	[sflag:s12] =	ssyncset.done $0x0  }
0x19: {  	[sflag:s12] =	ssyncadd.s32 $0xFFFFFE00  }
0x1a: {  	[tilespmem:s13], [sflag:$0x3] =	stream.linear.gather [hbm4b:s2+s3], $0x28, $0x38;
	[tilespmem:$0xB240] =	vst v63  }
0x1b: {  	_ =	swait.ge [sflag:s12], $0x28  }
0x1c: {  	[sflag:s12] =	ssyncset.done $0x0  }
0x1d: {  	s19 =	simm.s32 $0x0;
	[sflag:s12] =	ssyncadd.s32 $0xFFFFFFD8  }
0x1e: {  	v0 =	vimm.s32 $0x7FFFFFFF;
	s18 =	simm.s32 $0x40;
	v1 =	vld [tilespmem:s19+$0xB040]  }
.LBB2_2:
0x1f: {  	p1 =	sne.s32 s18, $0x7C0  }
.Ltmp2:
0x20: {  	_ = 	snop;
	(pc) =	sbr.rel @p1 .LBB2_2-.Ltmp2, $3  }
0x21: {  	_ =	sdelay $0x1  }
0x22: {  	s19 =	sshra.s32 s18, $0x2;
	s18 =	sadd.s32 $0x40, s18;
	vm0 =	vlt.s32 v0, v1  }
0x23: {  	v0 =	vsel vm0, v0, v1;
	v1 =	vld [tilespmem:s19+$0xB040]  }
0x24: {  	_ =	sdelay $0x3  }
0x25: {  	vm0 =	vlt.s32 v0, v1  }
0x26: {  	v0 =	vsel vm0, v0, v1  }
0x27: {  	(v2sf) =	vpush v0, $0x0  }
0x28: {  	(v2sf) =	vpush v0, $0x1;
	_ =	sdelay $0x1  }
0x29: {  	(v2sf) =	vpush v0, $0x2;
	_ =	sdelay $0x1  }
0x2a: {  	(v2sf) =	vpush v0, $0x3;
	_ =	sdelay $0x1  }
0x2b: {  	(v2sf) =	vpush v0, $0x4;
	_ =	sdelay $0x1  }
0x2c: {  	(v2sf) =	vpush v0, $0x5;
	_ =	sdelay $0x1  }
0x2d: {  	(v2sf) =	vpush v0, $0x6;
	_ =	sdelay $0x1  }
0x2e: {  	(v2sf) =	vpush v0, $0x7;
	_ =	sdelay $0x1  }
0x2f: {  	s18 =	spop (v2sf);
	(v2sf) =	vpush v0, $0x8  }
0x30: {  	s19 =	spop (v2sf)  }
0x31: {  	(v2sf) =	vpush v0, $0x9;
	p1 =	slt.s32 s18, s19  }
0x32: {  	s19 =	smov.u32 @p1 s18;
	s18 =	spop (v2sf)  }
0x33: {  	(v2sf) =	vpush v0, $0xA;
	p1 =	slt.s32 s19, s18  }
0x34: {  	s18 =	smov.u32 @p1 s19;
	s19 =	spop (v2sf)  }
0x35: {  	(v2sf) =	vpush v0, $0xB;
	p1 =	slt.s32 s18, s19  }
0x36: {  	s19 =	smov.u32 @p1 s18;
	s18 =	spop (v2sf)  }
0x37: {  	(v2sf) =	vpush v0, $0xC;
	p1 =	slt.s32 s19, s18  }
0x38: {  	s18 =	smov.u32 @p1 s19;
	s19 =	spop (v2sf)  }
0x39: {  	(v2sf) =	vpush v0, $0xD;
	p1 =	slt.s32 s18, s19  }
0x3a: {  	s19 =	smov.u32 @p1 s18;
	s18 =	spop (v2sf)  }
0x3b: {  	(v2sf) =	vpush v0, $0xE;
	p1 =	slt.s32 s19, s18  }
0x3c: {  	s18 =	smov.u32 @p1 s19;
	s19 =	spop (v2sf)  }
0x3d: {  	(v2sf) =	vpush v0, $0xF;
	p1 =	slt.s32 s18, s19  }
0x3e: {  	s20 =	spop (v2sf);
	s19 =	smov.u32 @p1 s18  }
0x3f: {  	p1 =	slt.s32 s19, s20  }
0x40: {  	s18 =	spop (v2sf);
	s20 =	smov.u32 @p1 s19  }
0x41: {  	p1 =	slt.s32 s20, s18  }
0x42: {  	s19 =	spop (v2sf);
	s18 =	smov.u32 @p1 s20  }
0x43: {  	p1 =	slt.s32 s18, s19  }
0x44: {  	s20 =	spop (v2sf);
	s19 =	smov.u32 @p1 s18  }
0x45: {  	p1 =	slt.s32 s19, s20  }
0x46: {  	s18 =	spop (v2sf);
	s20 =	smov.u32 @p1 s19  }
0x47: {  	p1 =	slt.s32 s20, s18  }
0x48: {  	s19 =	spop (v2sf);
	s18 =	smov.u32 @p1 s20  }
0x49: {  	p1 =	slt.s32 s18, s19  }
0x4a: {  	s20 =	spop (v2sf);
	s19 =	smov.u32 @p1 s18  }
0x4b: {  	p1 =	slt.s32 s19, s20  }
0x4c: {  	s18 =	spop (v2sf);
	s20 =	smov.u32 @p1 s19  }
0x4d: {  	p1 =	slt.s32 s20, s18  }
0x4e: {  	s18 =	smov.u32 @p1 s20  }
0x4f: {  	s30 =	sadd.s32 s4, s18  }
0x50: {  	s19 =	smul.u32 $0x30, s30;
	_ =	sdelay $0x1  }
0x51: {  	s31 =	sshrl.u32 s19, $0x3;
	s19 =	sadd.s32 $0xEA900, s19  }
0x52: {  	s21 =	simm.s32 $0x0;
	s20 =	sadd.s32 s5, s31;
	s19 =	sshrl.u32 s19, $0x3  }
0x53: {  	[tilespmem:s21], [sflag:$0x1] =	stream.linear.gather [hbm4b:s20+s21], $0x3AB0, $0x38;
	[tilespmem:$0xB240] =	vst v63  }
0x54: {  	s19 =	sadd.s32 s5, s19  }
0x55: {  	[tilespmem:s14], [sflag:$0x2] =	stream.linear.gather [hbm4b:s19+s21], $0x3AB0, $0x38;
	[tilespmem:$0xB240] =	vst v63  }
0x56: {  	_ =	swait.ge [sflag:s15], $0x3AB0  }
0x57: {  	[sflag:s15] =	ssyncset.done $0x0  }
0x58: {  	[sflag:s15] =	ssyncadd.s32 $0xFFFFC550  }
0x59: {  	_ =	swait.ge [sflag:s16], $0x3AB0  }
0x5a: {  	[sflag:s16] =	ssyncset.done $0x0  }
0x5b: {  	s19 =	simm.s32 $0x0;
	[sflag:s16] =	ssyncadd.s32 $0xFFFFC550  }
0x5c: {  	v0 =	vld [tilespmem:s19+$0x0]  }
0x5d: {  	v1 =	vld [tilespmem:s19+$0x3AB0];
	_ =	sdelay $0x2  }
0x5e: {  	v2 =	vld [tilespmem:$0xB010];
	_ =	sdelay $0x1  }
0x5f: {  	s18 =	ssub.s32 $0x2710, s18;
	v0 =	vadd.f32 v1, v0  }
0x60: {  	p6 =	slt.s32 s10, s18  }
0x61: {  	v1 =	vld [tilespmem:s19+$0x10];
	v0 =	vpsel !p6, $0x0, v0  }
0x62: {  	v0 =	vadd.f32 v0, v2;
	v2 =	vld [tilespmem:s19+$0x3AC0];
	_ =	sdelay $0x1  }
0x63: {  	[tilespmem:s19+$0x7560] =	vst v0  }
0x64: {  	v0 =	vld [tilespmem:$0xB020];
	_ =	sdelay $0x1  }
0x65: {  	v1 =	vadd.f32 v2, v1;
	_ =	sdelay $0x1  }
0x66: {  	v3 =	vld [tilespmem:s19+$0x20];
	v1 =	vpsel !p6, $0x0, v1  }
0x67: {  	v2 =	vld [tilespmem:s19+$0x3AD0];
	v0 =	vadd.f32 v1, v0;
	_ =	sdelay $0x1  }
0x68: {  	[tilespmem:s19+$0x7570] =	vst v0  }
0x69: {  	v1 =	vld [tilespmem:$0xB030];
	_ =	sdelay $0x1  }
0x6a: {  	v2 =	vadd.f32 v2, v3  }
0x6b: {  	s22 =	simm.s32 $0x30  }
0x6c: {  	s20 =	smov.u32 s10;
	s21 =	simm.s32 $0x180;
	v0 =	vld [tilespmem:s22+$0x0];
	v2 =	vpsel !p6, $0x0, v2  }
.LBB2_4:
0x6d: {  	p1 =	sne.s32 s21, $0xEA00;
	v3 =	vld [tilespmem:s22+$0x3AB0];
	v1 =	vadd.f32 v2, v1;
	_ =	sdelay $0x1  }
0x6e: {  	[tilespmem:s19+$0x7580] =	vst v1;
	s19 =	smov.u32 s22  }
0x6f: {  	v1 =	vld [tilespmem:$0xB010];
	_ =	sdelay $0x1  }
0x70: {  	s20 =	sadd.s32 $0x1, s20;
	v0 =	vadd.f32 v3, v0  }
0x71: {  	p2 =	slt.s32 s20, s18  }
0x72: {  	v0 =	vpsel !p2, $0x0, v0;
	v2 =	vld [tilespmem:s19+$0x10]  }
0x73: {  	v0 =	vadd.f32 v0, v1;
	v1 =	vld [tilespmem:s19+$0x3AC0];
	_ =	sdelay $0x1  }
0x74: {  	[tilespmem:s19+$0x7560] =	vst v0  }
0x75: {  	v0 =	vld [tilespmem:$0xB020];
	_ =	sdelay $0x1  }
0x76: {  	v1 =	vadd.f32 v1, v2;
	_ =	sdelay $0x1  }
0x77: {  	v1 =	vpsel !p2, $0x0, v1;
	v2 =	vld [tilespmem:s19+$0x20]  }
0x78: {  	v0 =	vadd.f32 v1, v0;
	v3 =	vld [tilespmem:s19+$0x3AD0];
	_ =	sdelay $0x1  }
0x79: {  	[tilespmem:s19+$0x7570] =	vst v0  }
.Ltmp3:
0x7a: {  	v1 =	vld [tilespmem:$0xB030];
	(pc) =	sbr.rel @p1 .LBB2_4-.Ltmp3, $4  }
0x7b: {  	_ = 	snop  }
0x7c: {  	v2 =	vadd.f32 v3, v2  }
0x7d: {  	s22 =	sshra.s32 s21, $0x2  }
0x7e: {  	s21 =	sadd.s32 $0xC0, s21;
	v0 =	vld [tilespmem:s22+$0x0];
	v2 =	vpsel !p2, $0x0, v2  }
0x7f: {  	v3 =	vld [tilespmem:s22+$0x3AB0];
	v1 =	vadd.f32 v2, v1;
	_ =	sdelay $0x1  }
0x80: {  	[tilespmem:s19+$0x7580] =	vst v1  }
0x81: {  	v1 =	vld [tilespmem:$0xB010];
	_ =	sdelay $0x1  }
0x82: {  	s31 =	sadd.s32 $0x1, s20;
	v0 =	vadd.f32 v3, v0  }
0x83: {  	p1 =	slt.s32 s31, s18  }
0x84: {  	v60 =	vld [tilespmem:s22+$0x10];
	v0 =	vpsel !p1, $0x0, v0  }
0x85: {  	v61 =	vld [tilespmem:s22+$0x3AC0];
	v0 =	vadd.f32 v0, v1;
	_ =	sdelay $0x1  }
0x86: {  	[tilespmem:s22+$0x7560] =	vst v0  }
0x87: {  	v0 =	vld [tilespmem:$0xB020];
	_ =	sdelay $0x1  }
0x88: {  	v1 =	vadd.f32 v61, v60;
	_ =	sdelay $0x1  }
0x89: {  	v62 =	vld [tilespmem:s22+$0x20];
	v1 =	vpsel !p1, $0x0, v1  }
0x8a: {  	v63 =	vld [tilespmem:s22+$0x3AD0];
	v0 =	vadd.f32 v1, v0;
	_ =	sdelay $0x1  }
0x8b: {  	[tilespmem:s22+$0x7570] =	vst v0  }
0x8c: {  	v0 =	vld [tilespmem:$0xB030];
	_ =	sdelay $0x1  }
0x8d: {  	v1 =	vadd.f32 v63, v62  }
.Ltmp4:
0x8e: {  	_ = 	snop;
	(pc) =	sbr.rel @!p0 .LBB2_6-.Ltmp4, $3  }
0x8f: {  	v1 =	vpsel !p1, $0x0, v1  }
0x90: {  	v0 =	vadd.f32 v1, v0;
	_ =	sdelay $0x1  }
0x91: {  	s18 =	simm.s32 $0x7560;
	s19 =	simm.s32 $0x5;
	[tilespmem:s22+$0x7580] =	vst v0  }
0x92: {  	s21 =	sadd.s32 $0x0, s8;
	s20 =	simm.s32 $0x7590  }
.LBB2_10:
0x93: {  	[hbm4b:s21+s3] =	stream.linear.scatter [tilespmem:s18], [sflag:$0x3], $0x28, $0x38;
	[tilespmem:$0xB240] =	vst v63  }
0x94: {  	s21 =	smov.u32 s19;
	s18 =	smov.u32 s20;
	p1 =	sne.s32 s19, $0x5C8  }
.Ltmp5:
0x95: {  	s19 =	sadd.s32 $0x5, s19;
	(pc) =	sbr.rel @p1 .LBB2_10-.Ltmp5, $2  }
0x96: {  	_ =	sdelay $0x2  }
0x97: {  	s20 =	sadd.s32 $0x30, s20;
	s21 =	sadd.s32 s21, s8  }
.Ltmp6:
0x98: {  	(pc) =	sbr.rel .LBB2_12-.Ltmp6, $4  }
0x99: {  	[hbm4b:s21+s3] =	stream.linear.scatter [tilespmem:s18], [sflag:$0x3], $0x28, $0x38;
	[tilespmem:$0xB240] =	vst v63  }
0x9a: {  	_ =	swait.ge [sflag:s12], $0x2E68  }
0x9b: {  	[sflag:s12] =	ssyncset.done $0x0  }
0x9c: {  	[sflag:s12] =	ssyncadd.s32 $0xFFFFD198  }
.LBB2_6:
0x9d: {  	s21 =	sadd.s32 $0x0, s7;
	s20 =	simm.s32 $0x7590  }
.LBB2_7:
0x9e: {  	[hbm4b:s21+s3] =	stream.linear.scatter [tilespmem:s18], [sflag:$0x3], $0x28, $0x38;
	[tilespmem:$0xB240] =	vst v63  }
0x9f: {  	s21 =	smov.u32 s19;
	s18 =	smov.u32 s20;
	p1 =	sne.s32 s19, $0x618  }
.Ltmp7:
0xa0: {  	s19 =	sadd.s32 $0x5, s19;
	(pc) =	sbr.rel @p1 .LBB2_7-.Ltmp7, $2  }
0xa1: {  	_ =	sdelay $0x2  }
0xa2: {  	s20 =	sadd.s32 $0x30, s20;
	s21 =	sadd.s32 s21, s7  }
.Ltmp8:
0xa3: {  	_ = 	snop;
	(pc) =	sbr.rel .LBB2_8-.Ltmp8, $1  }
0xa4: {  	_ =	sdelay $0x3  }
.LBB2_13:
0xa5: {  	_ =	sfence.sel $0x180000  }
0xa6: {  	[bflag:$0x0] =	sbarrier.arrive $0xFFFF  }
0xa7: {  	p0 =	sne.s32 s1, $0x0;
	_ =	strace $0x9000004A  }
0xa8: {  	s0 =	sadd.s32 @!p0 $0x100000, s0;
	[bflag:$0x2] =	sbarrier.arrive $0xFFFF  }
0xa9: {  	[sflag:s0] =	ssyncadd.tile.s32 @!p0 $0x1;
	_ =	shalt  }
.Lfunc_end2:
_tile_overlayer_lowered:
.L_overlay_start_2:
0xaa: {  	(tag) =	ssettag $0x2  }
0xab: {  	s0 =	rddreg [dreg:$0x0];
	s2 =	stileid.u32  }
0xac: {  	s1 =	rddreg [dreg:$0x1];
	p0 =	sne.s32 s2, $0x0  }
0xad: {  	s3 =	rddreg [dreg:$0x2];
	[bflag:$0x3] =	sbarrier.arrive $0xFFFF;
	s2 =	simm.s32 @!p0 $0x1C03  }
0xae: {  	[timem:s3], [sflag:s2] =	dma.local @!p0 [hbm:s0], s1  }
0xaf: {  	s0 =	simm.s32 @!p0 $0x3  }
0xb0: {  	_ =	swait.ge @!p0 [sflag:s0], s1  }
0xb1: {  	s1 =	ssub.s32 @!p0 $0x0, s1;
	[sflag:s0] =	ssyncset.done @!p0 $0x0  }
0xb2: {  	[sflag:s0] =	ssyncadd.s32 @!p0 s1  }
0xb3: {  	[bflag:$0x3] =	sbarrier.arrive $0xFFFF  }
0xb4: {  	_ =	shalt  }

</sc_bundles>
